<compile_context>
chip_gen: v7x
topology: tpu7x:2x2x1
jax: 0.10.2.dev20260603
libtpu: 0.0.44.dev20260713+nightly
codegen_flags: <defaults>
</compile_context>

<pallas_src>
import functools

import jax
import jax.numpy as jnp
from jax import lax
from jax.experimental import pallas as pl
from jax.experimental.pallas import tpu as pltpu
from jax.experimental.pallas import tpu_sc as plsc

E = 320000
N = 10000
N_PAD = 10240
D = 128
NC = 2
NS = 16
NW = NC * NS
K = 80
NB = 4
EPT_A = E // NS
CPT_A = EPT_A // K
RPT = N_PAD // NS
EPT_C = E // NW
CPT_C = EPT_C // K
RB = 2000

_SC_PARAMS = pltpu.CompilerParams(needs_layout_passes=False)


def _phase_a(edge_attr, pk_idx, zrows, zcnt):
  mesh = plsc.VectorSubcoreMesh(core_axis_name="c", subcore_axis_name="s")

  @functools.partial(
      pl.kernel,
      out_type=[
          jax.ShapeDtypeStruct((N_PAD, D), jnp.float32),
          jax.ShapeDtypeStruct((N_PAD, D), jnp.float32),
          jax.ShapeDtypeStruct((N_PAD,), jnp.float32),
          jax.ShapeDtypeStruct((N_PAD,), jnp.float32),
      ],
      mesh=mesh,
      scratch_types=(
          [pltpu.VMEM((K,), jnp.int32) for _ in range(NB)] +
          [pltpu.VMEM((K,), jnp.int32) for _ in range(NB)] +
          [pltpu.VMEM((K, D), jnp.float32) for _ in range(NB)] +
          [
              pltpu.VMEM((K,), jnp.float32),
              pltpu.VMEM_SHARED((N_PAD, D), jnp.float32),
              pltpu.VMEM_SHARED((N_PAD,), jnp.float32),
          ] +
          [pltpu.SemaphoreType.DMA for _ in range(NB)] +
          [pltpu.SemaphoreType.DMA for _ in range(NB)]
      ),
      compiler_params=_SC_PARAMS,
  )
  def k(ea, pk, zr, zc, o_sd, o_ss, o_cd, o_cs, *bufs):
    pkb = bufs[0:NB]
    idxb = bufs[NB:2 * NB]
    rowsb = bufs[2 * NB:3 * NB]
    ones, acc, acc_c = bufs[3 * NB:3 * NB + 3]
    sem_l = bufs[3 * NB + 3:4 * NB + 3]
    sem_s = bufs[4 * NB + 3:5 * NB + 3]
    c = lax.axis_index("c")
    s = lax.axis_index("s")
    r0 = s * RPT
    pltpu.sync_copy(zr, acc.at[pl.ds(r0, RPT)])
    pltpu.sync_copy(zc, acc_c.at[pl.ds(r0, RPT)])
    for j in range(K // 16):
      ones[pl.ds(j * 16, 16)] = jnp.ones((16,), jnp.float32)
    plsc.subcore_barrier()

    eb = s * EPT_A

    def load(chunk, p):
      pltpu.async_copy(pk.at[pl.ds(eb + chunk * K, K)], pkb[p], sem_l[p])
      pltpu.async_copy(ea.at[pl.ds(eb + chunk * K, K)], rowsb[p], sem_l[p])

    def wait_load(p):
      pltpu.make_async_copy(pk.at[pl.ds(eb, K)], pkb[p], sem_l[p]).wait()
      pltpu.make_async_copy(ea.at[pl.ds(eb, K)], rowsb[p], sem_l[p]).wait()

    def unpack(p):
      for j in range(K // 16):
        v = pkb[p][pl.ds(j * 16, 16)]
        idxb[p][pl.ds(j * 16, 16)] = jnp.where(
            c == 0, lax.shift_right_logical(v, 16), v & 0xFFFF)

    def scatter(p):
      pltpu.async_copy(rowsb[p], acc.at[idxb[p]], sem_s[p], add=True)
      pltpu.async_copy(ones, acc_c.at[idxb[p]], sem_s[p], add=True)

    def wait_scatter(p):
      pltpu.make_async_copy(rowsb[p], acc.at[idxb[p]], sem_s[p]).wait()
      pltpu.make_async_copy(ones, acc_c.at[idxb[p]], sem_s[p]).wait()

    for p in range(NB):
      load(p, p)

    nq = CPT_A // NB
    tail = CPT_A - NB * nq

    def quad(i4, carry):
      q = NB * i4
      for p in range(NB):
        wait_load(p)
        unpack(p)
        scatter(p)
      for p in range(NB):
        wait_scatter(p)

        @pl.when(q + NB + p < CPT_A)
        def _():
          load(q + NB + p, p)

      return carry

    lax.fori_loop(0, nq, quad, 0)
    for p in range(tail):
      wait_load(p)
      unpack(p)
      scatter(p)
    for p in range(tail):
      wait_scatter(p)
    plsc.subcore_barrier()

    @pl.when(c == 0)
    def _():
      pltpu.sync_copy(acc.at[pl.ds(r0, RPT)], o_sd.at[pl.ds(r0, RPT)])
      pltpu.sync_copy(acc_c.at[pl.ds(r0, RPT)], o_cd.at[pl.ds(r0, RPT)])

    @pl.when(c == 1)
    def _():
      pltpu.sync_copy(acc.at[pl.ds(r0, RPT)], o_ss.at[pl.ds(r0, RPT)])
      pltpu.sync_copy(acc_c.at[pl.ds(r0, RPT)], o_cs.at[pl.ds(r0, RPT)])

  return k(edge_attr, pk_idx, zrows, zcnt)


def _dense_body(sd, ss, cd, cs, w0, b0r, w1, b1r, w2, b2r, o_na, o_a, o_c):
  cdv = cd[...]
  csv = cs[...]
  nd = jnp.where(cdv > 0, sd[...] / jnp.maximum(cdv, 1.0), 0.0)
  ns_ = jnp.where(csv > 0, ss[...] / jnp.maximum(csv, 1.0), 0.0)
  w0v = w0[...]
  dn = (((1,), (1,)), ((), ()))
  x = lax.dot_general(nd, w0v[:, :D], dn, preferred_element_type=jnp.float32)
  x = x + lax.dot_general(ns_, w0v[:, D:], dn,
                          preferred_element_type=jnp.float32)
  x = jnp.maximum(x + b0r[...], 0.0)
  w1v = w1[...]
  y = lax.dot_general(x, w1v[:, :D], dn, preferred_element_type=jnp.float32)
  y = y + lax.dot_general(ns_, w1v[:, D:], dn,
                          preferred_element_type=jnp.float32)
  y = jnp.maximum(y + b1r[...], 0.0)
  o_na[...] = y
  w2v = w2[...]
  o_a[...] = jnp.sum(y * w2v[:, :D], axis=1, keepdims=True) + b2r[0, 0]
  o_c[...] = jnp.sum(y * w2v[:, D:], axis=1, keepdims=True)


def _phase_b(sums_dst, sums_src, cnt_dst, cnt_src, W0, b0, W1, b1, W2, b2):
  grid = (N // RB,)
  full = lambda shape: pl.BlockSpec(shape, lambda i: (0,) * len(shape))
  return pl.pallas_call(
      _dense_body,
      grid=grid,
      in_specs=[
          pl.BlockSpec((RB, D), lambda i: (i, 0)),
          pl.BlockSpec((RB, D), lambda i: (i, 0)),
          pl.BlockSpec((RB, 1), lambda i: (i, 0)),
          pl.BlockSpec((RB, 1), lambda i: (i, 0)),
          full((D, 2 * D)),
          full((1, D)),
          full((D, 2 * D)),
          full((1, D)),
          full((1, 2 * D)),
          full((1, 1)),
      ],
      out_specs=[
          pl.BlockSpec((RB, D), lambda i: (i, 0)),
          pl.BlockSpec((RB, 1), lambda i: (i, 0)),
          pl.BlockSpec((RB, 1), lambda i: (i, 0)),
      ],
      out_shape=[
          jax.ShapeDtypeStruct((N, D), jnp.float32),
          jax.ShapeDtypeStruct((N, 1), jnp.float32),
          jax.ShapeDtypeStruct((N, 1), jnp.float32),
      ],
  )(sums_dst, sums_src, cnt_dst, cnt_src, W0, b0, W1, b1, W2, b2)


def _phase_c(na2, a_vec, c_vec, pk_idx):
  mesh = plsc.VectorSubcoreMesh(core_axis_name="c", subcore_axis_name="s")

  @functools.partial(
      pl.kernel,
      out_type=[
          jax.ShapeDtypeStruct((E, 2 * D), jnp.float32),
          jax.ShapeDtypeStruct((E,), jnp.float32),
      ],
      mesh=mesh,
      scratch_types=(
          [pltpu.VMEM((K,), jnp.int32) for _ in range(NB)] +
          [pltpu.VMEM((K,), jnp.int32) for _ in range(NB)] +
          [pltpu.VMEM((K,), jnp.int32) for _ in range(NB)] +
          [pltpu.VMEM((K, D), jnp.float32) for _ in range(NB)] +
          [pltpu.VMEM((K, D), jnp.float32) for _ in range(NB)] +
          [pltpu.VMEM((K,), jnp.float32) for _ in range(NB)] +
          [
              pltpu.VMEM((N,), jnp.float32),
              pltpu.VMEM((N,), jnp.float32),
          ] +
          [pltpu.SemaphoreType.DMA for _ in range(NB)] +
          [pltpu.SemaphoreType.DMA for _ in range(NB)] +
          [pltpu.SemaphoreType.DMA for _ in range(NB)]
      ),
      compiler_params=_SC_PARAMS,
  )
  def k(nat, av, cv, pk, o_ee, o_lg, *bufs):
    pkb = bufs[0:NB]
    idxsb = bufs[NB:2 * NB]
    idxdb = bufs[2 * NB:3 * NB]
    rsb = bufs[3 * NB:4 * NB]
    rdb = bufs[4 * NB:5 * NB]
    lgb = bufs[5 * NB:6 * NB]
    at, ct = bufs[6 * NB:6 * NB + 2]
    sem_i = bufs[6 * NB + 2:7 * NB + 2]
    sem_g = bufs[7 * NB + 2:8 * NB + 2]
    sem_w = bufs[8 * NB + 2:9 * NB + 2]
    c = lax.axis_index("c")
    s = lax.axis_index("s")
    wid = s * NC + c
    pltpu.sync_copy(av, at)
    pltpu.sync_copy(cv, ct)
    eb = wid * EPT_C

    def iload(chunk, p):
      pltpu.async_copy(pk.at[pl.ds(eb + chunk * K, K)], pkb[p], sem_i[p])

    def wait_iload(p):
      pltpu.make_async_copy(pk.at[pl.ds(eb, K)], pkb[p], sem_i[p]).wait()

    def unpack(p):
      for j in range(K // 16):
        v = pkb[p][pl.ds(j * 16, 16)]
        idxsb[p][pl.ds(j * 16, 16)] = v & 0xFFFF
        idxdb[p][pl.ds(j * 16, 16)] = lax.shift_right_logical(v, 16)

    def gathers(p):
      pltpu.async_copy(nat.at[idxsb[p]], rsb[p], sem_g[p])
      pltpu.async_copy(nat.at[idxdb[p]], rdb[p], sem_g[p])

    def wait_gathers(p):
      pltpu.make_async_copy(nat.at[idxsb[p]], rsb[p], sem_g[p]).wait()
      pltpu.make_async_copy(nat.at[idxdb[p]], rdb[p], sem_g[p]).wait()

    def logits(p):
      for j in range(K // 16):
        ivs = idxsb[p][pl.ds(j * 16, 16)]
        ivd = idxdb[p][pl.ds(j * 16, 16)]
        lgb[p][pl.ds(j * 16, 16)] = (plsc.load_gather(at, [ivs]) +
                                     plsc.load_gather(ct, [ivd]))

    def writes(chunk, p):
      base = eb + chunk * K
      pltpu.async_copy(rsb[p], o_ee.at[pl.ds(base, K), pl.ds(0, D)], sem_w[p])
      pltpu.async_copy(rdb[p], o_ee.at[pl.ds(base, K), pl.ds(D, D)], sem_w[p])
      pltpu.async_copy(lgb[p], o_lg.at[pl.ds(base, K)], sem_w[p])

    def wait_writes(p):
      pltpu.make_async_copy(
          rsb[p], o_ee.at[pl.ds(0, K), pl.ds(0, D)], sem_w[p]).wait()
      pltpu.make_async_copy(
          rdb[p], o_ee.at[pl.ds(0, K), pl.ds(D, D)], sem_w[p]).wait()
      pltpu.make_async_copy(lgb[p], o_lg.at[pl.ds(0, K)], sem_w[p]).wait()

    for p in range(NB):
      iload(p, p)

    nq = CPT_C // NB
    tail = CPT_C - NB * nq

    def quad(i4, carry):
      q = NB * i4
      for p in range(NB):
        @pl.when(i4 > 0)
        def _():
          wait_writes(p)

        wait_iload(p)
        unpack(p)

        @pl.when(q + NB + p < CPT_C)
        def _():
          iload(q + NB + p, p)

        gathers(p)
      for p in range(NB):
        logits(p)
        wait_gathers(p)
        writes(q + p, p)
      return carry

    lax.fori_loop(0, nq, quad, 0)
    for p in range(tail):
      wait_writes(p)
      wait_iload(p)
      unpack(p)
      gathers(p)
      logits(p)
      wait_gathers(p)
      writes(NB * nq + p, p)
    for p in range(tail, NB):
      wait_writes(p)
    for p in range(tail):
      wait_writes(p)

  return k(na2, a_vec, c_vec, pk_idx)


def kernel(edge_attr, edge_index, W0, b0, W1, b1, W2, b2):
  src_idx = edge_index[0].astype(jnp.int32)
  dst_idx = edge_index[1].astype(jnp.int32)
  pk_idx = src_idx | (dst_idx << 16)
  zrows = jnp.zeros((RPT, D), jnp.float32)
  zcnt = jnp.zeros((RPT,), jnp.float32)
  sums_dst, sums_src, cnt_dst, cnt_src = _phase_a(
      edge_attr, pk_idx, zrows, zcnt)
  na2, a_col, c_col = _phase_b(
      sums_dst, sums_src,
      cnt_dst.reshape(N_PAD, 1), cnt_src.reshape(N_PAD, 1),
      W0, b0.reshape(1, D), W1, b1.reshape(1, D),
      W2, b2.reshape(1, 1))
  edge_embs, logits = _phase_c(
      na2, a_col.reshape(N), c_col.reshape(N), pk_idx)
  return (logits, edge_embs, na2)

# --- scband reference (transcript-rebuilt; emitter-appended) ---
"""Pipeline reference for scband-egraph-sage-47880295416396 (READ-ONLY COPY).

The authoritative reference and input builder live on the scoring server;
editing this copy changes nothing except your own understanding.
"""

import jax, jax.numpy as jnp
import numpy as np

E = 320000
N_MAX = 10000
D = 128

def scatter_mean(vals, idx, num_segments):
    sums = jax.ops.segment_sum(vals, idx, num_segments=num_segments)
    cnt = jax.ops.segment_sum(jnp.ones((vals.shape[0],), vals.dtype), idx, num_segments=num_segments)
    cnt = cnt[:, None]
    return jnp.where(cnt > 0, sums / jnp.maximum(cnt, 1.0), 0.0)

def setup_inputs(seed: int = 0) -> dict:
    key = jax.random.key(seed)
    k1, k2, k3, k4, k5, k6, k7, k8 = jax.random.split(key, 8)
    edge_attr = jax.random.normal(k1, (E, D), dtype=jnp.float32)
    edge_index = jax.random.randint(k2, (2, E), 0, N_MAX, dtype=jnp.int64)
    # EdgeSAGELayer 0: Linear(in=128+128=256, out=128)
    W0 = jax.random.normal(k3, (128, 256), dtype=jnp.float32) * 0.05
    b0 = jnp.zeros((128,), dtype=jnp.float32)
    # EdgeSAGELayer 1: Linear(in=128+128=256, out=128)
    W1 = jax.random.normal(k4, (128, 256), dtype=jnp.float32) * 0.05
    b1 = jnp.zeros((128,), dtype=jnp.float32)
    # Final Linear(256 -> 1)
    W2 = jax.random.normal(k5, (1, 256), dtype=jnp.float32) * 0.05
    b2 = jnp.zeros((1,), dtype=jnp.float32)
    return {"edge_attr": edge_attr, "edge_index": edge_index, "W0": W0, "b0": b0, "W1": W1, "b1": b1, "W2": W2, "b2": b2}

def reference(edge_attr, edge_index, W0, b0, W1, b1, W2, b2):
    num_nodes = N_MAX
    # node_attr init: scatter_mean of edge_attr over dst (edge_index[1])
    node_attr = scatter_mean(edge_attr, edge_index[1], num_nodes)
    # EdgeSAGELayer 0: aggregate edge_attr over edge_index[0]
    agg0 = scatter_mean(edge_attr, edge_index[0], num_nodes)
    h0 = jnp.concatenate([node_attr, agg0], axis=1)
    node_attr = jax.nn.relu(h0 @ W0.T + b0)
    # EdgeSAGELayer 1 (edge_attr unchanged between layers)
    agg1 = scatter_mean(edge_attr, edge_index[0], num_nodes)
    h1 = jnp.concatenate([node_attr, agg1], axis=1)
    node_attr = jax.nn.relu(h1 @ W1.T + b1)
    # Final edge classification layer
    src = edge_index[0]
    dst = edge_index[1]
    edge_embs = jnp.concatenate([node_attr[src], node_attr[dst]], axis=1)
    logits = (edge_embs @ W2.T + b2).reshape(-1)
    return (logits, edge_embs, node_attr)

if __name__ == "__main__":
    import jax
    _d = setup_inputs()
    print(jax.jit(kernel)(*tuple(_d.values())))

</pallas_src>

<mosaic_0001>
#map = affine_map<(d0, d1) -> (0, 0)>
#map1 = affine_map<(d0, d1) -> (0)>
module attributes {stable_mosaic.version = 14 : i64} {
  func.func @k(%arg0: i32, %arg1: i32, %arg2: memref<10000x128xf32, #tpu.memory_space<hbm>>, %arg3: memref<10000xf32, #tpu.memory_space<hbm>>, %arg4: memref<10000xf32, #tpu.memory_space<hbm>>, %arg5: memref<320000xi32, #tpu.memory_space<hbm>>, %arg6: memref<320000x256xf32, #tpu.memory_space<hbm>>, %arg7: memref<320000xf32, #tpu.memory_space<hbm>>, %arg8: memref<80xi32, #tpu.memory_space<vmem>>, %arg9: memref<80xi32, #tpu.memory_space<vmem>>, %arg10: memref<80xi32, #tpu.memory_space<vmem>>, %arg11: memref<80xi32, #tpu.memory_space<vmem>>, %arg12: memref<80xi32, #tpu.memory_space<vmem>>, %arg13: memref<80xi32, #tpu.memory_space<vmem>>, %arg14: memref<80xi32, #tpu.memory_space<vmem>>, %arg15: memref<80xi32, #tpu.memory_space<vmem>>, %arg16: memref<80xi32, #tpu.memory_space<vmem>>, %arg17: memref<80xi32, #tpu.memory_space<vmem>>, %arg18: memref<80xi32, #tpu.memory_space<vmem>>, %arg19: memref<80xi32, #tpu.memory_space<vmem>>, %arg20: memref<80x128xf32, #tpu.memory_space<vmem>>, %arg21: memref<80x128xf32, #tpu.memory_space<vmem>>, %arg22: memref<80x128xf32, #tpu.memory_space<vmem>>, %arg23: memref<80x128xf32, #tpu.memory_space<vmem>>, %arg24: memref<80x128xf32, #tpu.memory_space<vmem>>, %arg25: memref<80x128xf32, #tpu.memory_space<vmem>>, %arg26: memref<80x128xf32, #tpu.memory_space<vmem>>, %arg27: memref<80x128xf32, #tpu.memory_space<vmem>>, %arg28: memref<80xf32, #tpu.memory_space<vmem>>, %arg29: memref<80xf32, #tpu.memory_space<vmem>>, %arg30: memref<80xf32, #tpu.memory_space<vmem>>, %arg31: memref<80xf32, #tpu.memory_space<vmem>>, %arg32: memref<10000xf32, #tpu.memory_space<vmem>>, %arg33: memref<10000xf32, #tpu.memory_space<vmem>>, %arg34: memref<!tpu.dma_semaphore, #tpu.memory_space<semaphore_mem>>, %arg35: memref<!tpu.dma_semaphore, #tpu.memory_space<semaphore_mem>>, %arg36: memref<!tpu.dma_semaphore, #tpu.memory_space<semaphore_mem>>, %arg37: memref<!tpu.dma_semaphore, #tpu.memory_space<semaphore_mem>>, %arg38: memref<!tpu.dma_semaphore, #tpu.memory_space<semaphore_mem>>, %arg39: memref<!tpu.dma_semaphore, #tpu.memory_space<semaphore_mem>>, %arg40: memref<!tpu.dma_semaphore, #tpu.memory_space<semaphore_mem>>, %arg41: memref<!tpu.dma_semaphore, #tpu.memory_space<semaphore_mem>>, %arg42: memref<!tpu.dma_semaphore, #tpu.memory_space<semaphore_mem>>, %arg43: memref<!tpu.dma_semaphore, #tpu.memory_space<semaphore_mem>>, %arg44: memref<!tpu.dma_semaphore, #tpu.memory_space<semaphore_mem>>, %arg45: memref<!tpu.dma_semaphore, #tpu.memory_space<semaphore_mem>>) attributes {dimension_semantics = [#tpu.dimension_semantics<core_parallel>, #tpu.dimension_semantics<subcore_parallel>], iteration_bounds = array<i64: 2, 16>, scalar_prefetch = 0 : i64, scratch_operands = 38 : i64, tpu.core_type = #tpu.core_type<sc_vector_subcore>, window_params = [{transform_indices = #map}, {transform_indices = #map1}, {transform_indices = #map1}, {transform_indices = #map1}, {transform_indices = #map}, {transform_indices = #map1}]} {
    %mul3A = arith.constant 2 : i32
    %mul3A_0 = arith.muli %arg1, %mul3A : i32
    %add3A = arith.addi %mul3A_0, %arg0 : i32
    "tpu.region"() ({
      %run_scoped3A = tpu.sem_alloc : memref<!tpu.dma_semaphore, #tpu.memory_space<semaphore_mem>>
      tpu.enqueue_dma source(%arg3 : memref<10000xf32, #tpu.memory_space<hbm>>) target(%arg32 : memref<10000xf32, #tpu.memory_space<vmem>>) target_semaphore(%run_scoped3A : memref<!tpu.dma_semaphore, #tpu.memory_space<semaphore_mem>>)
      tpu.wait_dma2 semaphore(%run_scoped3A : memref<!tpu.dma_semaphore, #tpu.memory_space<semaphore_mem>>) src(%arg3 : memref<10000xf32, #tpu.memory_space<hbm>>) dst(%arg32 : memref<10000xf32, #tpu.memory_space<vmem>>)
      tpu.yield
    }) : () -> ()
    "tpu.region"() ({
      %run_scoped3A = tpu.sem_alloc : memref<!tpu.dma_semaphore, #tpu.memory_space<semaphore_mem>>
      tpu.enqueue_dma source(%arg4 : memref<10000xf32, #tpu.memory_space<hbm>>) target(%arg33 : memref<10000xf32, #tpu.memory_space<vmem>>) target_semaphore(%run_scoped3A : memref<!tpu.dma_semaphore, #tpu.memory_space<semaphore_mem>>)
      tpu.wait_dma2 semaphore(%run_scoped3A : memref<!tpu.dma_semaphore, #tpu.memory_space<semaphore_mem>>) src(%arg4 : memref<10000xf32, #tpu.memory_space<hbm>>) dst(%arg33 : memref<10000xf32, #tpu.memory_space<vmem>>)
      tpu.yield
    }) : () -> ()
    %mul3A_1 = arith.constant 10000 : i32
    %mul3A_2 = arith.muli %add3A, %mul3A_1 : i32
    %add3A_3 = arith.constant 0 : i32
    %add3A_4 = arith.addi %mul3A_2, %add3A_3 : i32
    %dma_start3A = tpu.memref_slice %arg5[%add3A_4] : memref<320000xi32, #tpu.memory_space<hbm>> -> memref<80xi32, #tpu.memory_space<hbm>>
    %dma_start3A_5 = tpu.memref_slice %arg5[%add3A_4] : memref<320000xi32, #tpu.memory_space<hbm>> -> memref<80xi32, #tpu.memory_space<hbm>>
    tpu.enqueue_dma source(%dma_start3A_5 : memref<80xi32, #tpu.memory_space<hbm>>) target(%arg8 : memref<80xi32, #tpu.memory_space<vmem>>) target_semaphore(%arg34 : memref<!tpu.dma_semaphore, #tpu.memory_space<semaphore_mem>>)
    %add3A_6 = arith.constant 80 : i32
    %add3A_7 = arith.addi %mul3A_2, %add3A_6 : i32
    %dma_start3A_8 = tpu.memref_slice %arg5[%add3A_7] : memref<320000xi32, #tpu.memory_space<hbm>> -> memref<80xi32, #tpu.memory_space<hbm>>
    %dma_start3A_9 = tpu.memref_slice %arg5[%add3A_7] : memref<320000xi32, #tpu.memory_space<hbm>> -> memref<80xi32, #tpu.memory_space<hbm>>
    tpu.enqueue_dma source(%dma_start3A_9 : memref<80xi32, #tpu.memory_space<hbm>>) target(%arg9 : memref<80xi32, #tpu.memory_space<vmem>>) target_semaphore(%arg35 : memref<!tpu.dma_semaphore, #tpu.memory_space<semaphore_mem>>)
    %add3A_10 = arith.constant 160 : i32
    %add3A_11 = arith.addi %mul3A_2, %add3A_10 : i32
    %dma_start3A_12 = tpu.memref_slice %arg5[%add3A_11] : memref<320000xi32, #tpu.memory_space<hbm>> -> memref<80xi32, #tpu.memory_space<hbm>>
    %dma_start3A_13 = tpu.memref_slice %arg5[%add3A_11] : memref<320000xi32, #tpu.memory_space<hbm>> -> memref<80xi32, #tpu.memory_space<hbm>>
    tpu.enqueue_dma source(%dma_start3A_13 : memref<80xi32, #tpu.memory_space<hbm>>) target(%arg10 : memref<80xi32, #tpu.memory_space<vmem>>) target_semaphore(%arg36 : memref<!tpu.dma_semaphore, #tpu.memory_space<semaphore_mem>>)
    %add3A_14 = arith.constant 240 : i32
    %add3A_15 = arith.addi %mul3A_2, %add3A_14 : i32
    %dma_start3A_16 = tpu.memref_slice %arg5[%add3A_15] : memref<320000xi32, #tpu.memory_space<hbm>> -> memref<80xi32, #tpu.memory_space<hbm>>
    %dma_start3A_17 = tpu.memref_slice %arg5[%add3A_15] : memref<320000xi32, #tpu.memory_space<hbm>> -> memref<80xi32, #tpu.memory_space<hbm>>
    tpu.enqueue_dma source(%dma_start3A_17 : memref<80xi32, #tpu.memory_space<hbm>>) target(%arg11 : memref<80xi32, #tpu.memory_space<vmem>>) target_semaphore(%arg37 : memref<!tpu.dma_semaphore, #tpu.memory_space<semaphore_mem>>)
    %scan3A = arith.constant 0 : i32
    %scan3A_18 = arith.constant 0 : i32
    %scan3A_19 = arith.constant 31 : i32
    %scan3A_20 = arith.addi %scan3A_18, %scan3A_19 : i32
    %scan3A_21 = arith.constant 1 : i32
    scf.for %scan3A_228 = %scan3A_18 to %scan3A_20 step %scan3A_21  : i32 {
      %mul3A_229 = arith.constant 4 : i32
      %mul3A_230 = arith.muli %mul3A_229, %scan3A_228 : i32
      %gt3A = arith.constant 0 : i32
      %gt3A_231 = arith.cmpi sgt, %scan3A_228, %gt3A : i32
      %convert_element_type3A = arith.extui %gt3A_231 : i1 to i32
      %cond3A = arith.constant 0 : i32
      %cond3A_232 = arith.cmpi ne, %convert_element_type3A, %cond3A : i32
      scf.if %cond3A_232 {
        %dma_wait3A_819 = arith.constant 0 : i32
        %dma_wait3A_820 = arith.constant 0 : i32
        %dma_wait3A_821 = tpu.memref_slice %arg6[%dma_wait3A_819, %dma_wait3A_820] : memref<320000x256xf32, #tpu.memory_space<hbm>> -> memref<80x128xf32, #tpu.memory_space<hbm>>
        %dma_wait3A_822 = arith.constant 0 : i32
        %dma_wait3A_823 = arith.constant 0 : i32
        %dma_wait3A_824 = tpu.memref_slice %arg6[%dma_wait3A_822, %dma_wait3A_823] : memref<320000x256xf32, #tpu.memory_space<hbm>> -> memref<80x128xf32, #tpu.memory_space<hbm>>
        tpu.wait_dma2 semaphore(%arg42 : memref<!tpu.dma_semaphore, #tpu.memory_space<semaphore_mem>>) src(%arg20 : memref<80x128xf32, #tpu.memory_space<vmem>>) dst(%dma_wait3A_824 : memref<80x128xf32, #tpu.memory_space<hbm>>)
        %dma_wait3A_825 = arith.constant 0 : i32
        %dma_wait3A_826 = arith.constant 128 : i32
        %dma_wait3A_827 = tpu.memref_slice %arg6[%dma_wait3A_825, %dma_wait3A_826] : memref<320000x256xf32, #tpu.memory_space<hbm>> -> memref<80x128xf32, #tpu.memory_space<hbm>>
        %dma_wait3A_828 = arith.constant 0 : i32
        %dma_wait3A_829 = arith.constant 128 : i32
        %dma_wait3A_830 = tpu.memref_slice %arg6[%dma_wait3A_828, %dma_wait3A_829] : memref<320000x256xf32, #tpu.memory_space<hbm>> -> memref<80x128xf32, #tpu.memory_space<hbm>>
        tpu.wait_dma2 semaphore(%arg42 : memref<!tpu.dma_semaphore, #tpu.memory_space<semaphore_mem>>) src(%arg24 : memref<80x128xf32, #tpu.memory_space<vmem>>) dst(%dma_wait3A_830 : memref<80x128xf32, #tpu.memory_space<hbm>>)
        %dma_wait3A_831 = arith.constant 0 : i32
        %dma_wait3A_832 = tpu.memref_slice %arg7[%dma_wait3A_831] : memref<320000xf32, #tpu.memory_space<hbm>> -> memref<80xf32, #tpu.memory_space<hbm>>
        %dma_wait3A_833 = arith.constant 0 : i32
        %dma_wait3A_834 = tpu.memref_slice %arg7[%dma_wait3A_833] : memref<320000xf32, #tpu.memory_space<hbm>> -> memref<80xf32, #tpu.memory_space<hbm>>
        tpu.wait_dma2 semaphore(%arg42 : memref<!tpu.dma_semaphore, #tpu.memory_space<semaphore_mem>>) src(%arg28 : memref<80xf32, #tpu.memory_space<vmem>>) dst(%dma_wait3A_834 : memref<80xf32, #tpu.memory_space<hbm>>)
      } else {
      }
      %dma_wait3A_233 = tpu.memref_slice %arg5[%mul3A_2] : memref<320000xi32, #tpu.memory_space<hbm>> -> memref<80xi32, #tpu.memory_space<hbm>>
      %dma_wait3A_234 = tpu.memref_slice %arg5[%mul3A_2] : memref<320000xi32, #tpu.memory_space<hbm>> -> memref<80xi32, #tpu.memory_space<hbm>>
      tpu.wait_dma2 semaphore(%arg34 : memref<!tpu.dma_semaphore, #tpu.memory_space<semaphore_mem>>) src(%dma_wait3A_234 : memref<80xi32, #tpu.memory_space<hbm>>) dst(%arg8 : memref<80xi32, #tpu.memory_space<vmem>>)
      %get3A_235 = arith.constant 0 : index
      %get3A_236 = tpu.vector_load %arg8[%get3A_235] {strides = array<i32>} : memref<80xi32, #tpu.memory_space<vmem>>, vector<16xi32>,
      %and3A_237 = arith.constant 65535 : i32
      %and3A_238 = vector.broadcast %and3A_237 : i32 to vector<16xi32>
      %and3A_239 = arith.andi %get3A_236, %and3A_238 : vector<16xi32>
      %swap3A_240 = arith.constant 0 : index
      %swap3A_241 = tpu.vector_load %arg12[%swap3A_240] {strides = array<i32>} : memref<80xi32, #tpu.memory_space<vmem>>, vector<16xi32>,
      tpu.vector_store %arg12[%swap3A_240], %and3A_239 {strides = array<i32>} : memref<80xi32, #tpu.memory_space<vmem>>, vector<16xi32>,
      %shift_right_logical3A_242 = arith.constant 16 : i32
      %shift_right_logical3A_243 = vector.broadcast %shift_right_logical3A_242 : i32 to vector<16xi32>
      %shift_right_logical3A_244 = arith.shrui %get3A_236, %shift_right_logical3A_243 : vector<16xi32>
      %swap3A_245 = arith.constant 0 : index
      %swap3A_246 = tpu.vector_load %arg16[%swap3A_245] {strides = array<i32>} : memref<80xi32, #tpu.memory_space<vmem>>, vector<16xi32>,
      tpu.vector_store %arg16[%swap3A_245], %shift_right_logical3A_244 {strides = array<i32>} : memref<80xi32, #tpu.memory_space<vmem>>, vector<16xi32>,
      %get3A_247 = arith.constant 16 : index
      %get3A_248 = tpu.vector_load %arg8[%get3A_247] {strides = array<i32>} : memref<80xi32, #tpu.memory_space<vmem>>, vector<16xi32>,
      %and3A_249 = arith.constant 65535 : i32
      %and3A_250 = vector.broadcast %and3A_249 : i32 to vector<16xi32>
      %and3A_251 = arith.andi %get3A_248, %and3A_250 : vector<16xi32>
      %swap3A_252 = arith.constant 16 : index
      %swap3A_253 = tpu.vector_load %arg12[%swap3A_252] {strides = array<i32>} : memref<80xi32, #tpu.memory_space<vmem>>, vector<16xi32>,
      tpu.vector_store %arg12[%swap3A_252], %and3A_251 {strides = array<i32>} : memref<80xi32, #tpu.memory_space<vmem>>, vector<16xi32>,
      %shift_right_logical3A_254 = arith.constant 16 : i32
      %shift_right_logical3A_255 = vector.broadcast %shift_right_logical3A_254 : i32 to vector<16xi32>
      %shift_right_logical3A_256 = arith.shrui %get3A_248, %shift_right_logical3A_255 : vector<16xi32>
      %swap3A_257 = arith.constant 16 : index
      %swap3A_258 = tpu.vector_load %arg16[%swap3A_257] {strides = array<i32>} : memref<80xi32, #tpu.memory_space<vmem>>, vector<16xi32>,
      tpu.vector_store %arg16[%swap3A_257], %shift_right_logical3A_256 {strides = array<i32>} : memref<80xi32, #tpu.memory_space<vmem>>, vector<16xi32>,
      %get3A_259 = arith.constant 32 : index
      %get3A_260 = tpu.vector_load %arg8[%get3A_259] {strides = array<i32>} : memref<80xi32, #tpu.memory_space<vmem>>, vector<16xi32>,
      %and3A_261 = arith.constant 65535 : i32
      %and3A_262 = vector.broadcast %and3A_261 : i32 to vector<16xi32>
      %and3A_263 = arith.andi %get3A_260, %and3A_262 : vector<16xi32>
      %swap3A_264 = arith.constant 32 : index
      %swap3A_265 = tpu.vector_load %arg12[%swap3A_264] {strides = array<i32>} : memref<80xi32, #tpu.memory_space<vmem>>, vector<16xi32>,
      tpu.vector_store %arg12[%swap3A_264], %and3A_263 {strides = array<i32>} : memref<80xi32, #tpu.memory_space<vmem>>, vector<16xi32>,
      %shift_right_logical3A_266 = arith.constant 16 : i32
      %shift_right_logical3A_267 = vector.broadcast %shift_right_logical3A_266 : i32 to vector<16xi32>
      %shift_right_logical3A_268 = arith.shrui %get3A_260, %shift_right_logical3A_267 : vector<16xi32>
      %swap3A_269 = arith.constant 32 : index
      %swap3A_270 = tpu.vector_load %arg16[%swap3A_269] {strides = array<i32>} : memref<80xi32, #tpu.memory_space<vmem>>, vector<16xi32>,
      tpu.vector_store %arg16[%swap3A_269], %shift_right_logical3A_268 {strides = array<i32>} : memref<80xi32, #tpu.memory_space<vmem>>, vector<16xi32>,
      %get3A_271 = arith.constant 48 : index
      %get3A_272 = tpu.vector_load %arg8[%get3A_271] {strides = array<i32>} : memref<80xi32, #tpu.memory_space<vmem>>, vector<16xi32>,
      %and3A_273 = arith.constant 65535 : i32
      %and3A_274 = vector.broadcast %and3A_273 : i32 to vector<16xi32>
      %and3A_275 = arith.andi %get3A_272, %and3A_274 : vector<16xi32>
      %swap3A_276 = arith.constant 48 : index
      %swap3A_277 = tpu.vector_load %arg12[%swap3A_276] {strides = array<i32>} : memref<80xi32, #tpu.memory_space<vmem>>, vector<16xi32>,
      tpu.vector_store %arg12[%swap3A_276], %and3A_275 {strides = array<i32>} : memref<80xi32, #tpu.memory_space<vmem>>, vector<16xi32>,
      %shift_right_logical3A_278 = arith.constant 16 : i32
      %shift_right_logical3A_279 = vector.broadcast %shift_right_logical3A_278 : i32 to vector<16xi32>
      %shift_right_logical3A_280 = arith.shrui %get3A_272, %shift_right_logical3A_279 : vector<16xi32>
      %swap3A_281 = arith.constant 48 : index
      %swap3A_282 = tpu.vector_load %arg16[%swap3A_281] {strides = array<i32>} : memref<80xi32, #tpu.memory_space<vmem>>, vector<16xi32>,
      tpu.vector_store %arg16[%swap3A_281], %shift_right_logical3A_280 {strides = array<i32>} : memref<80xi32, #tpu.memory_space<vmem>>, vector<16xi32>,
      %get3A_283 = arith.constant 64 : index
      %get3A_284 = tpu.vector_load %arg8[%get3A_283] {strides = array<i32>} : memref<80xi32, #tpu.memory_space<vmem>>, vector<16xi32>,
      %and3A_285 = arith.constant 65535 : i32
      %and3A_286 = vector.broadcast %and3A_285 : i32 to vector<16xi32>
      %and3A_287 = arith.andi %get3A_284, %and3A_286 : vector<16xi32>
      %swap3A_288 = arith.constant 64 : index
      %swap3A_289 = tpu.vector_load %arg12[%swap3A_288] {strides = array<i32>} : memref<80xi32, #tpu.memory_space<vmem>>, vector<16xi32>,
      tpu.vector_store %arg12[%swap3A_288], %and3A_287 {strides = array<i32>} : memref<80xi32, #tpu.memory_space<vmem>>, vector<16xi32>,
      %shift_right_logical3A_290 = arith.constant 16 : i32
      %shift_right_logical3A_291 = vector.broadcast %shift_right_logical3A_290 : i32 to vector<16xi32>
      %shift_right_logical3A_292 = arith.shrui %get3A_284, %shift_right_logical3A_291 : vector<16xi32>
      %swap3A_293 = arith.constant 64 : index
      %swap3A_294 = tpu.vector_load %arg16[%swap3A_293] {strides = array<i32>} : memref<80xi32, #tpu.memory_space<vmem>>, vector<16xi32>,
      tpu.vector_store %arg16[%swap3A_293], %shift_right_logical3A_292 {strides = array<i32>} : memref<80xi32, #tpu.memory_space<vmem>>, vector<16xi32>,
      %add3A_295 = arith.constant 4 : i32
      %add3A_296 = arith.addi %mul3A_230, %add3A_295 : i32
      %add3A_297 = arith.constant 0 : i32
      %add3A_298 = arith.addi %add3A_296, %add3A_297 : i32
      %lt3A = arith.constant 125 : i32
      %lt3A_299 = arith.cmpi slt, %add3A_298, %lt3A : i32
      %convert_element_type3A_300 = arith.extui %lt3A_299 : i1 to i32
      %cond3A_301 = arith.constant 0 : i32
      %cond3A_302 = arith.cmpi ne, %convert_element_type3A_300, %cond3A_301 : i32
      scf.if %cond3A_302 {
        %add3A_819 = arith.constant 4 : i32
        %add3A_820 = arith.addi %mul3A_230, %add3A_819 : i32
        %add3A_821 = arith.constant 0 : i32
        %add3A_822 = arith.addi %add3A_820, %add3A_821 : i32
        %mul3A_823 = arith.constant 80 : i32
        %mul3A_824 = arith.muli %add3A_822, %mul3A_823 : i32
        %add3A_825 = arith.addi %mul3A_2, %mul3A_824 : i32
        %dma_start3A_826 = tpu.memref_slice %arg5[%add3A_825] : memref<320000xi32, #tpu.memory_space<hbm>> -> memref<80xi32, #tpu.memory_space<hbm>>
        %dma_start3A_827 = tpu.memref_slice %arg5[%add3A_825] : memref<320000xi32, #tpu.memory_space<hbm>> -> memref<80xi32, #tpu.memory_space<hbm>>
        tpu.enqueue_dma source(%dma_start3A_827 : memref<80xi32, #tpu.memory_space<hbm>>) target(%arg8 : memref<80xi32, #tpu.memory_space<vmem>>) target_semaphore(%arg34 : memref<!tpu.dma_semaphore, #tpu.memory_space<semaphore_mem>>)
      } else {
      }
      %dma_start3A_303 = arith.constant 0 : i32
      %dma_start3A_304 = arith.constant 0 : i32
      %dma_start3A_305 = tpu.memref_slice %arg2[%dma_start3A_303, %dma_start3A_304] : memref<10000x128xf32, #tpu.memory_space<hbm>> -> memref<10000x128xf32, #tpu.memory_space<hbm>>
      tpu.enqueue_indirect_dma source(%dma_start3A_305 : memref<10000x128xf32, #tpu.memory_space<hbm>>) target(%arg20 : memref<80x128xf32, #tpu.memory_space<vmem>>) offsets(%arg12 : memref<80xi32, #tpu.memory_space<vmem>>) semaphore(%arg38 : memref<!tpu.dma_semaphore, #tpu.memory_space<semaphore_mem>>)
      %dma_start3A_306 = arith.constant 0 : i32
      %dma_start3A_307 = arith.constant 0 : i32
      %dma_start3A_308 = tpu.memref_slice %arg2[%dma_start3A_306, %dma_start3A_307] : memref<10000x128xf32, #tpu.memory_space<hbm>> -> memref<10000x128xf32, #tpu.memory_space<hbm>>
      tpu.enqueue_indirect_dma source(%dma_start3A_308 : memref<10000x128xf32, #tpu.memory_space<hbm>>) target(%arg24 : memref<80x128xf32, #tpu.memory_space<vmem>>) offsets(%arg16 : memref<80xi32, #tpu.memory_space<vmem>>) semaphore(%arg38 : memref<!tpu.dma_semaphore, #tpu.memory_space<semaphore_mem>>)
      %gt3A_309 = arith.constant 0 : i32
      %gt3A_310 = arith.cmpi sgt, %scan3A_228, %gt3A_309 : i32
      %convert_element_type3A_311 = arith.extui %gt3A_310 : i1 to i32
      %cond3A_312 = arith.constant 0 : i32
      %cond3A_313 = arith.cmpi ne, %convert_element_type3A_311, %cond3A_312 : i32
      scf.if %cond3A_313 {
        %dma_wait3A_819 = arith.constant 0 : i32
        %dma_wait3A_820 = arith.constant 0 : i32
        %dma_wait3A_821 = tpu.memref_slice %arg6[%dma_wait3A_819, %dma_wait3A_820] : memref<320000x256xf32, #tpu.memory_space<hbm>> -> memref<80x128xf32, #tpu.memory_space<hbm>>
        %dma_wait3A_822 = arith.constant 0 : i32
        %dma_wait3A_823 = arith.constant 0 : i32
        %dma_wait3A_824 = tpu.memref_slice %arg6[%dma_wait3A_822, %dma_wait3A_823] : memref<320000x256xf32, #tpu.memory_space<hbm>> -> memref<80x128xf32, #tpu.memory_space<hbm>>
        tpu.wait_dma2 semaphore(%arg43 : memref<!tpu.dma_semaphore, #tpu.memory_space<semaphore_mem>>) src(%arg21 : memref<80x128xf32, #tpu.memory_space<vmem>>) dst(%dma_wait3A_824 : memref<80x128xf32, #tpu.memory_space<hbm>>)
        %dma_wait3A_825 = arith.constant 0 : i32
        %dma_wait3A_826 = arith.constant 128 : i32
        %dma_wait3A_827 = tpu.memref_slice %arg6[%dma_wait3A_825, %dma_wait3A_826] : memref<320000x256xf32, #tpu.memory_space<hbm>> -> memref<80x128xf32, #tpu.memory_space<hbm>>
        %dma_wait3A_828 = arith.constant 0 : i32
        %dma_wait3A_829 = arith.constant 128 : i32
        %dma_wait3A_830 = tpu.memref_slice %arg6[%dma_wait3A_828, %dma_wait3A_829] : memref<320000x256xf32, #tpu.memory_space<hbm>> -> memref<80x128xf32, #tpu.memory_space<hbm>>
        tpu.wait_dma2 semaphore(%arg43 : memref<!tpu.dma_semaphore, #tpu.memory_space<semaphore_mem>>) src(%arg25 : memref<80x128xf32, #tpu.memory_space<vmem>>) dst(%dma_wait3A_830 : memref<80x128xf32, #tpu.memory_space<hbm>>)
        %dma_wait3A_831 = arith.constant 0 : i32
        %dma_wait3A_832 = tpu.memref_slice %arg7[%dma_wait3A_831] : memref<320000xf32, #tpu.memory_space<hbm>> -> memref<80xf32, #tpu.memory_space<hbm>>
        %dma_wait3A_833 = arith.constant 0 : i32
        %dma_wait3A_834 = tpu.memref_slice %arg7[%dma_wait3A_833] : memref<320000xf32, #tpu.memory_space<hbm>> -> memref<80xf32, #tpu.memory_space<hbm>>
        tpu.wait_dma2 semaphore(%arg43 : memref<!tpu.dma_semaphore, #tpu.memory_space<semaphore_mem>>) src(%arg29 : memref<80xf32, #tpu.memory_space<vmem>>) dst(%dma_wait3A_834 : memref<80xf32, #tpu.memory_space<hbm>>)
      } else {
      }
      %dma_wait3A_314 = tpu.memref_slice %arg5[%mul3A_2] : memref<320000xi32, #tpu.memory_space<hbm>> -> memref<80xi32, #tpu.memory_space<hbm>>
      %dma_wait3A_315 = tpu.memref_slice %arg5[%mul3A_2] : memref<320000xi32, #tpu.memory_space<hbm>> -> memref<80xi32, #tpu.memory_space<hbm>>
      tpu.wait_dma2 semaphore(%arg35 : memref<!tpu.dma_semaphore, #tpu.memory_space<semaphore_mem>>) src(%dma_wait3A_315 : memref<80xi32, #tpu.memory_space<hbm>>) dst(%arg9 : memref<80xi32, #tpu.memory_space<vmem>>)
      %get3A_316 = arith.constant 0 : index
      %get3A_317 = tpu.vector_load %arg9[%get3A_316] {strides = array<i32>} : memref<80xi32, #tpu.memory_space<vmem>>, vector<16xi32>,
      %and3A_318 = arith.constant 65535 : i32
      %and3A_319 = vector.broadcast %and3A_318 : i32 to vector<16xi32>
      %and3A_320 = arith.andi %get3A_317, %and3A_319 : vector<16xi32>
      %swap3A_321 = arith.constant 0 : index
      %swap3A_322 = tpu.vector_load %arg13[%swap3A_321] {strides = array<i32>} : memref<80xi32, #tpu.memory_space<vmem>>, vector<16xi32>,
      tpu.vector_store %arg13[%swap3A_321], %and3A_320 {strides = array<i32>} : memref<80xi32, #tpu.memory_space<vmem>>, vector<16xi32>,
      %shift_right_logical3A_323 = arith.constant 16 : i32
      %shift_right_logical3A_324 = vector.broadcast %shift_right_logical3A_323 : i32 to vector<16xi32>
      %shift_right_logical3A_325 = arith.shrui %get3A_317, %shift_right_logical3A_324 : vector<16xi32>
      %swap3A_326 = arith.constant 0 : index
      %swap3A_327 = tpu.vector_load %arg17[%swap3A_326] {strides = array<i32>} : memref<80xi32, #tpu.memory_space<vmem>>, vector<16xi32>,
      tpu.vector_store %arg17[%swap3A_326], %shift_right_logical3A_325 {strides = array<i32>} : memref<80xi32, #tpu.memory_space<vmem>>, vector<16xi32>,
      %get3A_328 = arith.constant 16 : index
      %get3A_329 = tpu.vector_load %arg9[%get3A_328] {strides = array<i32>} : memref<80xi32, #tpu.memory_space<vmem>>, vector<16xi32>,
      %and3A_330 = arith.constant 65535 : i32
      %and3A_331 = vector.broadcast %and3A_330 : i32 to vector<16xi32>
      %and3A_332 = arith.andi %get3A_329, %and3A_331 : vector<16xi32>
      %swap3A_333 = arith.constant 16 : index
      %swap3A_334 = tpu.vector_load %arg13[%swap3A_333] {strides = array<i32>} : memref<80xi32, #tpu.memory_space<vmem>>, vector<16xi32>,
      tpu.vector_store %arg13[%swap3A_333], %and3A_332 {strides = array<i32>} : memref<80xi32, #tpu.memory_space<vmem>>, vector<16xi32>,
      %shift_right_logical3A_335 = arith.constant 16 : i32
      %shift_right_logical3A_336 = vector.broadcast %shift_right_logical3A_335 : i32 to vector<16xi32>
      %shift_right_logical3A_337 = arith.shrui %get3A_329, %shift_right_logical3A_336 : vector<16xi32>
      %swap3A_338 = arith.constant 16 : index
      %swap3A_339 = tpu.vector_load %arg17[%swap3A_338] {strides = array<i32>} : memref<80xi32, #tpu.memory_space<vmem>>, vector<16xi32>,
      tpu.vector_store %arg17[%swap3A_338], %shift_right_logical3A_337 {strides = array<i32>} : memref<80xi32, #tpu.memory_space<vmem>>, vector<16xi32>,
      %get3A_340 = arith.constant 32 : index
      %get3A_341 = tpu.vector_load %arg9[%get3A_340] {strides = array<i32>} : memref<80xi32, #tpu.memory_space<vmem>>, vector<16xi32>,
      %and3A_342 = arith.constant 65535 : i32
      %and3A_343 = vector.broadcast %and3A_342 : i32 to vector<16xi32>
      %and3A_344 = arith.andi %get3A_341, %and3A_343 : vector<16xi32>
      %swap3A_345 = arith.constant 32 : index
      %swap3A_346 = tpu.vector_load %arg13[%swap3A_345] {strides = array<i32>} : memref<80xi32, #tpu.memory_space<vmem>>, vector<16xi32>,
      tpu.vector_store %arg13[%swap3A_345], %and3A_344 {strides = array<i32>} : memref<80xi32, #tpu.memory_space<vmem>>, vector<16xi32>,
      %shift_right_logical3A_347 = arith.constant 16 : i32
      %shift_right_logical3A_348 = vector.broadcast %shift_right_logical3A_347 : i32 to vector<16xi32>
      %shift_right_logical3A_349 = arith.shrui %get3A_341, %shift_right_logical3A_348 : vector<16xi32>
      %swap3A_350 = arith.constant 32 : index
      %swap3A_351 = tpu.vector_load %arg17[%swap3A_350] {strides = array<i32>} : memref<80xi32, #tpu.memory_space<vmem>>, vector<16xi32>,
      tpu.vector_store %arg17[%swap3A_350], %shift_right_logical3A_349 {strides = array<i32>} : memref<80xi32, #tpu.memory_space<vmem>>, vector<16xi32>,
      %get3A_352 = arith.constant 48 : index
      %get3A_353 = tpu.vector_load %arg9[%get3A_352] {strides = array<i32>} : memref<80xi32, #tpu.memory_space<vmem>>, vector<16xi32>,
      %and3A_354 = arith.constant 65535 : i32
      %and3A_355 = vector.broadcast %and3A_354 : i32 to vector<16xi32>
      %and3A_356 = arith.andi %get3A_353, %and3A_355 : vector<16xi32>
      %swap3A_357 = arith.constant 48 : index
      %swap3A_358 = tpu.vector_load %arg13[%swap3A_357] {strides = array<i32>} : memref<80xi32, #tpu.memory_space<vmem>>, vector<16xi32>,
      tpu.vector_store %arg13[%swap3A_357], %and3A_356 {strides = array<i32>} : memref<80xi32, #tpu.memory_space<vmem>>, vector<16xi32>,
      %shift_right_logical3A_359 = arith.constant 16 : i32
      %shift_right_logical3A_360 = vector.broadcast %shift_right_logical3A_359 : i32 to vector<16xi32>
      %shift_right_logical3A_361 = arith.shrui %get3A_353, %shift_right_logical3A_360 : vector<16xi32>
      %swap3A_362 = arith.constant 48 : index
      %swap3A_363 = tpu.vector_load %arg17[%swap3A_362] {strides = array<i32>} : memref<80xi32, #tpu.memory_space<vmem>>, vector<16xi32>,
      tpu.vector_store %arg17[%swap3A_362], %shift_right_logical3A_361 {strides = array<i32>} : memref<80xi32, #tpu.memory_space<vmem>>, vector<16xi32>,
      %get3A_364 = arith.constant 64 : index
      %get3A_365 = tpu.vector_load %arg9[%get3A_364] {strides = array<i32>} : memref<80xi32, #tpu.memory_space<vmem>>, vector<16xi32>,
      %and3A_366 = arith.constant 65535 : i32
      %and3A_367 = vector.broadcast %and3A_366 : i32 to vector<16xi32>
      %and3A_368 = arith.andi %get3A_365, %and3A_367 : vector<16xi32>
      %swap3A_369 = arith.constant 64 : index
      %swap3A_370 = tpu.vector_load %arg13[%swap3A_369] {strides = array<i32>} : memref<80xi32, #tpu.memory_space<vmem>>, vector<16xi32>,
      tpu.vector_store %arg13[%swap3A_369], %and3A_368 {strides = array<i32>} : memref<80xi32, #tpu.memory_space<vmem>>, vector<16xi32>,
      %shift_right_logical3A_371 = arith.constant 16 : i32
      %shift_right_logical3A_372 = vector.broadcast %shift_right_logical3A_371 : i32 to vector<16xi32>
      %shift_right_logical3A_373 = arith.shrui %get3A_365, %shift_right_logical3A_372 : vector<16xi32>
      %swap3A_374 = arith.constant 64 : index
      %swap3A_375 = tpu.vector_load %arg17[%swap3A_374] {strides = array<i32>} : memref<80xi32, #tpu.memory_space<vmem>>, vector<16xi32>,
      tpu.vector_store %arg17[%swap3A_374], %shift_right_logical3A_373 {strides = array<i32>} : memref<80xi32, #tpu.memory_space<vmem>>, vector<16xi32>,
      %add3A_376 = arith.constant 4 : i32
      %add3A_377 = arith.addi %mul3A_230, %add3A_376 : i32
      %add3A_378 = arith.constant 1 : i32
      %add3A_379 = arith.addi %add3A_377, %add3A_378 : i32
      %lt3A_380 = arith.constant 125 : i32
      %lt3A_381 = arith.cmpi slt, %add3A_379, %lt3A_380 : i32
      %convert_element_type3A_382 = arith.extui %lt3A_381 : i1 to i32
      %cond3A_383 = arith.constant 0 : i32
      %cond3A_384 = arith.cmpi ne, %convert_element_type3A_382, %cond3A_383 : i32
      scf.if %cond3A_384 {
        %add3A_819 = arith.constant 4 : i32
        %add3A_820 = arith.addi %mul3A_230, %add3A_819 : i32
        %add3A_821 = arith.constant 1 : i32
        %add3A_822 = arith.addi %add3A_820, %add3A_821 : i32
        %mul3A_823 = arith.constant 80 : i32
        %mul3A_824 = arith.muli %add3A_822, %mul3A_823 : i32
        %add3A_825 = arith.addi %mul3A_2, %mul3A_824 : i32
        %dma_start3A_826 = tpu.memref_slice %arg5[%add3A_825] : memref<320000xi32, #tpu.memory_space<hbm>> -> memref<80xi32, #tpu.memory_space<hbm>>
        %dma_start3A_827 = tpu.memref_slice %arg5[%add3A_825] : memref<320000xi32, #tpu.memory_space<hbm>> -> memref<80xi32, #tpu.memory_space<hbm>>
        tpu.enqueue_dma source(%dma_start3A_827 : memref<80xi32, #tpu.memory_space<hbm>>) target(%arg9 : memref<80xi32, #tpu.memory_space<vmem>>) target_semaphore(%arg35 : memref<!tpu.dma_semaphore, #tpu.memory_space<semaphore_mem>>)
      } else {
      }
      %dma_start3A_385 = arith.constant 0 : i32
      %dma_start3A_386 = arith.constant 0 : i32
      %dma_start3A_387 = tpu.memref_slice %arg2[%dma_start3A_385, %dma_start3A_386] : memref<10000x128xf32, #tpu.memory_space<hbm>> -> memref<10000x128xf32, #tpu.memory_space<hbm>>
      tpu.enqueue_indirect_dma source(%dma_start3A_387 : memref<10000x128xf32, #tpu.memory_space<hbm>>) target(%arg21 : memref<80x128xf32, #tpu.memory_space<vmem>>) offsets(%arg13 : memref<80xi32, #tpu.memory_space<vmem>>) semaphore(%arg39 : memref<!tpu.dma_semaphore, #tpu.memory_space<semaphore_mem>>)
      %dma_start3A_388 = arith.constant 0 : i32
      %dma_start3A_389 = arith.constant 0 : i32
      %dma_start3A_390 = tpu.memref_slice %arg2[%dma_start3A_388, %dma_start3A_389] : memref<10000x128xf32, #tpu.memory_space<hbm>> -> memref<10000x128xf32, #tpu.memory_space<hbm>>
      tpu.enqueue_indirect_dma source(%dma_start3A_390 : memref<10000x128xf32, #tpu.memory_space<hbm>>) target(%arg25 : memref<80x128xf32, #tpu.memory_space<vmem>>) offsets(%arg17 : memref<80xi32, #tpu.memory_space<vmem>>) semaphore(%arg39 : memref<!tpu.dma_semaphore, #tpu.memory_space<semaphore_mem>>)
      %gt3A_391 = arith.constant 0 : i32
      %gt3A_392 = arith.cmpi sgt, %scan3A_228, %gt3A_391 : i32
      %convert_element_type3A_393 = arith.extui %gt3A_392 : i1 to i32
      %cond3A_394 = arith.constant 0 : i32
      %cond3A_395 = arith.cmpi ne, %convert_element_type3A_393, %cond3A_394 : i32
      scf.if %cond3A_395 {
        %dma_wait3A_819 = arith.constant 0 : i32
        %dma_wait3A_820 = arith.constant 0 : i32
        %dma_wait3A_821 = tpu.memref_slice %arg6[%dma_wait3A_819, %dma_wait3A_820] : memref<320000x256xf32, #tpu.memory_space<hbm>> -> memref<80x128xf32, #tpu.memory_space<hbm>>
        %dma_wait3A_822 = arith.constant 0 : i32
        %dma_wait3A_823 = arith.constant 0 : i32
        %dma_wait3A_824 = tpu.memref_slice %arg6[%dma_wait3A_822, %dma_wait3A_823] : memref<320000x256xf32, #tpu.memory_space<hbm>> -> memref<80x128xf32, #tpu.memory_space<hbm>>
        tpu.wait_dma2 semaphore(%arg44 : memref<!tpu.dma_semaphore, #tpu.memory_space<semaphore_mem>>) src(%arg22 : memref<80x128xf32, #tpu.memory_space<vmem>>) dst(%dma_wait3A_824 : memref<80x128xf32, #tpu.memory_space<hbm>>)
        %dma_wait3A_825 = arith.constant 0 : i32
        %dma_wait3A_826 = arith.constant 128 : i32
        %dma_wait3A_827 = tpu.memref_slice %arg6[%dma_wait3A_825, %dma_wait3A_826] : memref<320000x256xf32, #tpu.memory_space<hbm>> -> memref<80x128xf32, #tpu.memory_space<hbm>>
        %dma_wait3A_828 = arith.constant 0 : i32
        %dma_wait3A_829 = arith.constant 128 : i32
        %dma_wait3A_830 = tpu.memref_slice %arg6[%dma_wait3A_828, %dma_wait3A_829] : memref<320000x256xf32, #tpu.memory_space<hbm>> -> memref<80x128xf32, #tpu.memory_space<hbm>>
        tpu.wait_dma2 semaphore(%arg44 : memref<!tpu.dma_semaphore, #tpu.memory_space<semaphore_mem>>) src(%arg26 : memref<80x128xf32, #tpu.memory_space<vmem>>) dst(%dma_wait3A_830 : memref<80x128xf32, #tpu.memory_space<hbm>>)
        %dma_wait3A_831 = arith.constant 0 : i32
        %dma_wait3A_832 = tpu.memref_slice %arg7[%dma_wait3A_831] : memref<320000xf32, #tpu.memory_space<hbm>> -> memref<80xf32, #tpu.memory_space<hbm>>
        %dma_wait3A_833 = arith.constant 0 : i32
        %dma_wait3A_834 = tpu.memref_slice %arg7[%dma_wait3A_833] : memref<320000xf32, #tpu.memory_space<hbm>> -> memref<80xf32, #tpu.memory_space<hbm>>
        tpu.wait_dma2 semaphore(%arg44 : memref<!tpu.dma_semaphore, #tpu.memory_space<semaphore_mem>>) src(%arg30 : memref<80xf32, #tpu.memory_space<vmem>>) dst(%dma_wait3A_834 : memref<80xf32, #tpu.memory_space<hbm>>)
      } else {
      }
      %dma_wait3A_396 = tpu.memref_slice %arg5[%mul3A_2] : memref<320000xi32, #tpu.memory_space<hbm>> -> memref<80xi32, #tpu.memory_space<hbm>>
      %dma_wait3A_397 = tpu.memref_slice %arg5[%mul3A_2] : memref<320000xi32, #tpu.memory_space<hbm>> -> memref<80xi32, #tpu.memory_space<hbm>>
      tpu.wait_dma2 semaphore(%arg36 : memref<!tpu.dma_semaphore, #tpu.memory_space<semaphore_mem>>) src(%dma_wait3A_397 : memref<80xi32, #tpu.memory_space<hbm>>) dst(%arg10 : memref<80xi32, #tpu.memory_space<vmem>>)
      %get3A_398 = arith.constant 0 : index
      %get3A_399 = tpu.vector_load %arg10[%get3A_398] {strides = array<i32>} : memref<80xi32, #tpu.memory_space<vmem>>, vector<16xi32>,
      %and3A_400 = arith.constant 65535 : i32
      %and3A_401 = vector.broadcast %and3A_400 : i32 to vector<16xi32>
      %and3A_402 = arith.andi %get3A_399, %and3A_401 : vector<16xi32>
      %swap3A_403 = arith.constant 0 : index
      %swap3A_404 = tpu.vector_load %arg14[%swap3A_403] {strides = array<i32>} : memref<80xi32, #tpu.memory_space<vmem>>, vector<16xi32>,
      tpu.vector_store %arg14[%swap3A_403], %and3A_402 {strides = array<i32>} : memref<80xi32, #tpu.memory_space<vmem>>, vector<16xi32>,
      %shift_right_logical3A_405 = arith.constant 16 : i32
      %shift_right_logical3A_406 = vector.broadcast %shift_right_logical3A_405 : i32 to vector<16xi32>
      %shift_right_logical3A_407 = arith.shrui %get3A_399, %shift_right_logical3A_406 : vector<16xi32>
      %swap3A_408 = arith.constant 0 : index
      %swap3A_409 = tpu.vector_load %arg18[%swap3A_408] {strides = array<i32>} : memref<80xi32, #tpu.memory_space<vmem>>, vector<16xi32>,
      tpu.vector_store %arg18[%swap3A_408], %shift_right_logical3A_407 {strides = array<i32>} : memref<80xi32, #tpu.memory_space<vmem>>, vector<16xi32>,
      %get3A_410 = arith.constant 16 : index
      %get3A_411 = tpu.vector_load %arg10[%get3A_410] {strides = array<i32>} : memref<80xi32, #tpu.memory_space<vmem>>, vector<16xi32>,
      %and3A_412 = arith.constant 65535 : i32
      %and3A_413 = vector.broadcast %and3A_412 : i32 to vector<16xi32>
      %and3A_414 = arith.andi %get3A_411, %and3A_413 : vector<16xi32>
      %swap3A_415 = arith.constant 16 : index
      %swap3A_416 = tpu.vector_load %arg14[%swap3A_415] {strides = array<i32>} : memref<80xi32, #tpu.memory_space<vmem>>, vector<16xi32>,
      tpu.vector_store %arg14[%swap3A_415], %and3A_414 {strides = array<i32>} : memref<80xi32, #tpu.memory_space<vmem>>, vector<16xi32>,
      %shift_right_logical3A_417 = arith.constant 16 : i32
      %shift_right_logical3A_418 = vector.broadcast %shift_right_logical3A_417 : i32 to vector<16xi32>
      %shift_right_logical3A_419 = arith.shrui %get3A_411, %shift_right_logical3A_418 : vector<16xi32>
      %swap3A_420 = arith.constant 16 : index
      %swap3A_421 = tpu.vector_load %arg18[%swap3A_420] {strides = array<i32>} : memref<80xi32, #tpu.memory_space<vmem>>, vector<16xi32>,
      tpu.vector_store %arg18[%swap3A_420], %shift_right_logical3A_419 {strides = array<i32>} : memref<80xi32, #tpu.memory_space<vmem>>, vector<16xi32>,
      %get3A_422 = arith.constant 32 : index
      %get3A_423 = tpu.vector_load %arg10[%get3A_422] {strides = array<i32>} : memref<80xi32, #tpu.memory_space<vmem>>, vector<16xi32>,
      %and3A_424 = arith.constant 65535 : i32
      %and3A_425 = vector.broadcast %and3A_424 : i32 to vector<16xi32>
      %and3A_426 = arith.andi %get3A_423, %and3A_425 : vector<16xi32>
      %swap3A_427 = arith.constant 32 : index
      %swap3A_428 = tpu.vector_load %arg14[%swap3A_427] {strides = array<i32>} : memref<80xi32, #tpu.memory_space<vmem>>, vector<16xi32>,
      tpu.vector_store %arg14[%swap3A_427], %and3A_426 {strides = array<i32>} : memref<80xi32, #tpu.memory_space<vmem>>, vector<16xi32>,
      %shift_right_logical3A_429 = arith.constant 16 : i32
      %shift_right_logical3A_430 = vector.broadcast %shift_right_logical3A_429 : i32 to vector<16xi32>
      %shift_right_logical3A_431 = arith.shrui %get3A_423, %shift_right_logical3A_430 : vector<16xi32>
      %swap3A_432 = arith.constant 32 : index
      %swap3A_433 = tpu.vector_load %arg18[%swap3A_432] {strides = array<i32>} : memref<80xi32, #tpu.memory_space<vmem>>, vector<16xi32>,
      tpu.vector_store %arg18[%swap3A_432], %shift_right_logical3A_431 {strides = array<i32>} : memref<80xi32, #tpu.memory_space<vmem>>, vector<16xi32>,
      %get3A_434 = arith.constant 48 : index
      %get3A_435 = tpu.vector_load %arg10[%get3A_434] {strides = array<i32>} : memref<80xi32, #tpu.memory_space<vmem>>, vector<16xi32>,
      %and3A_436 = arith.constant 65535 : i32
      %and3A_437 = vector.broadcast %and3A_436 : i32 to vector<16xi32>
      %and3A_438 = arith.andi %get3A_435, %and3A_437 : vector<16xi32>
      %swap3A_439 = arith.constant 48 : index
      %swap3A_440 = tpu.vector_load %arg14[%swap3A_439] {strides = array<i32>} : memref<80xi32, #tpu.memory_space<vmem>>, vector<16xi32>,
      tpu.vector_store %arg14[%swap3A_439], %and3A_438 {strides = array<i32>} : memref<80xi32, #tpu.memory_space<vmem>>, vector<16xi32>,
      %shift_right_logical3A_441 = arith.constant 16 : i32
      %shift_right_logical3A_442 = vector.broadcast %shift_right_logical3A_441 : i32 to vector<16xi32>
      %shift_right_logical3A_443 = arith.shrui %get3A_435, %shift_right_logical3A_442 : vector<16xi32>
      %swap3A_444 = arith.constant 48 : index
      %swap3A_445 = tpu.vector_load %arg18[%swap3A_444] {strides = array<i32>} : memref<80xi32, #tpu.memory_space<vmem>>, vector<16xi32>,
      tpu.vector_store %arg18[%swap3A_444], %shift_right_logical3A_443 {strides = array<i32>} : memref<80xi32, #tpu.memory_space<vmem>>, vector<16xi32>,
      %get3A_446 = arith.constant 64 : index
      %get3A_447 = tpu.vector_load %arg10[%get3A_446] {strides = array<i32>} : memref<80xi32, #tpu.memory_space<vmem>>, vector<16xi32>,
      %and3A_448 = arith.constant 65535 : i32
      %and3A_449 = vector.broadcast %and3A_448 : i32 to vector<16xi32>
      %and3A_450 = arith.andi %get3A_447, %and3A_449 : vector<16xi32>
      %swap3A_451 = arith.constant 64 : index
      %swap3A_452 = tpu.vector_load %arg14[%swap3A_451] {strides = array<i32>} : memref<80xi32, #tpu.memory_space<vmem>>, vector<16xi32>,
      tpu.vector_store %arg14[%swap3A_451], %and3A_450 {strides = array<i32>} : memref<80xi32, #tpu.memory_space<vmem>>, vector<16xi32>,
      %shift_right_logical3A_453 = arith.constant 16 : i32
      %shift_right_logical3A_454 = vector.broadcast %shift_right_logical3A_453 : i32 to vector<16xi32>
      %shift_right_logical3A_455 = arith.shrui %get3A_447, %shift_right_logical3A_454 : vector<16xi32>
      %swap3A_456 = arith.constant 64 : index
      %swap3A_457 = tpu.vector_load %arg18[%swap3A_456] {strides = array<i32>} : memref<80xi32, #tpu.memory_space<vmem>>, vector<16xi32>,
      tpu.vector_store %arg18[%swap3A_456], %shift_right_logical3A_455 {strides = array<i32>} : memref<80xi32, #tpu.memory_space<vmem>>, vector<16xi32>,
      %add3A_458 = arith.constant 4 : i32
      %add3A_459 = arith.addi %mul3A_230, %add3A_458 : i32
      %add3A_460 = arith.constant 2 : i32
      %add3A_461 = arith.addi %add3A_459, %add3A_460 : i32
      %lt3A_462 = arith.constant 125 : i32
      %lt3A_463 = arith.cmpi slt, %add3A_461, %lt3A_462 : i32
      %convert_element_type3A_464 = arith.extui %lt3A_463 : i1 to i32
      %cond3A_465 = arith.constant 0 : i32
      %cond3A_466 = arith.cmpi ne, %convert_element_type3A_464, %cond3A_465 : i32
      scf.if %cond3A_466 {
        %add3A_819 = arith.constant 4 : i32
        %add3A_820 = arith.addi %mul3A_230, %add3A_819 : i32
        %add3A_821 = arith.constant 2 : i32
        %add3A_822 = arith.addi %add3A_820, %add3A_821 : i32
        %mul3A_823 = arith.constant 80 : i32
        %mul3A_824 = arith.muli %add3A_822, %mul3A_823 : i32
        %add3A_825 = arith.addi %mul3A_2, %mul3A_824 : i32
        %dma_start3A_826 = tpu.memref_slice %arg5[%add3A_825] : memref<320000xi32, #tpu.memory_space<hbm>> -> memref<80xi32, #tpu.memory_space<hbm>>
        %dma_start3A_827 = tpu.memref_slice %arg5[%add3A_825] : memref<320000xi32, #tpu.memory_space<hbm>> -> memref<80xi32, #tpu.memory_space<hbm>>
        tpu.enqueue_dma source(%dma_start3A_827 : memref<80xi32, #tpu.memory_space<hbm>>) target(%arg10 : memref<80xi32, #tpu.memory_space<vmem>>) target_semaphore(%arg36 : memref<!tpu.dma_semaphore, #tpu.memory_space<semaphore_mem>>)
      } else {
      }
      %dma_start3A_467 = arith.constant 0 : i32
      %dma_start3A_468 = arith.constant 0 : i32
      %dma_start3A_469 = tpu.memref_slice %arg2[%dma_start3A_467, %dma_start3A_468] : memref<10000x128xf32, #tpu.memory_space<hbm>> -> memref<10000x128xf32, #tpu.memory_space<hbm>>
      tpu.enqueue_indirect_dma source(%dma_start3A_469 : memref<10000x128xf32, #tpu.memory_space<hbm>>) target(%arg22 : memref<80x128xf32, #tpu.memory_space<vmem>>) offsets(%arg14 : memref<80xi32, #tpu.memory_space<vmem>>) semaphore(%arg40 : memref<!tpu.dma_semaphore, #tpu.memory_space<semaphore_mem>>)
      %dma_start3A_470 = arith.constant 0 : i32
      %dma_start3A_471 = arith.constant 0 : i32
      %dma_start3A_472 = tpu.memref_slice %arg2[%dma_start3A_470, %dma_start3A_471] : memref<10000x128xf32, #tpu.memory_space<hbm>> -> memref<10000x128xf32, #tpu.memory_space<hbm>>
      tpu.enqueue_indirect_dma source(%dma_start3A_472 : memref<10000x128xf32, #tpu.memory_space<hbm>>) target(%arg26 : memref<80x128xf32, #tpu.memory_space<vmem>>) offsets(%arg18 : memref<80xi32, #tpu.memory_space<vmem>>) semaphore(%arg40 : memref<!tpu.dma_semaphore, #tpu.memory_space<semaphore_mem>>)
      %gt3A_473 = arith.constant 0 : i32
      %gt3A_474 = arith.cmpi sgt, %scan3A_228, %gt3A_473 : i32
      %convert_element_type3A_475 = arith.extui %gt3A_474 : i1 to i32
      %cond3A_476 = arith.constant 0 : i32
      %cond3A_477 = arith.cmpi ne, %convert_element_type3A_475, %cond3A_476 : i32
      scf.if %cond3A_477 {
        %dma_wait3A_819 = arith.constant 0 : i32
        %dma_wait3A_820 = arith.constant 0 : i32
        %dma_wait3A_821 = tpu.memref_slice %arg6[%dma_wait3A_819, %dma_wait3A_820] : memref<320000x256xf32, #tpu.memory_space<hbm>> -> memref<80x128xf32, #tpu.memory_space<hbm>>
        %dma_wait3A_822 = arith.constant 0 : i32
        %dma_wait3A_823 = arith.constant 0 : i32
        %dma_wait3A_824 = tpu.memref_slice %arg6[%dma_wait3A_822, %dma_wait3A_823] : memref<320000x256xf32, #tpu.memory_space<hbm>> -> memref<80x128xf32, #tpu.memory_space<hbm>>
        tpu.wait_dma2 semaphore(%arg45 : memref<!tpu.dma_semaphore, #tpu.memory_space<semaphore_mem>>) src(%arg23 : memref<80x128xf32, #tpu.memory_space<vmem>>) dst(%dma_wait3A_824 : memref<80x128xf32, #tpu.memory_space<hbm>>)
        %dma_wait3A_825 = arith.constant 0 : i32
        %dma_wait3A_826 = arith.constant 128 : i32
        %dma_wait3A_827 = tpu.memref_slice %arg6[%dma_wait3A_825, %dma_wait3A_826] : memref<320000x256xf32, #tpu.memory_space<hbm>> -> memref<80x128xf32, #tpu.memory_space<hbm>>
        %dma_wait3A_828 = arith.constant 0 : i32
        %dma_wait3A_829 = arith.constant 128 : i32
        %dma_wait3A_830 = tpu.memref_slice %arg6[%dma_wait3A_828, %dma_wait3A_829] : memref<320000x256xf32, #tpu.memory_space<hbm>> -> memref<80x128xf32, #tpu.memory_space<hbm>>
        tpu.wait_dma2 semaphore(%arg45 : memref<!tpu.dma_semaphore, #tpu.memory_space<semaphore_mem>>) src(%arg27 : memref<80x128xf32, #tpu.memory_space<vmem>>) dst(%dma_wait3A_830 : memref<80x128xf32, #tpu.memory_space<hbm>>)
        %dma_wait3A_831 = arith.constant 0 : i32
        %dma_wait3A_832 = tpu.memref_slice %arg7[%dma_wait3A_831] : memref<320000xf32, #tpu.memory_space<hbm>> -> memref<80xf32, #tpu.memory_space<hbm>>
        %dma_wait3A_833 = arith.constant 0 : i32
        %dma_wait3A_834 = tpu.memref_slice %arg7[%dma_wait3A_833] : memref<320000xf32, #tpu.memory_space<hbm>> -> memref<80xf32, #tpu.memory_space<hbm>>
        tpu.wait_dma2 semaphore(%arg45 : memref<!tpu.dma_semaphore, #tpu.memory_space<semaphore_mem>>) src(%arg31 : memref<80xf32, #tpu.memory_space<vmem>>) dst(%dma_wait3A_834 : memref<80xf32, #tpu.memory_space<hbm>>)
      } else {
      }
      %dma_wait3A_478 = tpu.memref_slice %arg5[%mul3A_2] : memref<320000xi32, #tpu.memory_space<hbm>> -> memref<80xi32, #tpu.memory_space<hbm>>
      %dma_wait3A_479 = tpu.memref_slice %arg5[%mul3A_2] : memref<320000xi32, #tpu.memory_space<hbm>> -> memref<80xi32, #tpu.memory_space<hbm>>
      tpu.wait_dma2 semaphore(%arg37 : memref<!tpu.dma_semaphore, #tpu.memory_space<semaphore_mem>>) src(%dma_wait3A_479 : memref<80xi32, #tpu.memory_space<hbm>>) dst(%arg11 : memref<80xi32, #tpu.memory_space<vmem>>)
      %get3A_480 = arith.constant 0 : index
      %get3A_481 = tpu.vector_load %arg11[%get3A_480] {strides = array<i32>} : memref<80xi32, #tpu.memory_space<vmem>>, vector<16xi32>,
      %and3A_482 = arith.constant 65535 : i32
      %and3A_483 = vector.broadcast %and3A_482 : i32 to vector<16xi32>
      %and3A_484 = arith.andi %get3A_481, %and3A_483 : vector<16xi32>
      %swap3A_485 = arith.constant 0 : index
      %swap3A_486 = tpu.vector_load %arg15[%swap3A_485] {strides = array<i32>} : memref<80xi32, #tpu.memory_space<vmem>>, vector<16xi32>,
      tpu.vector_store %arg15[%swap3A_485], %and3A_484 {strides = array<i32>} : memref<80xi32, #tpu.memory_space<vmem>>, vector<16xi32>,
      %shift_right_logical3A_487 = arith.constant 16 : i32
      %shift_right_logical3A_488 = vector.broadcast %shift_right_logical3A_487 : i32 to vector<16xi32>
      %shift_right_logical3A_489 = arith.shrui %get3A_481, %shift_right_logical3A_488 : vector<16xi32>
      %swap3A_490 = arith.constant 0 : index
      %swap3A_491 = tpu.vector_load %arg19[%swap3A_490] {strides = array<i32>} : memref<80xi32, #tpu.memory_space<vmem>>, vector<16xi32>,
      tpu.vector_store %arg19[%swap3A_490], %shift_right_logical3A_489 {strides = array<i32>} : memref<80xi32, #tpu.memory_space<vmem>>, vector<16xi32>,
      %get3A_492 = arith.constant 16 : index
      %get3A_493 = tpu.vector_load %arg11[%get3A_492] {strides = array<i32>} : memref<80xi32, #tpu.memory_space<vmem>>, vector<16xi32>,
      %and3A_494 = arith.constant 65535 : i32
      %and3A_495 = vector.broadcast %and3A_494 : i32 to vector<16xi32>
      %and3A_496 = arith.andi %get3A_493, %and3A_495 : vector<16xi32>
      %swap3A_497 = arith.constant 16 : index
      %swap3A_498 = tpu.vector_load %arg15[%swap3A_497] {strides = array<i32>} : memref<80xi32, #tpu.memory_space<vmem>>, vector<16xi32>,
      tpu.vector_store %arg15[%swap3A_497], %and3A_496 {strides = array<i32>} : memref<80xi32, #tpu.memory_space<vmem>>, vector<16xi32>,
      %shift_right_logical3A_499 = arith.constant 16 : i32
      %shift_right_logical3A_500 = vector.broadcast %shift_right_logical3A_499 : i32 to vector<16xi32>
      %shift_right_logical3A_501 = arith.shrui %get3A_493, %shift_right_logical3A_500 : vector<16xi32>
      %swap3A_502 = arith.constant 16 : index
      %swap3A_503 = tpu.vector_load %arg19[%swap3A_502] {strides = array<i32>} : memref<80xi32, #tpu.memory_space<vmem>>, vector<16xi32>,
      tpu.vector_store %arg19[%swap3A_502], %shift_right_logical3A_501 {strides = array<i32>} : memref<80xi32, #tpu.memory_space<vmem>>, vector<16xi32>,
      %get3A_504 = arith.constant 32 : index
      %get3A_505 = tpu.vector_load %arg11[%get3A_504] {strides = array<i32>} : memref<80xi32, #tpu.memory_space<vmem>>, vector<16xi32>,
      %and3A_506 = arith.constant 65535 : i32
      %and3A_507 = vector.broadcast %and3A_506 : i32 to vector<16xi32>
      %and3A_508 = arith.andi %get3A_505, %and3A_507 : vector<16xi32>
      %swap3A_509 = arith.constant 32 : index
      %swap3A_510 = tpu.vector_load %arg15[%swap3A_509] {strides = array<i32>} : memref<80xi32, #tpu.memory_space<vmem>>, vector<16xi32>,
      tpu.vector_store %arg15[%swap3A_509], %and3A_508 {strides = array<i32>} : memref<80xi32, #tpu.memory_space<vmem>>, vector<16xi32>,
      %shift_right_logical3A_511 = arith.constant 16 : i32
      %shift_right_logical3A_512 = vector.broadcast %shift_right_logical3A_511 : i32 to vector<16xi32>
      %shift_right_logical3A_513 = arith.shrui %get3A_505, %shift_right_logical3A_512 : vector<16xi32>
      %swap3A_514 = arith.constant 32 : index
      %swap3A_515 = tpu.vector_load %arg19[%swap3A_514] {strides = array<i32>} : memref<80xi32, #tpu.memory_space<vmem>>, vector<16xi32>,
      tpu.vector_store %arg19[%swap3A_514], %shift_right_logical3A_513 {strides = array<i32>} : memref<80xi32, #tpu.memory_space<vmem>>, vector<16xi32>,
      %get3A_516 = arith.constant 48 : index
      %get3A_517 = tpu.vector_load %arg11[%get3A_516] {strides = array<i32>} : memref<80xi32, #tpu.memory_space<vmem>>, vector<16xi32>,
      %and3A_518 = arith.constant 65535 : i32
      %and3A_519 = vector.broadcast %and3A_518 : i32 to vector<16xi32>
      %and3A_520 = arith.andi %get3A_517, %and3A_519 : vector<16xi32>
      %swap3A_521 = arith.constant 48 : index
      %swap3A_522 = tpu.vector_load %arg15[%swap3A_521] {strides = array<i32>} : memref<80xi32, #tpu.memory_space<vmem>>, vector<16xi32>,
      tpu.vector_store %arg15[%swap3A_521], %and3A_520 {strides = array<i32>} : memref<80xi32, #tpu.memory_space<vmem>>, vector<16xi32>,
      %shift_right_logical3A_523 = arith.constant 16 : i32
      %shift_right_logical3A_524 = vector.broadcast %shift_right_logical3A_523 : i32 to vector<16xi32>
      %shift_right_logical3A_525 = arith.shrui %get3A_517, %shift_right_logical3A_524 : vector<16xi32>
      %swap3A_526 = arith.constant 48 : index
      %swap3A_527 = tpu.vector_load %arg19[%swap3A_526] {strides = array<i32>} : memref<80xi32, #tpu.memory_space<vmem>>, vector<16xi32>,
      tpu.vector_store %arg19[%swap3A_526], %shift_right_logical3A_525 {strides = array<i32>} : memref<80xi32, #tpu.memory_space<vmem>>, vector<16xi32>,
      %get3A_528 = arith.constant 64 : index
      %get3A_529 = tpu.vector_load %arg11[%get3A_528] {strides = array<i32>} : memref<80xi32, #tpu.memory_space<vmem>>, vector<16xi32>,
      %and3A_530 = arith.constant 65535 : i32
      %and3A_531 = vector.broadcast %and3A_530 : i32 to vector<16xi32>
      %and3A_532 = arith.andi %get3A_529, %and3A_531 : vector<16xi32>
      %swap3A_533 = arith.constant 64 : index
      %swap3A_534 = tpu.vector_load %arg15[%swap3A_533] {strides = array<i32>} : memref<80xi32, #tpu.memory_space<vmem>>, vector<16xi32>,
      tpu.vector_store %arg15[%swap3A_533], %and3A_532 {strides = array<i32>} : memref<80xi32, #tpu.memory_space<vmem>>, vector<16xi32>,
      %shift_right_logical3A_535 = arith.constant 16 : i32
      %shift_right_logical3A_536 = vector.broadcast %shift_right_logical3A_535 : i32 to vector<16xi32>
      %shift_right_logical3A_537 = arith.shrui %get3A_529, %shift_right_logical3A_536 : vector<16xi32>
      %swap3A_538 = arith.constant 64 : index
      %swap3A_539 = tpu.vector_load %arg19[%swap3A_538] {strides = array<i32>} : memref<80xi32, #tpu.memory_space<vmem>>, vector<16xi32>,
      tpu.vector_store %arg19[%swap3A_538], %shift_right_logical3A_537 {strides = array<i32>} : memref<80xi32, #tpu.memory_space<vmem>>, vector<16xi32>,
      %add3A_540 = arith.constant 4 : i32
      %add3A_541 = arith.addi %mul3A_230, %add3A_540 : i32
      %add3A_542 = arith.constant 3 : i32
      %add3A_543 = arith.addi %add3A_541, %add3A_542 : i32
      %lt3A_544 = arith.constant 125 : i32
      %lt3A_545 = arith.cmpi slt, %add3A_543, %lt3A_544 : i32
      %convert_element_type3A_546 = arith.extui %lt3A_545 : i1 to i32
      %cond3A_547 = arith.constant 0 : i32
      %cond3A_548 = arith.cmpi ne, %convert_element_type3A_546, %cond3A_547 : i32
      scf.if %cond3A_548 {
        %add3A_819 = arith.constant 4 : i32
        %add3A_820 = arith.addi %mul3A_230, %add3A_819 : i32
        %add3A_821 = arith.constant 3 : i32
        %add3A_822 = arith.addi %add3A_820, %add3A_821 : i32
        %mul3A_823 = arith.constant 80 : i32
        %mul3A_824 = arith.muli %add3A_822, %mul3A_823 : i32
        %add3A_825 = arith.addi %mul3A_2, %mul3A_824 : i32
        %dma_start3A_826 = tpu.memref_slice %arg5[%add3A_825] : memref<320000xi32, #tpu.memory_space<hbm>> -> memref<80xi32, #tpu.memory_space<hbm>>
        %dma_start3A_827 = tpu.memref_slice %arg5[%add3A_825] : memref<320000xi32, #tpu.memory_space<hbm>> -> memref<80xi32, #tpu.memory_space<hbm>>
        tpu.enqueue_dma source(%dma_start3A_827 : memref<80xi32, #tpu.memory_space<hbm>>) target(%arg11 : memref<80xi32, #tpu.memory_space<vmem>>) target_semaphore(%arg37 : memref<!tpu.dma_semaphore, #tpu.memory_space<semaphore_mem>>)
      } else {
      }
      %dma_start3A_549 = arith.constant 0 : i32
      %dma_start3A_550 = arith.constant 0 : i32
      %dma_start3A_551 = tpu.memref_slice %arg2[%dma_start3A_549, %dma_start3A_550] : memref<10000x128xf32, #tpu.memory_space<hbm>> -> memref<10000x128xf32, #tpu.memory_space<hbm>>
      tpu.enqueue_indirect_dma source(%dma_start3A_551 : memref<10000x128xf32, #tpu.memory_space<hbm>>) target(%arg23 : memref<80x128xf32, #tpu.memory_space<vmem>>) offsets(%arg15 : memref<80xi32, #tpu.memory_space<vmem>>) semaphore(%arg41 : memref<!tpu.dma_semaphore, #tpu.memory_space<semaphore_mem>>)
      %dma_start3A_552 = arith.constant 0 : i32
      %dma_start3A_553 = arith.constant 0 : i32
      %dma_start3A_554 = tpu.memref_slice %arg2[%dma_start3A_552, %dma_start3A_553] : memref<10000x128xf32, #tpu.memory_space<hbm>> -> memref<10000x128xf32, #tpu.memory_space<hbm>>
      tpu.enqueue_indirect_dma source(%dma_start3A_554 : memref<10000x128xf32, #tpu.memory_space<hbm>>) target(%arg27 : memref<80x128xf32, #tpu.memory_space<vmem>>) offsets(%arg19 : memref<80xi32, #tpu.memory_space<vmem>>) semaphore(%arg41 : memref<!tpu.dma_semaphore, #tpu.memory_space<semaphore_mem>>)
      %get3A_555 = arith.constant 0 : index
      %get3A_556 = tpu.vector_load %arg12[%get3A_555] {strides = array<i32>} : memref<80xi32, #tpu.memory_space<vmem>>, vector<16xi32>,
      %get3A_557 = arith.constant 0 : index
      %get3A_558 = tpu.vector_load %arg16[%get3A_557] {strides = array<i32>} : memref<80xi32, #tpu.memory_space<vmem>>, vector<16xi32>,
      %gather3A_559 = tpu.vector_load_idx %arg32[%get3A_556] : memref<10000xf32, #tpu.memory_space<vmem>>[vector<16xi32>], vector<16xf32>,
      %gather3A_560 = tpu.vector_load_idx %arg33[%get3A_558] : memref<10000xf32, #tpu.memory_space<vmem>>[vector<16xi32>], vector<16xf32>,
      %add3A_561 = arith.addf %gather3A_559, %gather3A_560 : vector<16xf32>
      %swap3A_562 = arith.constant 0 : index
      %swap3A_563 = tpu.vector_load %arg28[%swap3A_562] {strides = array<i32>} : memref<80xf32, #tpu.memory_space<vmem>>, vector<16xf32>,
      tpu.vector_store %arg28[%swap3A_562], %add3A_561 {strides = array<i32>} : memref<80xf32, #tpu.memory_space<vmem>>, vector<16xf32>,
      %get3A_564 = arith.constant 16 : index
      %get3A_565 = tpu.vector_load %arg12[%get3A_564] {strides = array<i32>} : memref<80xi32, #tpu.memory_space<vmem>>, vector<16xi32>,
      %get3A_566 = arith.constant 16 : index
      %get3A_567 = tpu.vector_load %arg16[%get3A_566] {strides = array<i32>} : memref<80xi32, #tpu.memory_space<vmem>>, vector<16xi32>,
      %gather3A_568 = tpu.vector_load_idx %arg32[%get3A_565] : memref<10000xf32, #tpu.memory_space<vmem>>[vector<16xi32>], vector<16xf32>,
      %gather3A_569 = tpu.vector_load_idx %arg33[%get3A_567] : memref<10000xf32, #tpu.memory_space<vmem>>[vector<16xi32>], vector<16xf32>,
      %add3A_570 = arith.addf %gather3A_568, %gather3A_569 : vector<16xf32>
      %swap3A_571 = arith.constant 16 : index
      %swap3A_572 = tpu.vector_load %arg28[%swap3A_571] {strides = array<i32>} : memref<80xf32, #tpu.memory_space<vmem>>, vector<16xf32>,
      tpu.vector_store %arg28[%swap3A_571], %add3A_570 {strides = array<i32>} : memref<80xf32, #tpu.memory_space<vmem>>, vector<16xf32>,
      %get3A_573 = arith.constant 32 : index
      %get3A_574 = tpu.vector_load %arg12[%get3A_573] {strides = array<i32>} : memref<80xi32, #tpu.memory_space<vmem>>, vector<16xi32>,
      %get3A_575 = arith.constant 32 : index
      %get3A_576 = tpu.vector_load %arg16[%get3A_575] {strides = array<i32>} : memref<80xi32, #tpu.memory_space<vmem>>, vector<16xi32>,
      %gather3A_577 = tpu.vector_load_idx %arg32[%get3A_574] : memref<10000xf32, #tpu.memory_space<vmem>>[vector<16xi32>], vector<16xf32>,
      %gather3A_578 = tpu.vector_load_idx %arg33[%get3A_576] : memref<10000xf32, #tpu.memory_space<vmem>>[vector<16xi32>], vector<16xf32>,
      %add3A_579 = arith.addf %gather3A_577, %gather3A_578 : vector<16xf32>
      %swap3A_580 = arith.constant 32 : index
      %swap3A_581 = tpu.vector_load %arg28[%swap3A_580] {strides = array<i32>} : memref<80xf32, #tpu.memory_space<vmem>>, vector<16xf32>,
      tpu.vector_store %arg28[%swap3A_580], %add3A_579 {strides = array<i32>} : memref<80xf32, #tpu.memory_space<vmem>>, vector<16xf32>,
      %get3A_582 = arith.constant 48 : index
      %get3A_583 = tpu.vector_load %arg12[%get3A_582] {strides = array<i32>} : memref<80xi32, #tpu.memory_space<vmem>>, vector<16xi32>,
      %get3A_584 = arith.constant 48 : index
      %get3A_585 = tpu.vector_load %arg16[%get3A_584] {strides = array<i32>} : memref<80xi32, #tpu.memory_space<vmem>>, vector<16xi32>,
      %gather3A_586 = tpu.vector_load_idx %arg32[%get3A_583] : memref<10000xf32, #tpu.memory_space<vmem>>[vector<16xi32>], vector<16xf32>,
      %gather3A_587 = tpu.vector_load_idx %arg33[%get3A_585] : memref<10000xf32, #tpu.memory_space<vmem>>[vector<16xi32>], vector<16xf32>,
      %add3A_588 = arith.addf %gather3A_586, %gather3A_587 : vector<16xf32>
      %swap3A_589 = arith.constant 48 : index
      %swap3A_590 = tpu.vector_load %arg28[%swap3A_589] {strides = array<i32>} : memref<80xf32, #tpu.memory_space<vmem>>, vector<16xf32>,
      tpu.vector_store %arg28[%swap3A_589], %add3A_588 {strides = array<i32>} : memref<80xf32, #tpu.memory_space<vmem>>, vector<16xf32>,
      %get3A_591 = arith.constant 64 : index
      %get3A_592 = tpu.vector_load %arg12[%get3A_591] {strides = array<i32>} : memref<80xi32, #tpu.memory_space<vmem>>, vector<16xi32>,
      %get3A_593 = arith.constant 64 : index
      %get3A_594 = tpu.vector_load %arg16[%get3A_593] {strides = array<i32>} : memref<80xi32, #tpu.memory_space<vmem>>, vector<16xi32>,
      %gather3A_595 = tpu.vector_load_idx %arg32[%get3A_592] : memref<10000xf32, #tpu.memory_space<vmem>>[vector<16xi32>], vector<16xf32>,
      %gather3A_596 = tpu.vector_load_idx %arg33[%get3A_594] : memref<10000xf32, #tpu.memory_space<vmem>>[vector<16xi32>], vector<16xf32>,
      %add3A_597 = arith.addf %gather3A_595, %gather3A_596 : vector<16xf32>
      %swap3A_598 = arith.constant 64 : index
      %swap3A_599 = tpu.vector_load %arg28[%swap3A_598] {strides = array<i32>} : memref<80xf32, #tpu.memory_space<vmem>>, vector<16xf32>,
      tpu.vector_store %arg28[%swap3A_598], %add3A_597 {strides = array<i32>} : memref<80xf32, #tpu.memory_space<vmem>>, vector<16xf32>,
      %dma_wait3A_600 = arith.constant 0 : i32
      %dma_wait3A_601 = arith.constant 0 : i32
      %dma_wait3A_602 = tpu.memref_slice %arg2[%dma_wait3A_600, %dma_wait3A_601] : memref<10000x128xf32, #tpu.memory_space<hbm>> -> memref<10000x128xf32, #tpu.memory_space<hbm>>
      tpu.wait_indirect_dma semaphore(%arg38 : memref<!tpu.dma_semaphore, #tpu.memory_space<semaphore_mem>>) src(%dma_wait3A_602 : memref<10000x128xf32, #tpu.memory_space<hbm>>) dst(%arg20 : memref<80x128xf32, #tpu.memory_space<vmem>>)
      %dma_wait3A_603 = arith.constant 0 : i32
      %dma_wait3A_604 = arith.constant 0 : i32
      %dma_wait3A_605 = tpu.memref_slice %arg2[%dma_wait3A_603, %dma_wait3A_604] : memref<10000x128xf32, #tpu.memory_space<hbm>> -> memref<10000x128xf32, #tpu.memory_space<hbm>>
      tpu.wait_indirect_dma semaphore(%arg38 : memref<!tpu.dma_semaphore, #tpu.memory_space<semaphore_mem>>) src(%dma_wait3A_605 : memref<10000x128xf32, #tpu.memory_space<hbm>>) dst(%arg24 : memref<80x128xf32, #tpu.memory_space<vmem>>)
      %add3A_606 = arith.constant 0 : i32
      %add3A_607 = arith.addi %mul3A_230, %add3A_606 : i32
      %mul3A_608 = arith.constant 80 : i32
      %mul3A_609 = arith.muli %add3A_607, %mul3A_608 : i32
      %add3A_610 = arith.addi %mul3A_2, %mul3A_609 : i32
      %dma_start3A_611 = arith.constant 0 : i32
      %dma_start3A_612 = tpu.memref_slice %arg6[%add3A_610, %dma_start3A_611] : memref<320000x256xf32, #tpu.memory_space<hbm>> -> memref<80x128xf32, #tpu.memory_space<hbm>>
      %dma_start3A_613 = arith.constant 0 : i32
      %dma_start3A_614 = tpu.memref_slice %arg6[%add3A_610, %dma_start3A_613] : memref<320000x256xf32, #tpu.memory_space<hbm>> -> memref<80x128xf32, #tpu.memory_space<hbm>>
      tpu.enqueue_dma source(%arg20 : memref<80x128xf32, #tpu.memory_space<vmem>>) target(%dma_start3A_614 : memref<80x128xf32, #tpu.memory_space<hbm>>) target_semaphore(%arg42 : memref<!tpu.dma_semaphore, #tpu.memory_space<semaphore_mem>>)
      %dma_start3A_615 = arith.constant 128 : i32
      %dma_start3A_616 = tpu.memref_slice %arg6[%add3A_610, %dma_start3A_615] : memref<320000x256xf32, #tpu.memory_space<hbm>> -> memref<80x128xf32, #tpu.memory_space<hbm>>
      %dma_start3A_617 = arith.constant 128 : i32
      %dma_start3A_618 = tpu.memref_slice %arg6[%add3A_610, %dma_start3A_617] : memref<320000x256xf32, #tpu.memory_space<hbm>> -> memref<80x128xf32, #tpu.memory_space<hbm>>
      tpu.enqueue_dma source(%arg24 : memref<80x128xf32, #tpu.memory_space<vmem>>) target(%dma_start3A_618 : memref<80x128xf32, #tpu.memory_space<hbm>>) target_semaphore(%arg42 : memref<!tpu.dma_semaphore, #tpu.memory_space<semaphore_mem>>)
      %dma_start3A_619 = tpu.memref_slice %arg7[%add3A_610] : memref<320000xf32, #tpu.memory_space<hbm>> -> memref<80xf32, #tpu.memory_space<hbm>>
      %dma_start3A_620 = tpu.memref_slice %arg7[%add3A_610] : memref<320000xf32, #tpu.memory_space<hbm>> -> memref<80xf32, #tpu.memory_space<hbm>>
      tpu.enqueue_dma source(%arg28 : memref<80xf32, #tpu.memory_space<vmem>>) target(%dma_start3A_620 : memref<80xf32, #tpu.memory_space<hbm>>) target_semaphore(%arg42 : memref<!tpu.dma_semaphore, #tpu.memory_space<semaphore_mem>>)
      %get3A_621 = arith.constant 0 : index
      %get3A_622 = tpu.vector_load %arg13[%get3A_621] {strides = array<i32>} : memref<80xi32, #tpu.memory_space<vmem>>, vector<16xi32>,
      %get3A_623 = arith.constant 0 : index
      %get3A_624 = tpu.vector_load %arg17[%get3A_623] {strides = array<i32>} : memref<80xi32, #tpu.memory_space<vmem>>, vector<16xi32>,
      %gather3A_625 = tpu.vector_load_idx %arg32[%get3A_622] : memref<10000xf32, #tpu.memory_space<vmem>>[vector<16xi32>], vector<16xf32>,
      %gather3A_626 = tpu.vector_load_idx %arg33[%get3A_624] : memref<10000xf32, #tpu.memory_space<vmem>>[vector<16xi32>], vector<16xf32>,
      %add3A_627 = arith.addf %gather3A_625, %gather3A_626 : vector<16xf32>
      %swap3A_628 = arith.constant 0 : index
      %swap3A_629 = tpu.vector_load %arg29[%swap3A_628] {strides = array<i32>} : memref<80xf32, #tpu.memory_space<vmem>>, vector<16xf32>,
      tpu.vector_store %arg29[%swap3A_628], %add3A_627 {strides = array<i32>} : memref<80xf32, #tpu.memory_space<vmem>>, vector<16xf32>,
      %get3A_630 = arith.constant 16 : index
      %get3A_631 = tpu.vector_load %arg13[%get3A_630] {strides = array<i32>} : memref<80xi32, #tpu.memory_space<vmem>>, vector<16xi32>,
      %get3A_632 = arith.constant 16 : index
      %get3A_633 = tpu.vector_load %arg17[%get3A_632] {strides = array<i32>} : memref<80xi32, #tpu.memory_space<vmem>>, vector<16xi32>,
      %gather3A_634 = tpu.vector_load_idx %arg32[%get3A_631] : memref<10000xf32, #tpu.memory_space<vmem>>[vector<16xi32>], vector<16xf32>,
      %gather3A_635 = tpu.vector_load_idx %arg33[%get3A_633] : memref<10000xf32, #tpu.memory_space<vmem>>[vector<16xi32>], vector<16xf32>,
      %add3A_636 = arith.addf %gather3A_634, %gather3A_635 : vector<16xf32>
      %swap3A_637 = arith.constant 16 : index
      %swap3A_638 = tpu.vector_load %arg29[%swap3A_637] {strides = array<i32>} : memref<80xf32, #tpu.memory_space<vmem>>, vector<16xf32>,
      tpu.vector_store %arg29[%swap3A_637], %add3A_636 {strides = array<i32>} : memref<80xf32, #tpu.memory_space<vmem>>, vector<16xf32>,
      %get3A_639 = arith.constant 32 : index
      %get3A_640 = tpu.vector_load %arg13[%get3A_639] {strides = array<i32>} : memref<80xi32, #tpu.memory_space<vmem>>, vector<16xi32>,
      %get3A_641 = arith.constant 32 : index
      %get3A_642 = tpu.vector_load %arg17[%get3A_641] {strides = array<i32>} : memref<80xi32, #tpu.memory_space<vmem>>, vector<16xi32>,
      %gather3A_643 = tpu.vector_load_idx %arg32[%get3A_640] : memref<10000xf32, #tpu.memory_space<vmem>>[vector<16xi32>], vector<16xf32>,
      %gather3A_644 = tpu.vector_load_idx %arg33[%get3A_642] : memref<10000xf32, #tpu.memory_space<vmem>>[vector<16xi32>], vector<16xf32>,
      %add3A_645 = arith.addf %gather3A_643, %gather3A_644 : vector<16xf32>
      %swap3A_646 = arith.constant 32 : index
      %swap3A_647 = tpu.vector_load %arg29[%swap3A_646] {strides = array<i32>} : memref<80xf32, #tpu.memory_space<vmem>>, vector<16xf32>,
      tpu.vector_store %arg29[%swap3A_646], %add3A_645 {strides = array<i32>} : memref<80xf32, #tpu.memory_space<vmem>>, vector<16xf32>,
      %get3A_648 = arith.constant 48 : index
      %get3A_649 = tpu.vector_load %arg13[%get3A_648] {strides = array<i32>} : memref<80xi32, #tpu.memory_space<vmem>>, vector<16xi32>,
      %get3A_650 = arith.constant 48 : index
      %get3A_651 = tpu.vector_load %arg17[%get3A_650] {strides = array<i32>} : memref<80xi32, #tpu.memory_space<vmem>>, vector<16xi32>,
      %gather3A_652 = tpu.vector_load_idx %arg32[%get3A_649] : memref<10000xf32, #tpu.memory_space<vmem>>[vector<16xi32>], vector<16xf32>,
      %gather3A_653 = tpu.vector_load_idx %arg33[%get3A_651] : memref<10000xf32, #tpu.memory_space<vmem>>[vector<16xi32>], vector<16xf32>,
      %add3A_654 = arith.addf %gather3A_652, %gather3A_653 : vector<16xf32>
      %swap3A_655 = arith.constant 48 : index
      %swap3A_656 = tpu.vector_load %arg29[%swap3A_655] {strides = array<i32>} : memref<80xf32, #tpu.memory_space<vmem>>, vector<16xf32>,
      tpu.vector_store %arg29[%swap3A_655], %add3A_654 {strides = array<i32>} : memref<80xf32, #tpu.memory_space<vmem>>, vector<16xf32>,
      %get3A_657 = arith.constant 64 : index
      %get3A_658 = tpu.vector_load %arg13[%get3A_657] {strides = array<i32>} : memref<80xi32, #tpu.memory_space<vmem>>, vector<16xi32>,
      %get3A_659 = arith.constant 64 : index
      %get3A_660 = tpu.vector_load %arg17[%get3A_659] {strides = array<i32>} : memref<80xi32, #tpu.memory_space<vmem>>, vector<16xi32>,
      %gather3A_661 = tpu.vector_load_idx %arg32[%get3A_658] : memref<10000xf32, #tpu.memory_space<vmem>>[vector<16xi32>], vector<16xf32>,
      %gather3A_662 = tpu.vector_load_idx %arg33[%get3A_660] : memref<10000xf32, #tpu.memory_space<vmem>>[vector<16xi32>], vector<16xf32>,
      %add3A_663 = arith.addf %gather3A_661, %gather3A_662 : vector<16xf32>
      %swap3A_664 = arith.constant 64 : index
      %swap3A_665 = tpu.vector_load %arg29[%swap3A_664] {strides = array<i32>} : memref<80xf32, #tpu.memory_space<vmem>>, vector<16xf32>,
      tpu.vector_store %arg29[%swap3A_664], %add3A_663 {strides = array<i32>} : memref<80xf32, #tpu.memory_space<vmem>>, vector<16xf32>,
      %dma_wait3A_666 = arith.constant 0 : i32
      %dma_wait3A_667 = arith.constant 0 : i32
      %dma_wait3A_668 = tpu.memref_slice %arg2[%dma_wait3A_666, %dma_wait3A_667] : memref<10000x128xf32, #tpu.memory_space<hbm>> -> memref<10000x128xf32, #tpu.memory_space<hbm>>
      tpu.wait_indirect_dma semaphore(%arg39 : memref<!tpu.dma_semaphore, #tpu.memory_space<semaphore_mem>>) src(%dma_wait3A_668 : memref<10000x128xf32, #tpu.memory_space<hbm>>) dst(%arg21 : memref<80x128xf32, #tpu.memory_space<vmem>>)
      %dma_wait3A_669 = arith.constant 0 : i32
      %dma_wait3A_670 = arith.constant 0 : i32
      %dma_wait3A_671 = tpu.memref_slice %arg2[%dma_wait3A_669, %dma_wait3A_670] : memref<10000x128xf32, #tpu.memory_space<hbm>> -> memref<10000x128xf32, #tpu.memory_space<hbm>>
      tpu.wait_indirect_dma semaphore(%arg39 : memref<!tpu.dma_semaphore, #tpu.memory_space<semaphore_mem>>) src(%dma_wait3A_671 : memref<10000x128xf32, #tpu.memory_space<hbm>>) dst(%arg25 : memref<80x128xf32, #tpu.memory_space<vmem>>)
      %add3A_672 = arith.constant 1 : i32
      %add3A_673 = arith.addi %mul3A_230, %add3A_672 : i32
      %mul3A_674 = arith.constant 80 : i32
      %mul3A_675 = arith.muli %add3A_673, %mul3A_674 : i32
      %add3A_676 = arith.addi %mul3A_2, %mul3A_675 : i32
      %dma_start3A_677 = arith.constant 0 : i32
      %dma_start3A_678 = tpu.memref_slice %arg6[%add3A_676, %dma_start3A_677] : memref<320000x256xf32, #tpu.memory_space<hbm>> -> memref<80x128xf32, #tpu.memory_space<hbm>>
      %dma_start3A_679 = arith.constant 0 : i32
      %dma_start3A_680 = tpu.memref_slice %arg6[%add3A_676, %dma_start3A_679] : memref<320000x256xf32, #tpu.memory_space<hbm>> -> memref<80x128xf32, #tpu.memory_space<hbm>>
      tpu.enqueue_dma source(%arg21 : memref<80x128xf32, #tpu.memory_space<vmem>>) target(%dma_start3A_680 : memref<80x128xf32, #tpu.memory_space<hbm>>) target_semaphore(%arg43 : memref<!tpu.dma_semaphore, #tpu.memory_space<semaphore_mem>>)
      %dma_start3A_681 = arith.constant 128 : i32
      %dma_start3A_682 = tpu.memref_slice %arg6[%add3A_676, %dma_start3A_681] : memref<320000x256xf32, #tpu.memory_space<hbm>> -> memref<80x128xf32, #tpu.memory_space<hbm>>
      %dma_start3A_683 = arith.constant 128 : i32
      %dma_start3A_684 = tpu.memref_slice %arg6[%add3A_676, %dma_start3A_683] : memref<320000x256xf32, #tpu.memory_space<hbm>> -> memref<80x128xf32, #tpu.memory_space<hbm>>
      tpu.enqueue_dma source(%arg25 : memref<80x128xf32, #tpu.memory_space<vmem>>) target(%dma_start3A_684 : memref<80x128xf32, #tpu.memory_space<hbm>>) target_semaphore(%arg43 : memref<!tpu.dma_semaphore, #tpu.memory_space<semaphore_mem>>)
      %dma_start3A_685 = tpu.memref_slice %arg7[%add3A_676] : memref<320000xf32, #tpu.memory_space<hbm>> -> memref<80xf32, #tpu.memory_space<hbm>>
      %dma_start3A_686 = tpu.memref_slice %arg7[%add3A_676] : memref<320000xf32, #tpu.memory_space<hbm>> -> memref<80xf32, #tpu.memory_space<hbm>>
      tpu.enqueue_dma source(%arg29 : memref<80xf32, #tpu.memory_space<vmem>>) target(%dma_start3A_686 : memref<80xf32, #tpu.memory_space<hbm>>) target_semaphore(%arg43 : memref<!tpu.dma_semaphore, #tpu.memory_space<semaphore_mem>>)
      %get3A_687 = arith.constant 0 : index
      %get3A_688 = tpu.vector_load %arg14[%get3A_687] {strides = array<i32>} : memref<80xi32, #tpu.memory_space<vmem>>, vector<16xi32>,
      %get3A_689 = arith.constant 0 : index
      %get3A_690 = tpu.vector_load %arg18[%get3A_689] {strides = array<i32>} : memref<80xi32, #tpu.memory_space<vmem>>, vector<16xi32>,
      %gather3A_691 = tpu.vector_load_idx %arg32[%get3A_688] : memref<10000xf32, #tpu.memory_space<vmem>>[vector<16xi32>], vector<16xf32>,
      %gather3A_692 = tpu.vector_load_idx %arg33[%get3A_690] : memref<10000xf32, #tpu.memory_space<vmem>>[vector<16xi32>], vector<16xf32>,
      %add3A_693 = arith.addf %gather3A_691, %gather3A_692 : vector<16xf32>
      %swap3A_694 = arith.constant 0 : index
      %swap3A_695 = tpu.vector_load %arg30[%swap3A_694] {strides = array<i32>} : memref<80xf32, #tpu.memory_space<vmem>>, vector<16xf32>,
      tpu.vector_store %arg30[%swap3A_694], %add3A_693 {strides = array<i32>} : memref<80xf32, #tpu.memory_space<vmem>>, vector<16xf32>,
      %get3A_696 = arith.constant 16 : index
      %get3A_697 = tpu.vector_load %arg14[%get3A_696] {strides = array<i32>} : memref<80xi32, #tpu.memory_space<vmem>>, vector<16xi32>,
      %get3A_698 = arith.constant 16 : index
      %get3A_699 = tpu.vector_load %arg18[%get3A_698] {strides = array<i32>} : memref<80xi32, #tpu.memory_space<vmem>>, vector<16xi32>,
      %gather3A_700 = tpu.vector_load_idx %arg32[%get3A_697] : memref<10000xf32, #tpu.memory_space<vmem>>[vector<16xi32>], vector<16xf32>,
      %gather3A_701 = tpu.vector_load_idx %arg33[%get3A_699] : memref<10000xf32, #tpu.memory_space<vmem>>[vector<16xi32>], vector<16xf32>,
      %add3A_702 = arith.addf %gather3A_700, %gather3A_701 : vector<16xf32>
      %swap3A_703 = arith.constant 16 : index
      %swap3A_704 = tpu.vector_load %arg30[%swap3A_703] {strides = array<i32>} : memref<80xf32, #tpu.memory_space<vmem>>, vector<16xf32>,
      tpu.vector_store %arg30[%swap3A_703], %add3A_702 {strides = array<i32>} : memref<80xf32, #tpu.memory_space<vmem>>, vector<16xf32>,
      %get3A_705 = arith.constant 32 : index
      %get3A_706 = tpu.vector_load %arg14[%get3A_705] {strides = array<i32>} : memref<80xi32, #tpu.memory_space<vmem>>, vector<16xi32>,
      %get3A_707 = arith.constant 32 : index
      %get3A_708 = tpu.vector_load %arg18[%get3A_707] {strides = array<i32>} : memref<80xi32, #tpu.memory_space<vmem>>, vector<16xi32>,
      %gather3A_709 = tpu.vector_load_idx %arg32[%get3A_706] : memref<10000xf32, #tpu.memory_space<vmem>>[vector<16xi32>], vector<16xf32>,
      %gather3A_710 = tpu.vector_load_idx %arg33[%get3A_708] : memref<10000xf32, #tpu.memory_space<vmem>>[vector<16xi32>], vector<16xf32>,
      %add3A_711 = arith.addf %gather3A_709, %gather3A_710 : vector<16xf32>
      %swap3A_712 = arith.constant 32 : index
      %swap3A_713 = tpu.vector_load %arg30[%swap3A_712] {strides = array<i32>} : memref<80xf32, #tpu.memory_space<vmem>>, vector<16xf32>,
      tpu.vector_store %arg30[%swap3A_712], %add3A_711 {strides = array<i32>} : memref<80xf32, #tpu.memory_space<vmem>>, vector<16xf32>,
      %get3A_714 = arith.constant 48 : index
      %get3A_715 = tpu.vector_load %arg14[%get3A_714] {strides = array<i32>} : memref<80xi32, #tpu.memory_space<vmem>>, vector<16xi32>,
      %get3A_716 = arith.constant 48 : index
      %get3A_717 = tpu.vector_load %arg18[%get3A_716] {strides = array<i32>} : memref<80xi32, #tpu.memory_space<vmem>>, vector<16xi32>,
      %gather3A_718 = tpu.vector_load_idx %arg32[%get3A_715] : memref<10000xf32, #tpu.memory_space<vmem>>[vector<16xi32>], vector<16xf32>,
      %gather3A_719 = tpu.vector_load_idx %arg33[%get3A_717] : memref<10000xf32, #tpu.memory_space<vmem>>[vector<16xi32>], vector<16xf32>,
      %add3A_720 = arith.addf %gather3A_718, %gather3A_719 : vector<16xf32>
      %swap3A_721 = arith.constant 48 : index
      %swap3A_722 = tpu.vector_load %arg30[%swap3A_721] {strides = array<i32>} : memref<80xf32, #tpu.memory_space<vmem>>, vector<16xf32>,
      tpu.vector_store %arg30[%swap3A_721], %add3A_720 {strides = array<i32>} : memref<80xf32, #tpu.memory_space<vmem>>, vector<16xf32>,
      %get3A_723 = arith.constant 64 : index
      %get3A_724 = tpu.vector_load %arg14[%get3A_723] {strides = array<i32>} : memref<80xi32, #tpu.memory_space<vmem>>, vector<16xi32>,
      %get3A_725 = arith.constant 64 : index
      %get3A_726 = tpu.vector_load %arg18[%get3A_725] {strides = array<i32>} : memref<80xi32, #tpu.memory_space<vmem>>, vector<16xi32>,
      %gather3A_727 = tpu.vector_load_idx %arg32[%get3A_724] : memref<10000xf32, #tpu.memory_space<vmem>>[vector<16xi32>], vector<16xf32>,
      %gather3A_728 = tpu.vector_load_idx %arg33[%get3A_726] : memref<10000xf32, #tpu.memory_space<vmem>>[vector<16xi32>], vector<16xf32>,
      %add3A_729 = arith.addf %gather3A_727, %gather3A_728 : vector<16xf32>
      %swap3A_730 = arith.constant 64 : index
      %swap3A_731 = tpu.vector_load %arg30[%swap3A_730] {strides = array<i32>} : memref<80xf32, #tpu.memory_space<vmem>>, vector<16xf32>,
      tpu.vector_store %arg30[%swap3A_730], %add3A_729 {strides = array<i32>} : memref<80xf32, #tpu.memory_space<vmem>>, vector<16xf32>,
      %dma_wait3A_732 = arith.constant 0 : i32
      %dma_wait3A_733 = arith.constant 0 : i32
      %dma_wait3A_734 = tpu.memref_slice %arg2[%dma_wait3A_732, %dma_wait3A_733] : memref<10000x128xf32, #tpu.memory_space<hbm>> -> memref<10000x128xf32, #tpu.memory_space<hbm>>
      tpu.wait_indirect_dma semaphore(%arg40 : memref<!tpu.dma_semaphore, #tpu.memory_space<semaphore_mem>>) src(%dma_wait3A_734 : memref<10000x128xf32, #tpu.memory_space<hbm>>) dst(%arg22 : memref<80x128xf32, #tpu.memory_space<vmem>>)
      %dma_wait3A_735 = arith.constant 0 : i32
      %dma_wait3A_736 = arith.constant 0 : i32
      %dma_wait3A_737 = tpu.memref_slice %arg2[%dma_wait3A_735, %dma_wait3A_736] : memref<10000x128xf32, #tpu.memory_space<hbm>> -> memref<10000x128xf32, #tpu.memory_space<hbm>>
      tpu.wait_indirect_dma semaphore(%arg40 : memref<!tpu.dma_semaphore, #tpu.memory_space<semaphore_mem>>) src(%dma_wait3A_737 : memref<10000x128xf32, #tpu.memory_space<hbm>>) dst(%arg26 : memref<80x128xf32, #tpu.memory_space<vmem>>)
      %add3A_738 = arith.constant 2 : i32
      %add3A_739 = arith.addi %mul3A_230, %add3A_738 : i32
      %mul3A_740 = arith.constant 80 : i32
      %mul3A_741 = arith.muli %add3A_739, %mul3A_740 : i32
      %add3A_742 = arith.addi %mul3A_2, %mul3A_741 : i32
      %dma_start3A_743 = arith.constant 0 : i32
      %dma_start3A_744 = tpu.memref_slice %arg6[%add3A_742, %dma_start3A_743] : memref<320000x256xf32, #tpu.memory_space<hbm>> -> memref<80x128xf32, #tpu.memory_space<hbm>>
      %dma_start3A_745 = arith.constant 0 : i32
      %dma_start3A_746 = tpu.memref_slice %arg6[%add3A_742, %dma_start3A_745] : memref<320000x256xf32, #tpu.memory_space<hbm>> -> memref<80x128xf32, #tpu.memory_space<hbm>>
      tpu.enqueue_dma source(%arg22 : memref<80x128xf32, #tpu.memory_space<vmem>>) target(%dma_start3A_746 : memref<80x128xf32, #tpu.memory_space<hbm>>) target_semaphore(%arg44 : memref<!tpu.dma_semaphore, #tpu.memory_space<semaphore_mem>>)
      %dma_start3A_747 = arith.constant 128 : i32
      %dma_start3A_748 = tpu.memref_slice %arg6[%add3A_742, %dma_start3A_747] : memref<320000x256xf32, #tpu.memory_space<hbm>> -> memref<80x128xf32, #tpu.memory_space<hbm>>
      %dma_start3A_749 = arith.constant 128 : i32
      %dma_start3A_750 = tpu.memref_slice %arg6[%add3A_742, %dma_start3A_749] : memref<320000x256xf32, #tpu.memory_space<hbm>> -> memref<80x128xf32, #tpu.memory_space<hbm>>
      tpu.enqueue_dma source(%arg26 : memref<80x128xf32, #tpu.memory_space<vmem>>) target(%dma_start3A_750 : memref<80x128xf32, #tpu.memory_space<hbm>>) target_semaphore(%arg44 : memref<!tpu.dma_semaphore, #tpu.memory_space<semaphore_mem>>)
      %dma_start3A_751 = tpu.memref_slice %arg7[%add3A_742] : memref<320000xf32, #tpu.memory_space<hbm>> -> memref<80xf32, #tpu.memory_space<hbm>>
      %dma_start3A_752 = tpu.memref_slice %arg7[%add3A_742] : memref<320000xf32, #tpu.memory_space<hbm>> -> memref<80xf32, #tpu.memory_space<hbm>>
      tpu.enqueue_dma source(%arg30 : memref<80xf32, #tpu.memory_space<vmem>>) target(%dma_start3A_752 : memref<80xf32, #tpu.memory_space<hbm>>) target_semaphore(%arg44 : memref<!tpu.dma_semaphore, #tpu.memory_space<semaphore_mem>>)
      %get3A_753 = arith.constant 0 : index
      %get3A_754 = tpu.vector_load %arg15[%get3A_753] {strides = array<i32>} : memref<80xi32, #tpu.memory_space<vmem>>, vector<16xi32>,
      %get3A_755 = arith.constant 0 : index
      %get3A_756 = tpu.vector_load %arg19[%get3A_755] {strides = array<i32>} : memref<80xi32, #tpu.memory_space<vmem>>, vector<16xi32>,
      %gather3A_757 = tpu.vector_load_idx %arg32[%get3A_754] : memref<10000xf32, #tpu.memory_space<vmem>>[vector<16xi32>], vector<16xf32>,
      %gather3A_758 = tpu.vector_load_idx %arg33[%get3A_756] : memref<10000xf32, #tpu.memory_space<vmem>>[vector<16xi32>], vector<16xf32>,
      %add3A_759 = arith.addf %gather3A_757, %gather3A_758 : vector<16xf32>
      %swap3A_760 = arith.constant 0 : index
      %swap3A_761 = tpu.vector_load %arg31[%swap3A_760] {strides = array<i32>} : memref<80xf32, #tpu.memory_space<vmem>>, vector<16xf32>,
      tpu.vector_store %arg31[%swap3A_760], %add3A_759 {strides = array<i32>} : memref<80xf32, #tpu.memory_space<vmem>>, vector<16xf32>,
      %get3A_762 = arith.constant 16 : index
      %get3A_763 = tpu.vector_load %arg15[%get3A_762] {strides = array<i32>} : memref<80xi32, #tpu.memory_space<vmem>>, vector<16xi32>,
      %get3A_764 = arith.constant 16 : index
      %get3A_765 = tpu.vector_load %arg19[%get3A_764] {strides = array<i32>} : memref<80xi32, #tpu.memory_space<vmem>>, vector<16xi32>,
      %gather3A_766 = tpu.vector_load_idx %arg32[%get3A_763] : memref<10000xf32, #tpu.memory_space<vmem>>[vector<16xi32>], vector<16xf32>,
      %gather3A_767 = tpu.vector_load_idx %arg33[%get3A_765] : memref<10000xf32, #tpu.memory_space<vmem>>[vector<16xi32>], vector<16xf32>,
      %add3A_768 = arith.addf %gather3A_766, %gather3A_767 : vector<16xf32>
      %swap3A_769 = arith.constant 16 : index
      %swap3A_770 = tpu.vector_load %arg31[%swap3A_769] {strides = array<i32>} : memref<80xf32, #tpu.memory_space<vmem>>, vector<16xf32>,
      tpu.vector_store %arg31[%swap3A_769], %add3A_768 {strides = array<i32>} : memref<80xf32, #tpu.memory_space<vmem>>, vector<16xf32>,
      %get3A_771 = arith.constant 32 : index
      %get3A_772 = tpu.vector_load %arg15[%get3A_771] {strides = array<i32>} : memref<80xi32, #tpu.memory_space<vmem>>, vector<16xi32>,
      %get3A_773 = arith.constant 32 : index
      %get3A_774 = tpu.vector_load %arg19[%get3A_773] {strides = array<i32>} : memref<80xi32, #tpu.memory_space<vmem>>, vector<16xi32>,
      %gather3A_775 = tpu.vector_load_idx %arg32[%get3A_772] : memref<10000xf32, #tpu.memory_space<vmem>>[vector<16xi32>], vector<16xf32>,
      %gather3A_776 = tpu.vector_load_idx %arg33[%get3A_774] : memref<10000xf32, #tpu.memory_space<vmem>>[vector<16xi32>], vector<16xf32>,
      %add3A_777 = arith.addf %gather3A_775, %gather3A_776 : vector<16xf32>
      %swap3A_778 = arith.constant 32 : index
      %swap3A_779 = tpu.vector_load %arg31[%swap3A_778] {strides = array<i32>} : memref<80xf32, #tpu.memory_space<vmem>>, vector<16xf32>,
      tpu.vector_store %arg31[%swap3A_778], %add3A_777 {strides = array<i32>} : memref<80xf32, #tpu.memory_space<vmem>>, vector<16xf32>,
      %get3A_780 = arith.constant 48 : index
      %get3A_781 = tpu.vector_load %arg15[%get3A_780] {strides = array<i32>} : memref<80xi32, #tpu.memory_space<vmem>>, vector<16xi32>,
      %get3A_782 = arith.constant 48 : index
      %get3A_783 = tpu.vector_load %arg19[%get3A_782] {strides = array<i32>} : memref<80xi32, #tpu.memory_space<vmem>>, vector<16xi32>,
      %gather3A_784 = tpu.vector_load_idx %arg32[%get3A_781] : memref<10000xf32, #tpu.memory_space<vmem>>[vector<16xi32>], vector<16xf32>,
      %gather3A_785 = tpu.vector_load_idx %arg33[%get3A_783] : memref<10000xf32, #tpu.memory_space<vmem>>[vector<16xi32>], vector<16xf32>,
      %add3A_786 = arith.addf %gather3A_784, %gather3A_785 : vector<16xf32>
      %swap3A_787 = arith.constant 48 : index
      %swap3A_788 = tpu.vector_load %arg31[%swap3A_787] {strides = array<i32>} : memref<80xf32, #tpu.memory_space<vmem>>, vector<16xf32>,
      tpu.vector_store %arg31[%swap3A_787], %add3A_786 {strides = array<i32>} : memref<80xf32, #tpu.memory_space<vmem>>, vector<16xf32>,
      %get3A_789 = arith.constant 64 : index
      %get3A_790 = tpu.vector_load %arg15[%get3A_789] {strides = array<i32>} : memref<80xi32, #tpu.memory_space<vmem>>, vector<16xi32>,
      %get3A_791 = arith.constant 64 : index
      %get3A_792 = tpu.vector_load %arg19[%get3A_791] {strides = array<i32>} : memref<80xi32, #tpu.memory_space<vmem>>, vector<16xi32>,
      %gather3A_793 = tpu.vector_load_idx %arg32[%get3A_790] : memref<10000xf32, #tpu.memory_space<vmem>>[vector<16xi32>], vector<16xf32>,
      %gather3A_794 = tpu.vector_load_idx %arg33[%get3A_792] : memref<10000xf32, #tpu.memory_space<vmem>>[vector<16xi32>], vector<16xf32>,
      %add3A_795 = arith.addf %gather3A_793, %gather3A_794 : vector<16xf32>
      %swap3A_796 = arith.constant 64 : index
      %swap3A_797 = tpu.vector_load %arg31[%swap3A_796] {strides = array<i32>} : memref<80xf32, #tpu.memory_space<vmem>>, vector<16xf32>,
      tpu.vector_store %arg31[%swap3A_796], %add3A_795 {strides = array<i32>} : memref<80xf32, #tpu.memory_space<vmem>>, vector<16xf32>,
      %dma_wait3A_798 = arith.constant 0 : i32
      %dma_wait3A_799 = arith.constant 0 : i32
      %dma_wait3A_800 = tpu.memref_slice %arg2[%dma_wait3A_798, %dma_wait3A_799] : memref<10000x128xf32, #tpu.memory_space<hbm>> -> memref<10000x128xf32, #tpu.memory_space<hbm>>
      tpu.wait_indirect_dma semaphore(%arg41 : memref<!tpu.dma_semaphore, #tpu.memory_space<semaphore_mem>>) src(%dma_wait3A_800 : memref<10000x128xf32, #tpu.memory_space<hbm>>) dst(%arg23 : memref<80x128xf32, #tpu.memory_space<vmem>>)
      %dma_wait3A_801 = arith.constant 0 : i32
      %dma_wait3A_802 = arith.constant 0 : i32
      %dma_wait3A_803 = tpu.memref_slice %arg2[%dma_wait3A_801, %dma_wait3A_802] : memref<10000x128xf32, #tpu.memory_space<hbm>> -> memref<10000x128xf32, #tpu.memory_space<hbm>>
      tpu.wait_indirect_dma semaphore(%arg41 : memref<!tpu.dma_semaphore, #tpu.memory_space<semaphore_mem>>) src(%dma_wait3A_803 : memref<10000x128xf32, #tpu.memory_space<hbm>>) dst(%arg27 : memref<80x128xf32, #tpu.memory_space<vmem>>)
      %add3A_804 = arith.constant 3 : i32
      %add3A_805 = arith.addi %mul3A_230, %add3A_804 : i32
      %mul3A_806 = arith.constant 80 : i32
      %mul3A_807 = arith.muli %add3A_805, %mul3A_806 : i32
      %add3A_808 = arith.addi %mul3A_2, %mul3A_807 : i32
      %dma_start3A_809 = arith.constant 0 : i32
      %dma_start3A_810 = tpu.memref_slice %arg6[%add3A_808, %dma_start3A_809] : memref<320000x256xf32, #tpu.memory_space<hbm>> -> memref<80x128xf32, #tpu.memory_space<hbm>>
      %dma_start3A_811 = arith.constant 0 : i32
      %dma_start3A_812 = tpu.memref_slice %arg6[%add3A_808, %dma_start3A_811] : memref<320000x256xf32, #tpu.memory_space<hbm>> -> memref<80x128xf32, #tpu.memory_space<hbm>>
      tpu.enqueue_dma source(%arg23 : memref<80x128xf32, #tpu.memory_space<vmem>>) target(%dma_start3A_812 : memref<80x128xf32, #tpu.memory_space<hbm>>) target_semaphore(%arg45 : memref<!tpu.dma_semaphore, #tpu.memory_space<semaphore_mem>>)
      %dma_start3A_813 = arith.constant 128 : i32
      %dma_start3A_814 = tpu.memref_slice %arg6[%add3A_808, %dma_start3A_813] : memref<320000x256xf32, #tpu.memory_space<hbm>> -> memref<80x128xf32, #tpu.memory_space<hbm>>
      %dma_start3A_815 = arith.constant 128 : i32
      %dma_start3A_816 = tpu.memref_slice %arg6[%add3A_808, %dma_start3A_815] : memref<320000x256xf32, #tpu.memory_space<hbm>> -> memref<80x128xf32, #tpu.memory_space<hbm>>
      tpu.enqueue_dma source(%arg27 : memref<80x128xf32, #tpu.memory_space<vmem>>) target(%dma_start3A_816 : memref<80x128xf32, #tpu.memory_space<hbm>>) target_semaphore(%arg45 : memref<!tpu.dma_semaphore, #tpu.memory_space<semaphore_mem>>)
      %dma_start3A_817 = tpu.memref_slice %arg7[%add3A_808] : memref<320000xf32, #tpu.memory_space<hbm>> -> memref<80xf32, #tpu.memory_space<hbm>>
      %dma_start3A_818 = tpu.memref_slice %arg7[%add3A_808] : memref<320000xf32, #tpu.memory_space<hbm>> -> memref<80xf32, #tpu.memory_space<hbm>>
      tpu.enqueue_dma source(%arg31 : memref<80xf32, #tpu.memory_space<vmem>>) target(%dma_start3A_818 : memref<80xf32, #tpu.memory_space<hbm>>) target_semaphore(%arg45 : memref<!tpu.dma_semaphore, #tpu.memory_space<semaphore_mem>>)
    }
    %scan3A_22 = arith.constant 31 : i32
    %dma_wait3A = arith.constant 0 : i32
    %dma_wait3A_23 = arith.constant 0 : i32
    %dma_wait3A_24 = tpu.memref_slice %arg6[%dma_wait3A, %dma_wait3A_23] : memref<320000x256xf32, #tpu.memory_space<hbm>> -> memref<80x128xf32, #tpu.memory_space<hbm>>
    %dma_wait3A_25 = arith.constant 0 : i32
    %dma_wait3A_26 = arith.constant 0 : i32
    %dma_wait3A_27 = tpu.memref_slice %arg6[%dma_wait3A_25, %dma_wait3A_26] : memref<320000x256xf32, #tpu.memory_space<hbm>> -> memref<80x128xf32, #tpu.memory_space<hbm>>
    tpu.wait_dma2 semaphore(%arg42 : memref<!tpu.dma_semaphore, #tpu.memory_space<semaphore_mem>>) src(%arg20 : memref<80x128xf32, #tpu.memory_space<vmem>>) dst(%dma_wait3A_27 : memref<80x128xf32, #tpu.memory_space<hbm>>)
    %dma_wait3A_28 = arith.constant 0 : i32
    %dma_wait3A_29 = arith.constant 128 : i32
    %dma_wait3A_30 = tpu.memref_slice %arg6[%dma_wait3A_28, %dma_wait3A_29] : memref<320000x256xf32, #tpu.memory_space<hbm>> -> memref<80x128xf32, #tpu.memory_space<hbm>>
    %dma_wait3A_31 = arith.constant 0 : i32
    %dma_wait3A_32 = arith.constant 128 : i32
    %dma_wait3A_33 = tpu.memref_slice %arg6[%dma_wait3A_31, %dma_wait3A_32] : memref<320000x256xf32, #tpu.memory_space<hbm>> -> memref<80x128xf32, #tpu.memory_space<hbm>>
    tpu.wait_dma2 semaphore(%arg42 : memref<!tpu.dma_semaphore, #tpu.memory_space<semaphore_mem>>) src(%arg24 : memref<80x128xf32, #tpu.memory_space<vmem>>) dst(%dma_wait3A_33 : memref<80x128xf32, #tpu.memory_space<hbm>>)
    %dma_wait3A_34 = arith.constant 0 : i32
    %dma_wait3A_35 = tpu.memref_slice %arg7[%dma_wait3A_34] : memref<320000xf32, #tpu.memory_space<hbm>> -> memref<80xf32, #tpu.memory_space<hbm>>
    %dma_wait3A_36 = arith.constant 0 : i32
    %dma_wait3A_37 = tpu.memref_slice %arg7[%dma_wait3A_36] : memref<320000xf32, #tpu.memory_space<hbm>> -> memref<80xf32, #tpu.memory_space<hbm>>
    tpu.wait_dma2 semaphore(%arg42 : memref<!tpu.dma_semaphore, #tpu.memory_space<semaphore_mem>>) src(%arg28 : memref<80xf32, #tpu.memory_space<vmem>>) dst(%dma_wait3A_37 : memref<80xf32, #tpu.memory_space<hbm>>)
    %dma_wait3A_38 = tpu.memref_slice %arg5[%mul3A_2] : memref<320000xi32, #tpu.memory_space<hbm>> -> memref<80xi32, #tpu.memory_space<hbm>>
    %dma_wait3A_39 = tpu.memref_slice %arg5[%mul3A_2] : memref<320000xi32, #tpu.memory_space<hbm>> -> memref<80xi32, #tpu.memory_space<hbm>>
    tpu.wait_dma2 semaphore(%arg34 : memref<!tpu.dma_semaphore, #tpu.memory_space<semaphore_mem>>) src(%dma_wait3A_39 : memref<80xi32, #tpu.memory_space<hbm>>) dst(%arg8 : memref<80xi32, #tpu.memory_space<vmem>>)
    %get3A = arith.constant 0 : index
    %get3A_40 = tpu.vector_load %arg8[%get3A] {strides = array<i32>} : memref<80xi32, #tpu.memory_space<vmem>>, vector<16xi32>,
    %and3A = arith.constant 65535 : i32
    %and3A_41 = vector.broadcast %and3A : i32 to vector<16xi32>
    %and3A_42 = arith.andi %get3A_40, %and3A_41 : vector<16xi32>
    %swap3A = arith.constant 0 : index
    %swap3A_43 = tpu.vector_load %arg12[%swap3A] {strides = array<i32>} : memref<80xi32, #tpu.memory_space<vmem>>, vector<16xi32>,
    tpu.vector_store %arg12[%swap3A], %and3A_42 {strides = array<i32>} : memref<80xi32, #tpu.memory_space<vmem>>, vector<16xi32>,
    %shift_right_logical3A = arith.constant 16 : i32
    %shift_right_logical3A_44 = vector.broadcast %shift_right_logical3A : i32 to vector<16xi32>
    %shift_right_logical3A_45 = arith.shrui %get3A_40, %shift_right_logical3A_44 : vector<16xi32>
    %swap3A_46 = arith.constant 0 : index
    %swap3A_47 = tpu.vector_load %arg16[%swap3A_46] {strides = array<i32>} : memref<80xi32, #tpu.memory_space<vmem>>, vector<16xi32>,
    tpu.vector_store %arg16[%swap3A_46], %shift_right_logical3A_45 {strides = array<i32>} : memref<80xi32, #tpu.memory_space<vmem>>, vector<16xi32>,
    %get3A_48 = arith.constant 16 : index
    %get3A_49 = tpu.vector_load %arg8[%get3A_48] {strides = array<i32>} : memref<80xi32, #tpu.memory_space<vmem>>, vector<16xi32>,
    %and3A_50 = arith.constant 65535 : i32
    %and3A_51 = vector.broadcast %and3A_50 : i32 to vector<16xi32>
    %and3A_52 = arith.andi %get3A_49, %and3A_51 : vector<16xi32>
    %swap3A_53 = arith.constant 16 : index
    %swap3A_54 = tpu.vector_load %arg12[%swap3A_53] {strides = array<i32>} : memref<80xi32, #tpu.memory_space<vmem>>, vector<16xi32>,
    tpu.vector_store %arg12[%swap3A_53], %and3A_52 {strides = array<i32>} : memref<80xi32, #tpu.memory_space<vmem>>, vector<16xi32>,
    %shift_right_logical3A_55 = arith.constant 16 : i32
    %shift_right_logical3A_56 = vector.broadcast %shift_right_logical3A_55 : i32 to vector<16xi32>
    %shift_right_logical3A_57 = arith.shrui %get3A_49, %shift_right_logical3A_56 : vector<16xi32>
    %swap3A_58 = arith.constant 16 : index
    %swap3A_59 = tpu.vector_load %arg16[%swap3A_58] {strides = array<i32>} : memref<80xi32, #tpu.memory_space<vmem>>, vector<16xi32>,
    tpu.vector_store %arg16[%swap3A_58], %shift_right_logical3A_57 {strides = array<i32>} : memref<80xi32, #tpu.memory_space<vmem>>, vector<16xi32>,
    %get3A_60 = arith.constant 32 : index
    %get3A_61 = tpu.vector_load %arg8[%get3A_60] {strides = array<i32>} : memref<80xi32, #tpu.memory_space<vmem>>, vector<16xi32>,
    %and3A_62 = arith.constant 65535 : i32
    %and3A_63 = vector.broadcast %and3A_62 : i32 to vector<16xi32>
    %and3A_64 = arith.andi %get3A_61, %and3A_63 : vector<16xi32>
    %swap3A_65 = arith.constant 32 : index
    %swap3A_66 = tpu.vector_load %arg12[%swap3A_65] {strides = array<i32>} : memref<80xi32, #tpu.memory_space<vmem>>, vector<16xi32>,
    tpu.vector_store %arg12[%swap3A_65], %and3A_64 {strides = array<i32>} : memref<80xi32, #tpu.memory_space<vmem>>, vector<16xi32>,
    %shift_right_logical3A_67 = arith.constant 16 : i32
    %shift_right_logical3A_68 = vector.broadcast %shift_right_logical3A_67 : i32 to vector<16xi32>
    %shift_right_logical3A_69 = arith.shrui %get3A_61, %shift_right_logical3A_68 : vector<16xi32>
    %swap3A_70 = arith.constant 32 : index
    %swap3A_71 = tpu.vector_load %arg16[%swap3A_70] {strides = array<i32>} : memref<80xi32, #tpu.memory_space<vmem>>, vector<16xi32>,
    tpu.vector_store %arg16[%swap3A_70], %shift_right_logical3A_69 {strides = array<i32>} : memref<80xi32, #tpu.memory_space<vmem>>, vector<16xi32>,
    %get3A_72 = arith.constant 48 : index
    %get3A_73 = tpu.vector_load %arg8[%get3A_72] {strides = array<i32>} : memref<80xi32, #tpu.memory_space<vmem>>, vector<16xi32>,
    %and3A_74 = arith.constant 65535 : i32
    %and3A_75 = vector.broadcast %and3A_74 : i32 to vector<16xi32>
    %and3A_76 = arith.andi %get3A_73, %and3A_75 : vector<16xi32>
    %swap3A_77 = arith.constant 48 : index
    %swap3A_78 = tpu.vector_load %arg12[%swap3A_77] {strides = array<i32>} : memref<80xi32, #tpu.memory_space<vmem>>, vector<16xi32>,
    tpu.vector_store %arg12[%swap3A_77], %and3A_76 {strides = array<i32>} : memref<80xi32, #tpu.memory_space<vmem>>, vector<16xi32>,
    %shift_right_logical3A_79 = arith.constant 16 : i32
    %shift_right_logical3A_80 = vector.broadcast %shift_right_logical3A_79 : i32 to vector<16xi32>
    %shift_right_logical3A_81 = arith.shrui %get3A_73, %shift_right_logical3A_80 : vector<16xi32>
    %swap3A_82 = arith.constant 48 : index
    %swap3A_83 = tpu.vector_load %arg16[%swap3A_82] {strides = array<i32>} : memref<80xi32, #tpu.memory_space<vmem>>, vector<16xi32>,
    tpu.vector_store %arg16[%swap3A_82], %shift_right_logical3A_81 {strides = array<i32>} : memref<80xi32, #tpu.memory_space<vmem>>, vector<16xi32>,
    %get3A_84 = arith.constant 64 : index
    %get3A_85 = tpu.vector_load %arg8[%get3A_84] {strides = array<i32>} : memref<80xi32, #tpu.memory_space<vmem>>, vector<16xi32>,
    %and3A_86 = arith.constant 65535 : i32
    %and3A_87 = vector.broadcast %and3A_86 : i32 to vector<16xi32>
    %and3A_88 = arith.andi %get3A_85, %and3A_87 : vector<16xi32>
    %swap3A_89 = arith.constant 64 : index
    %swap3A_90 = tpu.vector_load %arg12[%swap3A_89] {strides = array<i32>} : memref<80xi32, #tpu.memory_space<vmem>>, vector<16xi32>,
    tpu.vector_store %arg12[%swap3A_89], %and3A_88 {strides = array<i32>} : memref<80xi32, #tpu.memory_space<vmem>>, vector<16xi32>,
    %shift_right_logical3A_91 = arith.constant 16 : i32
    %shift_right_logical3A_92 = vector.broadcast %shift_right_logical3A_91 : i32 to vector<16xi32>
    %shift_right_logical3A_93 = arith.shrui %get3A_85, %shift_right_logical3A_92 : vector<16xi32>
    %swap3A_94 = arith.constant 64 : index
    %swap3A_95 = tpu.vector_load %arg16[%swap3A_94] {strides = array<i32>} : memref<80xi32, #tpu.memory_space<vmem>>, vector<16xi32>,
    tpu.vector_store %arg16[%swap3A_94], %shift_right_logical3A_93 {strides = array<i32>} : memref<80xi32, #tpu.memory_space<vmem>>, vector<16xi32>,
    %dma_start3A_96 = arith.constant 0 : i32
    %dma_start3A_97 = arith.constant 0 : i32
    %dma_start3A_98 = tpu.memref_slice %arg2[%dma_start3A_96, %dma_start3A_97] : memref<10000x128xf32, #tpu.memory_space<hbm>> -> memref<10000x128xf32, #tpu.memory_space<hbm>>
    tpu.enqueue_indirect_dma source(%dma_start3A_98 : memref<10000x128xf32, #tpu.memory_space<hbm>>) target(%arg20 : memref<80x128xf32, #tpu.memory_space<vmem>>) offsets(%arg12 : memref<80xi32, #tpu.memory_space<vmem>>) semaphore(%arg38 : memref<!tpu.dma_semaphore, #tpu.memory_space<semaphore_mem>>)
    %dma_start3A_99 = arith.constant 0 : i32
    %dma_start3A_100 = arith.constant 0 : i32
    %dma_start3A_101 = tpu.memref_slice %arg2[%dma_start3A_99, %dma_start3A_100] : memref<10000x128xf32, #tpu.memory_space<hbm>> -> memref<10000x128xf32, #tpu.memory_space<hbm>>
    tpu.enqueue_indirect_dma source(%dma_start3A_101 : memref<10000x128xf32, #tpu.memory_space<hbm>>) target(%arg24 : memref<80x128xf32, #tpu.memory_space<vmem>>) offsets(%arg16 : memref<80xi32, #tpu.memory_space<vmem>>) semaphore(%arg38 : memref<!tpu.dma_semaphore, #tpu.memory_space<semaphore_mem>>)
    %get3A_102 = arith.constant 0 : index
    %get3A_103 = tpu.vector_load %arg12[%get3A_102] {strides = array<i32>} : memref<80xi32, #tpu.memory_space<vmem>>, vector<16xi32>,
    %get3A_104 = arith.constant 0 : index
    %get3A_105 = tpu.vector_load %arg16[%get3A_104] {strides = array<i32>} : memref<80xi32, #tpu.memory_space<vmem>>, vector<16xi32>,
    %gather3A = tpu.vector_load_idx %arg32[%get3A_103] : memref<10000xf32, #tpu.memory_space<vmem>>[vector<16xi32>], vector<16xf32>,
    %gather3A_106 = tpu.vector_load_idx %arg33[%get3A_105] : memref<10000xf32, #tpu.memory_space<vmem>>[vector<16xi32>], vector<16xf32>,
    %add3A_107 = arith.addf %gather3A, %gather3A_106 : vector<16xf32>
    %swap3A_108 = arith.constant 0 : index
    %swap3A_109 = tpu.vector_load %arg28[%swap3A_108] {strides = array<i32>} : memref<80xf32, #tpu.memory_space<vmem>>, vector<16xf32>,
    tpu.vector_store %arg28[%swap3A_108], %add3A_107 {strides = array<i32>} : memref<80xf32, #tpu.memory_space<vmem>>, vector<16xf32>,
    %get3A_110 = arith.constant 16 : index
    %get3A_111 = tpu.vector_load %arg12[%get3A_110] {strides = array<i32>} : memref<80xi32, #tpu.memory_space<vmem>>, vector<16xi32>,
    %get3A_112 = arith.constant 16 : index
    %get3A_113 = tpu.vector_load %arg16[%get3A_112] {strides = array<i32>} : memref<80xi32, #tpu.memory_space<vmem>>, vector<16xi32>,
    %gather3A_114 = tpu.vector_load_idx %arg32[%get3A_111] : memref<10000xf32, #tpu.memory_space<vmem>>[vector<16xi32>], vector<16xf32>,
    %gather3A_115 = tpu.vector_load_idx %arg33[%get3A_113] : memref<10000xf32, #tpu.memory_space<vmem>>[vector<16xi32>], vector<16xf32>,
    %add3A_116 = arith.addf %gather3A_114, %gather3A_115 : vector<16xf32>
    %swap3A_117 = arith.constant 16 : index
    %swap3A_118 = tpu.vector_load %arg28[%swap3A_117] {strides = array<i32>} : memref<80xf32, #tpu.memory_space<vmem>>, vector<16xf32>,
    tpu.vector_store %arg28[%swap3A_117], %add3A_116 {strides = array<i32>} : memref<80xf32, #tpu.memory_space<vmem>>, vector<16xf32>,
    %get3A_119 = arith.constant 32 : index
    %get3A_120 = tpu.vector_load %arg12[%get3A_119] {strides = array<i32>} : memref<80xi32, #tpu.memory_space<vmem>>, vector<16xi32>,
    %get3A_121 = arith.constant 32 : index
    %get3A_122 = tpu.vector_load %arg16[%get3A_121] {strides = array<i32>} : memref<80xi32, #tpu.memory_space<vmem>>, vector<16xi32>,
    %gather3A_123 = tpu.vector_load_idx %arg32[%get3A_120] : memref<10000xf32, #tpu.memory_space<vmem>>[vector<16xi32>], vector<16xf32>,
    %gather3A_124 = tpu.vector_load_idx %arg33[%get3A_122] : memref<10000xf32, #tpu.memory_space<vmem>>[vector<16xi32>], vector<16xf32>,
    %add3A_125 = arith.addf %gather3A_123, %gather3A_124 : vector<16xf32>
    %swap3A_126 = arith.constant 32 : index
    %swap3A_127 = tpu.vector_load %arg28[%swap3A_126] {strides = array<i32>} : memref<80xf32, #tpu.memory_space<vmem>>, vector<16xf32>,
    tpu.vector_store %arg28[%swap3A_126], %add3A_125 {strides = array<i32>} : memref<80xf32, #tpu.memory_space<vmem>>, vector<16xf32>,
    %get3A_128 = arith.constant 48 : index
    %get3A_129 = tpu.vector_load %arg12[%get3A_128] {strides = array<i32>} : memref<80xi32, #tpu.memory_space<vmem>>, vector<16xi32>,
    %get3A_130 = arith.constant 48 : index
    %get3A_131 = tpu.vector_load %arg16[%get3A_130] {strides = array<i32>} : memref<80xi32, #tpu.memory_space<vmem>>, vector<16xi32>,
    %gather3A_132 = tpu.vector_load_idx %arg32[%get3A_129] : memref<10000xf32, #tpu.memory_space<vmem>>[vector<16xi32>], vector<16xf32>,
    %gather3A_133 = tpu.vector_load_idx %arg33[%get3A_131] : memref<10000xf32, #tpu.memory_space<vmem>>[vector<16xi32>], vector<16xf32>,
    %add3A_134 = arith.addf %gather3A_132, %gather3A_133 : vector<16xf32>
    %swap3A_135 = arith.constant 48 : index
    %swap3A_136 = tpu.vector_load %arg28[%swap3A_135] {strides = array<i32>} : memref<80xf32, #tpu.memory_space<vmem>>, vector<16xf32>,
    tpu.vector_store %arg28[%swap3A_135], %add3A_134 {strides = array<i32>} : memref<80xf32, #tpu.memory_space<vmem>>, vector<16xf32>,
    %get3A_137 = arith.constant 64 : index
    %get3A_138 = tpu.vector_load %arg12[%get3A_137] {strides = array<i32>} : memref<80xi32, #tpu.memory_space<vmem>>, vector<16xi32>,
    %get3A_139 = arith.constant 64 : index
    %get3A_140 = tpu.vector_load %arg16[%get3A_139] {strides = array<i32>} : memref<80xi32, #tpu.memory_space<vmem>>, vector<16xi32>,
    %gather3A_141 = tpu.vector_load_idx %arg32[%get3A_138] : memref<10000xf32, #tpu.memory_space<vmem>>[vector<16xi32>], vector<16xf32>,
    %gather3A_142 = tpu.vector_load_idx %arg33[%get3A_140] : memref<10000xf32, #tpu.memory_space<vmem>>[vector<16xi32>], vector<16xf32>,
    %add3A_143 = arith.addf %gather3A_141, %gather3A_142 : vector<16xf32>
    %swap3A_144 = arith.constant 64 : index
    %swap3A_145 = tpu.vector_load %arg28[%swap3A_144] {strides = array<i32>} : memref<80xf32, #tpu.memory_space<vmem>>, vector<16xf32>,
    tpu.vector_store %arg28[%swap3A_144], %add3A_143 {strides = array<i32>} : memref<80xf32, #tpu.memory_space<vmem>>, vector<16xf32>,
    %dma_wait3A_146 = arith.constant 0 : i32
    %dma_wait3A_147 = arith.constant 0 : i32
    %dma_wait3A_148 = tpu.memref_slice %arg2[%dma_wait3A_146, %dma_wait3A_147] : memref<10000x128xf32, #tpu.memory_space<hbm>> -> memref<10000x128xf32, #tpu.memory_space<hbm>>
    tpu.wait_indirect_dma semaphore(%arg38 : memref<!tpu.dma_semaphore, #tpu.memory_space<semaphore_mem>>) src(%dma_wait3A_148 : memref<10000x128xf32, #tpu.memory_space<hbm>>) dst(%arg20 : memref<80x128xf32, #tpu.memory_space<vmem>>)
    %dma_wait3A_149 = arith.constant 0 : i32
    %dma_wait3A_150 = arith.constant 0 : i32
    %dma_wait3A_151 = tpu.memref_slice %arg2[%dma_wait3A_149, %dma_wait3A_150] : memref<10000x128xf32, #tpu.memory_space<hbm>> -> memref<10000x128xf32, #tpu.memory_space<hbm>>
    tpu.wait_indirect_dma semaphore(%arg38 : memref<!tpu.dma_semaphore, #tpu.memory_space<semaphore_mem>>) src(%dma_wait3A_151 : memref<10000x128xf32, #tpu.memory_space<hbm>>) dst(%arg24 : memref<80x128xf32, #tpu.memory_space<vmem>>)
    %add3A_152 = arith.constant 9920 : i32
    %add3A_153 = arith.addi %mul3A_2, %add3A_152 : i32
    %dma_start3A_154 = arith.constant 0 : i32
    %dma_start3A_155 = tpu.memref_slice %arg6[%add3A_153, %dma_start3A_154] : memref<320000x256xf32, #tpu.memory_space<hbm>> -> memref<80x128xf32, #tpu.memory_space<hbm>>
    %dma_start3A_156 = arith.constant 0 : i32
    %dma_start3A_157 = tpu.memref_slice %arg6[%add3A_153, %dma_start3A_156] : memref<320000x256xf32, #tpu.memory_space<hbm>> -> memref<80x128xf32, #tpu.memory_space<hbm>>
    tpu.enqueue_dma source(%arg20 : memref<80x128xf32, #tpu.memory_space<vmem>>) target(%dma_start3A_157 : memref<80x128xf32, #tpu.memory_space<hbm>>) target_semaphore(%arg42 : memref<!tpu.dma_semaphore, #tpu.memory_space<semaphore_mem>>)
    %dma_start3A_158 = arith.constant 128 : i32
    %dma_start3A_159 = tpu.memref_slice %arg6[%add3A_153, %dma_start3A_158] : memref<320000x256xf32, #tpu.memory_space<hbm>> -> memref<80x128xf32, #tpu.memory_space<hbm>>
    %dma_start3A_160 = arith.constant 128 : i32
    %dma_start3A_161 = tpu.memref_slice %arg6[%add3A_153, %dma_start3A_160] : memref<320000x256xf32, #tpu.memory_space<hbm>> -> memref<80x128xf32, #tpu.memory_space<hbm>>
    tpu.enqueue_dma source(%arg24 : memref<80x128xf32, #tpu.memory_space<vmem>>) target(%dma_start3A_161 : memref<80x128xf32, #tpu.memory_space<hbm>>) target_semaphore(%arg42 : memref<!tpu.dma_semaphore, #tpu.memory_space<semaphore_mem>>)
    %dma_start3A_162 = tpu.memref_slice %arg7[%add3A_153] : memref<320000xf32, #tpu.memory_space<hbm>> -> memref<80xf32, #tpu.memory_space<hbm>>
    %dma_start3A_163 = tpu.memref_slice %arg7[%add3A_153] : memref<320000xf32, #tpu.memory_space<hbm>> -> memref<80xf32, #tpu.memory_space<hbm>>
    tpu.enqueue_dma source(%arg28 : memref<80xf32, #tpu.memory_space<vmem>>) target(%dma_start3A_163 : memref<80xf32, #tpu.memory_space<hbm>>) target_semaphore(%arg42 : memref<!tpu.dma_semaphore, #tpu.memory_space<semaphore_mem>>)
    %dma_wait3A_164 = arith.constant 0 : i32
    %dma_wait3A_165 = arith.constant 0 : i32
    %dma_wait3A_166 = tpu.memref_slice %arg6[%dma_wait3A_164, %dma_wait3A_165] : memref<320000x256xf32, #tpu.memory_space<hbm>> -> memref<80x128xf32, #tpu.memory_space<hbm>>
    %dma_wait3A_167 = arith.constant 0 : i32
    %dma_wait3A_168 = arith.constant 0 : i32
    %dma_wait3A_169 = tpu.memref_slice %arg6[%dma_wait3A_167, %dma_wait3A_168] : memref<320000x256xf32, #tpu.memory_space<hbm>> -> memref<80x128xf32, #tpu.memory_space<hbm>>
    tpu.wait_dma2 semaphore(%arg43 : memref<!tpu.dma_semaphore, #tpu.memory_space<semaphore_mem>>) src(%arg21 : memref<80x128xf32, #tpu.memory_space<vmem>>) dst(%dma_wait3A_169 : memref<80x128xf32, #tpu.memory_space<hbm>>)
    %dma_wait3A_170 = arith.constant 0 : i32
    %dma_wait3A_171 = arith.constant 128 : i32
    %dma_wait3A_172 = tpu.memref_slice %arg6[%dma_wait3A_170, %dma_wait3A_171] : memref<320000x256xf32, #tpu.memory_space<hbm>> -> memref<80x128xf32, #tpu.memory_space<hbm>>
    %dma_wait3A_173 = arith.constant 0 : i32
    %dma_wait3A_174 = arith.constant 128 : i32
    %dma_wait3A_175 = tpu.memref_slice %arg6[%dma_wait3A_173, %dma_wait3A_174] : memref<320000x256xf32, #tpu.memory_space<hbm>> -> memref<80x128xf32, #tpu.memory_space<hbm>>
    tpu.wait_dma2 semaphore(%arg43 : memref<!tpu.dma_semaphore, #tpu.memory_space<semaphore_mem>>) src(%arg25 : memref<80x128xf32, #tpu.memory_space<vmem>>) dst(%dma_wait3A_175 : memref<80x128xf32, #tpu.memory_space<hbm>>)
    %dma_wait3A_176 = arith.constant 0 : i32
    %dma_wait3A_177 = tpu.memref_slice %arg7[%dma_wait3A_176] : memref<320000xf32, #tpu.memory_space<hbm>> -> memref<80xf32, #tpu.memory_space<hbm>>
    %dma_wait3A_178 = arith.constant 0 : i32
    %dma_wait3A_179 = tpu.memref_slice %arg7[%dma_wait3A_178] : memref<320000xf32, #tpu.memory_space<hbm>> -> memref<80xf32, #tpu.memory_space<hbm>>
    tpu.wait_dma2 semaphore(%arg43 : memref<!tpu.dma_semaphore, #tpu.memory_space<semaphore_mem>>) src(%arg29 : memref<80xf32, #tpu.memory_space<vmem>>) dst(%dma_wait3A_179 : memref<80xf32, #tpu.memory_space<hbm>>)
    %dma_wait3A_180 = arith.constant 0 : i32
    %dma_wait3A_181 = arith.constant 0 : i32
    %dma_wait3A_182 = tpu.memref_slice %arg6[%dma_wait3A_180, %dma_wait3A_181] : memref<320000x256xf32, #tpu.memory_space<hbm>> -> memref<80x128xf32, #tpu.memory_space<hbm>>
    %dma_wait3A_183 = arith.constant 0 : i32
    %dma_wait3A_184 = arith.constant 0 : i32
    %dma_wait3A_185 = tpu.memref_slice %arg6[%dma_wait3A_183, %dma_wait3A_184] : memref<320000x256xf32, #tpu.memory_space<hbm>> -> memref<80x128xf32, #tpu.memory_space<hbm>>
    tpu.wait_dma2 semaphore(%arg44 : memref<!tpu.dma_semaphore, #tpu.memory_space<semaphore_mem>>) src(%arg22 : memref<80x128xf32, #tpu.memory_space<vmem>>) dst(%dma_wait3A_185 : memref<80x128xf32, #tpu.memory_space<hbm>>)
    %dma_wait3A_186 = arith.constant 0 : i32
    %dma_wait3A_187 = arith.constant 128 : i32
    %dma_wait3A_188 = tpu.memref_slice %arg6[%dma_wait3A_186, %dma_wait3A_187] : memref<320000x256xf32, #tpu.memory_space<hbm>> -> memref<80x128xf32, #tpu.memory_space<hbm>>
    %dma_wait3A_189 = arith.constant 0 : i32
    %dma_wait3A_190 = arith.constant 128 : i32
    %dma_wait3A_191 = tpu.memref_slice %arg6[%dma_wait3A_189, %dma_wait3A_190] : memref<320000x256xf32, #tpu.memory_space<hbm>> -> memref<80x128xf32, #tpu.memory_space<hbm>>
    tpu.wait_dma2 semaphore(%arg44 : memref<!tpu.dma_semaphore, #tpu.memory_space<semaphore_mem>>) src(%arg26 : memref<80x128xf32, #tpu.memory_space<vmem>>) dst(%dma_wait3A_191 : memref<80x128xf32, #tpu.memory_space<hbm>>)
    %dma_wait3A_192 = arith.constant 0 : i32
    %dma_wait3A_193 = tpu.memref_slice %arg7[%dma_wait3A_192] : memref<320000xf32, #tpu.memory_space<hbm>> -> memref<80xf32, #tpu.memory_space<hbm>>
    %dma_wait3A_194 = arith.constant 0 : i32
    %dma_wait3A_195 = tpu.memref_slice %arg7[%dma_wait3A_194] : memref<320000xf32, #tpu.memory_space<hbm>> -> memref<80xf32, #tpu.memory_space<hbm>>
    tpu.wait_dma2 semaphore(%arg44 : memref<!tpu.dma_semaphore, #tpu.memory_space<semaphore_mem>>) src(%arg30 : memref<80xf32, #tpu.memory_space<vmem>>) dst(%dma_wait3A_195 : memref<80xf32, #tpu.memory_space<hbm>>)
    %dma_wait3A_196 = arith.constant 0 : i32
    %dma_wait3A_197 = arith.constant 0 : i32
    %dma_wait3A_198 = tpu.memref_slice %arg6[%dma_wait3A_196, %dma_wait3A_197] : memref<320000x256xf32, #tpu.memory_space<hbm>> -> memref<80x128xf32, #tpu.memory_space<hbm>>
    %dma_wait3A_199 = arith.constant 0 : i32
    %dma_wait3A_200 = arith.constant 0 : i32
    %dma_wait3A_201 = tpu.memref_slice %arg6[%dma_wait3A_199, %dma_wait3A_200] : memref<320000x256xf32, #tpu.memory_space<hbm>> -> memref<80x128xf32, #tpu.memory_space<hbm>>
    tpu.wait_dma2 semaphore(%arg45 : memref<!tpu.dma_semaphore, #tpu.memory_space<semaphore_mem>>) src(%arg23 : memref<80x128xf32, #tpu.memory_space<vmem>>) dst(%dma_wait3A_201 : memref<80x128xf32, #tpu.memory_space<hbm>>)
    %dma_wait3A_202 = arith.constant 0 : i32
    %dma_wait3A_203 = arith.constant 128 : i32
    %dma_wait3A_204 = tpu.memref_slice %arg6[%dma_wait3A_202, %dma_wait3A_203] : memref<320000x256xf32, #tpu.memory_space<hbm>> -> memref<80x128xf32, #tpu.memory_space<hbm>>
    %dma_wait3A_205 = arith.constant 0 : i32
    %dma_wait3A_206 = arith.constant 128 : i32
    %dma_wait3A_207 = tpu.memref_slice %arg6[%dma_wait3A_205, %dma_wait3A_206] : memref<320000x256xf32, #tpu.memory_space<hbm>> -> memref<80x128xf32, #tpu.memory_space<hbm>>
    tpu.wait_dma2 semaphore(%arg45 : memref<!tpu.dma_semaphore, #tpu.memory_space<semaphore_mem>>) src(%arg27 : memref<80x128xf32, #tpu.memory_space<vmem>>) dst(%dma_wait3A_207 : memref<80x128xf32, #tpu.memory_space<hbm>>)
    %dma_wait3A_208 = arith.constant 0 : i32
    %dma_wait3A_209 = tpu.memref_slice %arg7[%dma_wait3A_208] : memref<320000xf32, #tpu.memory_space<hbm>> -> memref<80xf32, #tpu.memory_space<hbm>>
    %dma_wait3A_210 = arith.constant 0 : i32
    %dma_wait3A_211 = tpu.memref_slice %arg7[%dma_wait3A_210] : memref<320000xf32, #tpu.memory_space<hbm>> -> memref<80xf32, #tpu.memory_space<hbm>>
    tpu.wait_dma2 semaphore(%arg45 : memref<!tpu.dma_semaphore, #tpu.memory_space<semaphore_mem>>) src(%arg31 : memref<80xf32, #tpu.memory_space<vmem>>) dst(%dma_wait3A_211 : memref<80xf32, #tpu.memory_space<hbm>>)
    %dma_wait3A_212 = arith.constant 0 : i32
    %dma_wait3A_213 = arith.constant 0 : i32
    %dma_wait3A_214 = tpu.memref_slice %arg6[%dma_wait3A_212, %dma_wait3A_213] : memref<320000x256xf32, #tpu.memory_space<hbm>> -> memref<80x128xf32, #tpu.memory_space<hbm>>
    %dma_wait3A_215 = arith.constant 0 : i32
    %dma_wait3A_216 = arith.constant 0 : i32
    %dma_wait3A_217 = tpu.memref_slice %arg6[%dma_wait3A_215, %dma_wait3A_216] : memref<320000x256xf32, #tpu.memory_space<hbm>> -> memref<80x128xf32, #tpu.memory_space<hbm>>
    tpu.wait_dma2 semaphore(%arg42 : memref<!tpu.dma_semaphore, #tpu.memory_space<semaphore_mem>>) src(%arg20 : memref<80x128xf32, #tpu.memory_space<vmem>>) dst(%dma_wait3A_217 : memref<80x128xf32, #tpu.memory_space<hbm>>)
    %dma_wait3A_218 = arith.constant 0 : i32
    %dma_wait3A_219 = arith.constant 128 : i32
    %dma_wait3A_220 = tpu.memref_slice %arg6[%dma_wait3A_218, %dma_wait3A_219] : memref<320000x256xf32, #tpu.memory_space<hbm>> -> memref<80x128xf32, #tpu.memory_space<hbm>>
    %dma_wait3A_221 = arith.constant 0 : i32
    %dma_wait3A_222 = arith.constant 128 : i32
    %dma_wait3A_223 = tpu.memref_slice %arg6[%dma_wait3A_221, %dma_wait3A_222] : memref<320000x256xf32, #tpu.memory_space<hbm>> -> memref<80x128xf32, #tpu.memory_space<hbm>>
    tpu.wait_dma2 semaphore(%arg42 : memref<!tpu.dma_semaphore, #tpu.memory_space<semaphore_mem>>) src(%arg24 : memref<80x128xf32, #tpu.memory_space<vmem>>) dst(%dma_wait3A_223 : memref<80x128xf32, #tpu.memory_space<hbm>>)
    %dma_wait3A_224 = arith.constant 0 : i32
    %dma_wait3A_225 = tpu.memref_slice %arg7[%dma_wait3A_224] : memref<320000xf32, #tpu.memory_space<hbm>> -> memref<80xf32, #tpu.memory_space<hbm>>
    %dma_wait3A_226 = arith.constant 0 : i32
    %dma_wait3A_227 = tpu.memref_slice %arg7[%dma_wait3A_226] : memref<320000xf32, #tpu.memory_space<hbm>> -> memref<80xf32, #tpu.memory_space<hbm>>
    tpu.wait_dma2 semaphore(%arg42 : memref<!tpu.dma_semaphore, #tpu.memory_space<semaphore_mem>>) src(%arg28 : memref<80xf32, #tpu.memory_space<vmem>>) dst(%dma_wait3A_227 : memref<80xf32, #tpu.memory_space<hbm>>)
    return
  }
}

#map = affine_map<(d0, d1) -> (0, 0)>
#map1 = affine_map<(d0, d1) -> (0)>
module attributes {stable_mosaic.version = 14 : i64} {
  func.func @k(%arg0: i32, %arg1: i32, %arg2: memref<320000x128xf32, #tpu.memory_space<hbm>>, %arg3: memref<320000xi32, #tpu.memory_space<hbm>>, %arg4: memref<640x128xf32, #tpu.memory_space<hbm>>, %arg5: memref<640xf32, #tpu.memory_space<hbm>>, %arg6: memref<10240x128xf32, #tpu.memory_space<hbm>>, %arg7: memref<10240x128xf32, #tpu.memory_space<hbm>>, %arg8: memref<10240xf32, #tpu.memory_space<hbm>>, %arg9: memref<10240xf32, #tpu.memory_space<hbm>>, %arg10: memref<80xi32, #tpu.memory_space<vmem>>, %arg11: memref<80xi32, #tpu.memory_space<vmem>>, %arg12: memref<80xi32, #tpu.memory_space<vmem>>, %arg13: memref<80xi32, #tpu.memory_space<vmem>>, %arg14: memref<80xi32, #tpu.memory_space<vmem>>, %arg15: memref<80xi32, #tpu.memory_space<vmem>>, %arg16: memref<80xi32, #tpu.memory_space<vmem>>, %arg17: memref<80xi32, #tpu.memory_space<vmem>>, %arg18: memref<80x128xf32, #tpu.memory_space<vmem>>, %arg19: memref<80x128xf32, #tpu.memory_space<vmem>>, %arg20: memref<80x128xf32, #tpu.memory_space<vmem>>, %arg21: memref<80x128xf32, #tpu.memory_space<vmem>>, %arg22: memref<80xf32, #tpu.memory_space<vmem>>, %arg23: memref<10240x128xf32, #tpu.memory_space<vmem_shared>>, %arg24: memref<10240xf32, #tpu.memory_space<vmem_shared>>, %arg25: memref<!tpu.dma_semaphore, #tpu.memory_space<semaphore_mem>>, %arg26: memref<!tpu.dma_semaphore, #tpu.memory_space<semaphore_mem>>, %arg27: memref<!tpu.dma_semaphore, #tpu.memory_space<semaphore_mem>>, %arg28: memref<!tpu.dma_semaphore, #tpu.memory_space<semaphore_mem>>, %arg29: memref<!tpu.dma_semaphore, #tpu.memory_space<semaphore_mem>>, %arg30: memref<!tpu.dma_semaphore, #tpu.memory_space<semaphore_mem>>, %arg31: memref<!tpu.dma_semaphore, #tpu.memory_space<semaphore_mem>>, %arg32: memref<!tpu.dma_semaphore, #tpu.memory_space<semaphore_mem>>) attributes {dimension_semantics = [#tpu.dimension_semantics<core_parallel>, #tpu.dimension_semantics<subcore_parallel>], iteration_bounds = array<i64: 2, 16>, scalar_prefetch = 0 : i64, scratch_operands = 23 : i64, tpu.core_type = #tpu.core_type<sc_vector_subcore>, window_params = [{transform_indices = #map}, {transform_indices = #map1}, {transform_indices = #map}, {transform_indices = #map1}, {transform_indices = #map}, {transform_indices = #map}, {transform_indices = #map1}, {transform_indices = #map1}]} {
    %mul3A = arith.constant 640 : i32
    %mul3A_0 = arith.muli %arg1, %mul3A : i32
    "tpu.region"() ({
      %run_scoped3A = tpu.sem_alloc : memref<!tpu.dma_semaphore, #tpu.memory_space<semaphore_mem>>
      %dma_start3A_229 = arith.constant 0 : i32
      %dma_start3A_230 = tpu.memref_slice %arg23[%mul3A_0, %dma_start3A_229] : memref<10240x128xf32, #tpu.memory_space<vmem_shared>> -> memref<640x128xf32, #tpu.memory_space<vmem_shared>>
      tpu.enqueue_dma source(%arg4 : memref<640x128xf32, #tpu.memory_space<hbm>>) target(%dma_start3A_230 : memref<640x128xf32, #tpu.memory_space<vmem_shared>>) target_semaphore(%run_scoped3A : memref<!tpu.dma_semaphore, #tpu.memory_space<semaphore_mem>>)
      %dma_wait3A_231 = arith.constant 0 : i32
      %dma_wait3A_232 = tpu.memref_slice %arg23[%mul3A_0, %dma_wait3A_231] : memref<10240x128xf32, #tpu.memory_space<vmem_shared>> -> memref<640x128xf32, #tpu.memory_space<vmem_shared>>
      tpu.wait_dma2 semaphore(%run_scoped3A : memref<!tpu.dma_semaphore, #tpu.memory_space<semaphore_mem>>) src(%arg4 : memref<640x128xf32, #tpu.memory_space<hbm>>) dst(%dma_wait3A_232 : memref<640x128xf32, #tpu.memory_space<vmem_shared>>)
      tpu.yield
    }) : () -> ()
    "tpu.region"() ({
      %run_scoped3A = tpu.sem_alloc : memref<!tpu.dma_semaphore, #tpu.memory_space<semaphore_mem>>
      %dma_start3A_229 = tpu.memref_slice %arg24[%mul3A_0] : memref<10240xf32, #tpu.memory_space<vmem_shared>> -> memref<640xf32, #tpu.memory_space<vmem_shared>>
      tpu.enqueue_dma source(%arg5 : memref<640xf32, #tpu.memory_space<hbm>>) target(%dma_start3A_229 : memref<640xf32, #tpu.memory_space<vmem_shared>>) target_semaphore(%run_scoped3A : memref<!tpu.dma_semaphore, #tpu.memory_space<semaphore_mem>>)
      %dma_wait3A_230 = tpu.memref_slice %arg24[%mul3A_0] : memref<10240xf32, #tpu.memory_space<vmem_shared>> -> memref<640xf32, #tpu.memory_space<vmem_shared>>
      tpu.wait_dma2 semaphore(%run_scoped3A : memref<!tpu.dma_semaphore, #tpu.memory_space<semaphore_mem>>) src(%arg5 : memref<640xf32, #tpu.memory_space<hbm>>) dst(%dma_wait3A_230 : memref<640xf32, #tpu.memory_space<vmem_shared>>)
      tpu.yield
    }) : () -> ()
    %broadcast_in_dim3A = arith.constant 1.000000e+00 : f32
    %broadcast_in_dim3A_1 = vector.broadcast %broadcast_in_dim3A : f32 to vector<16xf32>
    %swap3A = arith.constant 0 : index
    %swap3A_2 = tpu.vector_load %arg22[%swap3A] {strides = array<i32>} : memref<80xf32, #tpu.memory_space<vmem>>, vector<16xf32>,
    tpu.vector_store %arg22[%swap3A], %broadcast_in_dim3A_1 {strides = array<i32>} : memref<80xf32, #tpu.memory_space<vmem>>, vector<16xf32>,
    %broadcast_in_dim3A_3 = arith.constant 1.000000e+00 : f32
    %broadcast_in_dim3A_4 = vector.broadcast %broadcast_in_dim3A_3 : f32 to vector<16xf32>
    %swap3A_5 = arith.constant 16 : index
    %swap3A_6 = tpu.vector_load %arg22[%swap3A_5] {strides = array<i32>} : memref<80xf32, #tpu.memory_space<vmem>>, vector<16xf32>,
    tpu.vector_store %arg22[%swap3A_5], %broadcast_in_dim3A_4 {strides = array<i32>} : memref<80xf32, #tpu.memory_space<vmem>>, vector<16xf32>,
    %broadcast_in_dim3A_7 = arith.constant 1.000000e+00 : f32
    %broadcast_in_dim3A_8 = vector.broadcast %broadcast_in_dim3A_7 : f32 to vector<16xf32>
    %swap3A_9 = arith.constant 32 : index
    %swap3A_10 = tpu.vector_load %arg22[%swap3A_9] {strides = array<i32>} : memref<80xf32, #tpu.memory_space<vmem>>, vector<16xf32>,
    tpu.vector_store %arg22[%swap3A_9], %broadcast_in_dim3A_8 {strides = array<i32>} : memref<80xf32, #tpu.memory_space<vmem>>, vector<16xf32>,
    %broadcast_in_dim3A_11 = arith.constant 1.000000e+00 : f32
    %broadcast_in_dim3A_12 = vector.broadcast %broadcast_in_dim3A_11 : f32 to vector<16xf32>
    %swap3A_13 = arith.constant 48 : index
    %swap3A_14 = tpu.vector_load %arg22[%swap3A_13] {strides = array<i32>} : memref<80xf32, #tpu.memory_space<vmem>>, vector<16xf32>,
    tpu.vector_store %arg22[%swap3A_13], %broadcast_in_dim3A_12 {strides = array<i32>} : memref<80xf32, #tpu.memory_space<vmem>>, vector<16xf32>,
    %broadcast_in_dim3A_15 = arith.constant 1.000000e+00 : f32
    %broadcast_in_dim3A_16 = vector.broadcast %broadcast_in_dim3A_15 : f32 to vector<16xf32>
    %swap3A_17 = arith.constant 64 : index
    %swap3A_18 = tpu.vector_load %arg22[%swap3A_17] {strides = array<i32>} : memref<80xf32, #tpu.memory_space<vmem>>, vector<16xf32>,
    tpu.vector_store %arg22[%swap3A_17], %broadcast_in_dim3A_16 {strides = array<i32>} : memref<80xf32, #tpu.memory_space<vmem>>, vector<16xf32>,
    %barrier3A = arith.constant 0 : index
    tpu.barrier barrier_id(%barrier3A)
    %mul3A_19 = arith.constant 20000 : i32
    %mul3A_20 = arith.muli %arg1, %mul3A_19 : i32
    %add3A = arith.constant 0 : i32
    %add3A_21 = arith.addi %mul3A_20, %add3A : i32
    %dma_start3A = tpu.memref_slice %arg3[%add3A_21] : memref<320000xi32, #tpu.memory_space<hbm>> -> memref<80xi32, #tpu.memory_space<hbm>>
    %dma_start3A_22 = tpu.memref_slice %arg3[%add3A_21] : memref<320000xi32, #tpu.memory_space<hbm>> -> memref<80xi32, #tpu.memory_space<hbm>>
    tpu.enqueue_dma source(%dma_start3A_22 : memref<80xi32, #tpu.memory_space<hbm>>) target(%arg10 : memref<80xi32, #tpu.memory_space<vmem>>) target_semaphore(%arg25 : memref<!tpu.dma_semaphore, #tpu.memory_space<semaphore_mem>>)
    %add3A_23 = arith.constant 0 : i32
    %add3A_24 = arith.addi %mul3A_20, %add3A_23 : i32
    %dma_start3A_25 = arith.constant 0 : i32
    %dma_start3A_26 = tpu.memref_slice %arg2[%add3A_24, %dma_start3A_25] : memref<320000x128xf32, #tpu.memory_space<hbm>> -> memref<80x128xf32, #tpu.memory_space<hbm>>
    %dma_start3A_27 = arith.constant 0 : i32
    %dma_start3A_28 = tpu.memref_slice %arg2[%add3A_24, %dma_start3A_27] : memref<320000x128xf32, #tpu.memory_space<hbm>> -> memref<80x128xf32, #tpu.memory_space<hbm>>
    tpu.enqueue_dma source(%dma_start3A_28 : memref<80x128xf32, #tpu.memory_space<hbm>>) target(%arg18 : memref<80x128xf32, #tpu.memory_space<vmem>>) target_semaphore(%arg25 : memref<!tpu.dma_semaphore, #tpu.memory_space<semaphore_mem>>)
    %add3A_29 = arith.constant 80 : i32
    %add3A_30 = arith.addi %mul3A_20, %add3A_29 : i32
    %dma_start3A_31 = tpu.memref_slice %arg3[%add3A_30] : memref<320000xi32, #tpu.memory_space<hbm>> -> memref<80xi32, #tpu.memory_space<hbm>>
    %dma_start3A_32 = tpu.memref_slice %arg3[%add3A_30] : memref<320000xi32, #tpu.memory_space<hbm>> -> memref<80xi32, #tpu.memory_space<hbm>>
    tpu.enqueue_dma source(%dma_start3A_32 : memref<80xi32, #tpu.memory_space<hbm>>) target(%arg11 : memref<80xi32, #tpu.memory_space<vmem>>) target_semaphore(%arg26 : memref<!tpu.dma_semaphore, #tpu.memory_space<semaphore_mem>>)
    %add3A_33 = arith.constant 80 : i32
    %add3A_34 = arith.addi %mul3A_20, %add3A_33 : i32
    %dma_start3A_35 = arith.constant 0 : i32
    %dma_start3A_36 = tpu.memref_slice %arg2[%add3A_34, %dma_start3A_35] : memref<320000x128xf32, #tpu.memory_space<hbm>> -> memref<80x128xf32, #tpu.memory_space<hbm>>
    %dma_start3A_37 = arith.constant 0 : i32
    %dma_start3A_38 = tpu.memref_slice %arg2[%add3A_34, %dma_start3A_37] : memref<320000x128xf32, #tpu.memory_space<hbm>> -> memref<80x128xf32, #tpu.memory_space<hbm>>
    tpu.enqueue_dma source(%dma_start3A_38 : memref<80x128xf32, #tpu.memory_space<hbm>>) target(%arg19 : memref<80x128xf32, #tpu.memory_space<vmem>>) target_semaphore(%arg26 : memref<!tpu.dma_semaphore, #tpu.memory_space<semaphore_mem>>)
    %add3A_39 = arith.constant 160 : i32
    %add3A_40 = arith.addi %mul3A_20, %add3A_39 : i32
    %dma_start3A_41 = tpu.memref_slice %arg3[%add3A_40] : memref<320000xi32, #tpu.memory_space<hbm>> -> memref<80xi32, #tpu.memory_space<hbm>>
    %dma_start3A_42 = tpu.memref_slice %arg3[%add3A_40] : memref<320000xi32, #tpu.memory_space<hbm>> -> memref<80xi32, #tpu.memory_space<hbm>>
    tpu.enqueue_dma source(%dma_start3A_42 : memref<80xi32, #tpu.memory_space<hbm>>) target(%arg12 : memref<80xi32, #tpu.memory_space<vmem>>) target_semaphore(%arg27 : memref<!tpu.dma_semaphore, #tpu.memory_space<semaphore_mem>>)
    %add3A_43 = arith.constant 160 : i32
    %add3A_44 = arith.addi %mul3A_20, %add3A_43 : i32
    %dma_start3A_45 = arith.constant 0 : i32
    %dma_start3A_46 = tpu.memref_slice %arg2[%add3A_44, %dma_start3A_45] : memref<320000x128xf32, #tpu.memory_space<hbm>> -> memref<80x128xf32, #tpu.memory_space<hbm>>
    %dma_start3A_47 = arith.constant 0 : i32
    %dma_start3A_48 = tpu.memref_slice %arg2[%add3A_44, %dma_start3A_47] : memref<320000x128xf32, #tpu.memory_space<hbm>> -> memref<80x128xf32, #tpu.memory_space<hbm>>
    tpu.enqueue_dma source(%dma_start3A_48 : memref<80x128xf32, #tpu.memory_space<hbm>>) target(%arg20 : memref<80x128xf32, #tpu.memory_space<vmem>>) target_semaphore(%arg27 : memref<!tpu.dma_semaphore, #tpu.memory_space<semaphore_mem>>)
    %add3A_49 = arith.constant 240 : i32
    %add3A_50 = arith.addi %mul3A_20, %add3A_49 : i32
    %dma_start3A_51 = tpu.memref_slice %arg3[%add3A_50] : memref<320000xi32, #tpu.memory_space<hbm>> -> memref<80xi32, #tpu.memory_space<hbm>>
    %dma_start3A_52 = tpu.memref_slice %arg3[%add3A_50] : memref<320000xi32, #tpu.memory_space<hbm>> -> memref<80xi32, #tpu.memory_space<hbm>>
    tpu.enqueue_dma source(%dma_start3A_52 : memref<80xi32, #tpu.memory_space<hbm>>) target(%arg13 : memref<80xi32, #tpu.memory_space<vmem>>) target_semaphore(%arg28 : memref<!tpu.dma_semaphore, #tpu.memory_space<semaphore_mem>>)
    %add3A_53 = arith.constant 240 : i32
    %add3A_54 = arith.addi %mul3A_20, %add3A_53 : i32
    %dma_start3A_55 = arith.constant 0 : i32
    %dma_start3A_56 = tpu.memref_slice %arg2[%add3A_54, %dma_start3A_55] : memref<320000x128xf32, #tpu.memory_space<hbm>> -> memref<80x128xf32, #tpu.memory_space<hbm>>
    %dma_start3A_57 = arith.constant 0 : i32
    %dma_start3A_58 = tpu.memref_slice %arg2[%add3A_54, %dma_start3A_57] : memref<320000x128xf32, #tpu.memory_space<hbm>> -> memref<80x128xf32, #tpu.memory_space<hbm>>
    tpu.enqueue_dma source(%dma_start3A_58 : memref<80x128xf32, #tpu.memory_space<hbm>>) target(%arg21 : memref<80x128xf32, #tpu.memory_space<vmem>>) target_semaphore(%arg28 : memref<!tpu.dma_semaphore, #tpu.memory_space<semaphore_mem>>)
    %scan3A = arith.constant 0 : i32
    %scan3A_59 = arith.constant 0 : i32
    %scan3A_60 = arith.constant 62 : i32
    %scan3A_61 = arith.addi %scan3A_59, %scan3A_60 : i32
    %scan3A_62 = arith.constant 1 : i32
    scf.for %scan3A_229 = %scan3A_59 to %scan3A_61 step %scan3A_62  : i32 {
      %mul3A_230 = arith.constant 4 : i32
      %mul3A_231 = arith.muli %mul3A_230, %scan3A_229 : i32
      %dma_wait3A_232 = tpu.memref_slice %arg3[%mul3A_20] : memref<320000xi32, #tpu.memory_space<hbm>> -> memref<80xi32, #tpu.memory_space<hbm>>
      %dma_wait3A_233 = tpu.memref_slice %arg3[%mul3A_20] : memref<320000xi32, #tpu.memory_space<hbm>> -> memref<80xi32, #tpu.memory_space<hbm>>
      tpu.wait_dma2 semaphore(%arg25 : memref<!tpu.dma_semaphore, #tpu.memory_space<semaphore_mem>>) src(%dma_wait3A_233 : memref<80xi32, #tpu.memory_space<hbm>>) dst(%arg10 : memref<80xi32, #tpu.memory_space<vmem>>)
      %dma_wait3A_234 = arith.constant 0 : i32
      %dma_wait3A_235 = tpu.memref_slice %arg2[%mul3A_20, %dma_wait3A_234] : memref<320000x128xf32, #tpu.memory_space<hbm>> -> memref<80x128xf32, #tpu.memory_space<hbm>>
      %dma_wait3A_236 = arith.constant 0 : i32
      %dma_wait3A_237 = tpu.memref_slice %arg2[%mul3A_20, %dma_wait3A_236] : memref<320000x128xf32, #tpu.memory_space<hbm>> -> memref<80x128xf32, #tpu.memory_space<hbm>>
      tpu.wait_dma2 semaphore(%arg25 : memref<!tpu.dma_semaphore, #tpu.memory_space<semaphore_mem>>) src(%dma_wait3A_237 : memref<80x128xf32, #tpu.memory_space<hbm>>) dst(%arg18 : memref<80x128xf32, #tpu.memory_space<vmem>>)
      %get3A_238 = arith.constant 0 : index
      %get3A_239 = tpu.vector_load %arg10[%get3A_238] {strides = array<i32>} : memref<80xi32, #tpu.memory_space<vmem>>, vector<16xi32>,
      %eq3A_240 = arith.constant 0 : i32
      %eq3A_241 = arith.cmpi eq, %arg0, %eq3A_240 : i32
      %shift_right_logical3A_242 = arith.constant 16 : i32
      %shift_right_logical3A_243 = vector.broadcast %shift_right_logical3A_242 : i32 to vector<16xi32>
      %shift_right_logical3A_244 = arith.shrui %get3A_239, %shift_right_logical3A_243 : vector<16xi32>
      %and3A_245 = arith.constant 65535 : i32
      %and3A_246 = vector.broadcast %and3A_245 : i32 to vector<16xi32>
      %and3A_247 = arith.andi %get3A_239, %and3A_246 : vector<16xi32>
      %select_n3A_248 = arith.select %eq3A_241, %shift_right_logical3A_244, %and3A_247 : vector<16xi32>
      %swap3A_249 = arith.constant 0 : index
      %swap3A_250 = tpu.vector_load %arg14[%swap3A_249] {strides = array<i32>} : memref<80xi32, #tpu.memory_space<vmem>>, vector<16xi32>,
      tpu.vector_store %arg14[%swap3A_249], %select_n3A_248 {strides = array<i32>} : memref<80xi32, #tpu.memory_space<vmem>>, vector<16xi32>,
      %get3A_251 = arith.constant 16 : index
      %get3A_252 = tpu.vector_load %arg10[%get3A_251] {strides = array<i32>} : memref<80xi32, #tpu.memory_space<vmem>>, vector<16xi32>,
      %eq3A_253 = arith.constant 0 : i32
      %eq3A_254 = arith.cmpi eq, %arg0, %eq3A_253 : i32
      %shift_right_logical3A_255 = arith.constant 16 : i32
      %shift_right_logical3A_256 = vector.broadcast %shift_right_logical3A_255 : i32 to vector<16xi32>
      %shift_right_logical3A_257 = arith.shrui %get3A_252, %shift_right_logical3A_256 : vector<16xi32>
      %and3A_258 = arith.constant 65535 : i32
      %and3A_259 = vector.broadcast %and3A_258 : i32 to vector<16xi32>
      %and3A_260 = arith.andi %get3A_252, %and3A_259 : vector<16xi32>
      %select_n3A_261 = arith.select %eq3A_254, %shift_right_logical3A_257, %and3A_260 : vector<16xi32>
      %swap3A_262 = arith.constant 16 : index
      %swap3A_263 = tpu.vector_load %arg14[%swap3A_262] {strides = array<i32>} : memref<80xi32, #tpu.memory_space<vmem>>, vector<16xi32>,
      tpu.vector_store %arg14[%swap3A_262], %select_n3A_261 {strides = array<i32>} : memref<80xi32, #tpu.memory_space<vmem>>, vector<16xi32>,
      %get3A_264 = arith.constant 32 : index
      %get3A_265 = tpu.vector_load %arg10[%get3A_264] {strides = array<i32>} : memref<80xi32, #tpu.memory_space<vmem>>, vector<16xi32>,
      %eq3A_266 = arith.constant 0 : i32
      %eq3A_267 = arith.cmpi eq, %arg0, %eq3A_266 : i32
      %shift_right_logical3A_268 = arith.constant 16 : i32
      %shift_right_logical3A_269 = vector.broadcast %shift_right_logical3A_268 : i32 to vector<16xi32>
      %shift_right_logical3A_270 = arith.shrui %get3A_265, %shift_right_logical3A_269 : vector<16xi32>
      %and3A_271 = arith.constant 65535 : i32
      %and3A_272 = vector.broadcast %and3A_271 : i32 to vector<16xi32>
      %and3A_273 = arith.andi %get3A_265, %and3A_272 : vector<16xi32>
      %select_n3A_274 = arith.select %eq3A_267, %shift_right_logical3A_270, %and3A_273 : vector<16xi32>
      %swap3A_275 = arith.constant 32 : index
      %swap3A_276 = tpu.vector_load %arg14[%swap3A_275] {strides = array<i32>} : memref<80xi32, #tpu.memory_space<vmem>>, vector<16xi32>,
      tpu.vector_store %arg14[%swap3A_275], %select_n3A_274 {strides = array<i32>} : memref<80xi32, #tpu.memory_space<vmem>>, vector<16xi32>,
      %get3A_277 = arith.constant 48 : index
      %get3A_278 = tpu.vector_load %arg10[%get3A_277] {strides = array<i32>} : memref<80xi32, #tpu.memory_space<vmem>>, vector<16xi32>,
      %eq3A_279 = arith.constant 0 : i32
      %eq3A_280 = arith.cmpi eq, %arg0, %eq3A_279 : i32
      %shift_right_logical3A_281 = arith.constant 16 : i32
      %shift_right_logical3A_282 = vector.broadcast %shift_right_logical3A_281 : i32 to vector<16xi32>
      %shift_right_logical3A_283 = arith.shrui %get3A_278, %shift_right_logical3A_282 : vector<16xi32>
      %and3A_284 = arith.constant 65535 : i32
      %and3A_285 = vector.broadcast %and3A_284 : i32 to vector<16xi32>
      %and3A_286 = arith.andi %get3A_278, %and3A_285 : vector<16xi32>
      %select_n3A_287 = arith.select %eq3A_280, %shift_right_logical3A_283, %and3A_286 : vector<16xi32>
      %swap3A_288 = arith.constant 48 : index
      %swap3A_289 = tpu.vector_load %arg14[%swap3A_288] {strides = array<i32>} : memref<80xi32, #tpu.memory_space<vmem>>, vector<16xi32>,
      tpu.vector_store %arg14[%swap3A_288], %select_n3A_287 {strides = array<i32>} : memref<80xi32, #tpu.memory_space<vmem>>, vector<16xi32>,
      %get3A_290 = arith.constant 64 : index
      %get3A_291 = tpu.vector_load %arg10[%get3A_290] {strides = array<i32>} : memref<80xi32, #tpu.memory_space<vmem>>, vector<16xi32>,
      %eq3A_292 = arith.constant 0 : i32
      %eq3A_293 = arith.cmpi eq, %arg0, %eq3A_292 : i32
      %shift_right_logical3A_294 = arith.constant 16 : i32
      %shift_right_logical3A_295 = vector.broadcast %shift_right_logical3A_294 : i32 to vector<16xi32>
      %shift_right_logical3A_296 = arith.shrui %get3A_291, %shift_right_logical3A_295 : vector<16xi32>
      %and3A_297 = arith.constant 65535 : i32
      %and3A_298 = vector.broadcast %and3A_297 : i32 to vector<16xi32>
      %and3A_299 = arith.andi %get3A_291, %and3A_298 : vector<16xi32>
      %select_n3A_300 = arith.select %eq3A_293, %shift_right_logical3A_296, %and3A_299 : vector<16xi32>
      %swap3A_301 = arith.constant 64 : index
      %swap3A_302 = tpu.vector_load %arg14[%swap3A_301] {strides = array<i32>} : memref<80xi32, #tpu.memory_space<vmem>>, vector<16xi32>,
      tpu.vector_store %arg14[%swap3A_301], %select_n3A_300 {strides = array<i32>} : memref<80xi32, #tpu.memory_space<vmem>>, vector<16xi32>,
      %dma_start3A_303 = arith.constant 0 : i32
      %dma_start3A_304 = arith.constant 0 : i32
      %dma_start3A_305 = tpu.memref_slice %arg23[%dma_start3A_303, %dma_start3A_304] : memref<10240x128xf32, #tpu.memory_space<vmem_shared>> -> memref<10240x128xf32, #tpu.memory_space<vmem_shared>>
      tpu.enqueue_indirect_dma source(%arg18 : memref<80x128xf32, #tpu.memory_space<vmem>>) target(%dma_start3A_305 : memref<10240x128xf32, #tpu.memory_space<vmem_shared>>) offsets(%arg14 : memref<80xi32, #tpu.memory_space<vmem>>) semaphore(%arg29 : memref<!tpu.dma_semaphore, #tpu.memory_space<semaphore_mem>>) {add = true}
      %dma_start3A_306 = arith.constant 0 : i32
      %dma_start3A_307 = tpu.memref_slice %arg24[%dma_start3A_306] : memref<10240xf32, #tpu.memory_space<vmem_shared>> -> memref<10240xf32, #tpu.memory_space<vmem_shared>>
      tpu.enqueue_indirect_dma source(%arg22 : memref<80xf32, #tpu.memory_space<vmem>>) target(%dma_start3A_307 : memref<10240xf32, #tpu.memory_space<vmem_shared>>) offsets(%arg14 : memref<80xi32, #tpu.memory_space<vmem>>) semaphore(%arg29 : memref<!tpu.dma_semaphore, #tpu.memory_space<semaphore_mem>>) {add = true}
      %dma_wait3A_308 = tpu.memref_slice %arg3[%mul3A_20] : memref<320000xi32, #tpu.memory_space<hbm>> -> memref<80xi32, #tpu.memory_space<hbm>>
      %dma_wait3A_309 = tpu.memref_slice %arg3[%mul3A_20] : memref<320000xi32, #tpu.memory_space<hbm>> -> memref<80xi32, #tpu.memory_space<hbm>>
      tpu.wait_dma2 semaphore(%arg26 : memref<!tpu.dma_semaphore, #tpu.memory_space<semaphore_mem>>) src(%dma_wait3A_309 : memref<80xi32, #tpu.memory_space<hbm>>) dst(%arg11 : memref<80xi32, #tpu.memory_space<vmem>>)
      %dma_wait3A_310 = arith.constant 0 : i32
      %dma_wait3A_311 = tpu.memref_slice %arg2[%mul3A_20, %dma_wait3A_310] : memref<320000x128xf32, #tpu.memory_space<hbm>> -> memref<80x128xf32, #tpu.memory_space<hbm>>
      %dma_wait3A_312 = arith.constant 0 : i32
      %dma_wait3A_313 = tpu.memref_slice %arg2[%mul3A_20, %dma_wait3A_312] : memref<320000x128xf32, #tpu.memory_space<hbm>> -> memref<80x128xf32, #tpu.memory_space<hbm>>
      tpu.wait_dma2 semaphore(%arg26 : memref<!tpu.dma_semaphore, #tpu.memory_space<semaphore_mem>>) src(%dma_wait3A_313 : memref<80x128xf32, #tpu.memory_space<hbm>>) dst(%arg19 : memref<80x128xf32, #tpu.memory_space<vmem>>)
      %get3A_314 = arith.constant 0 : index
      %get3A_315 = tpu.vector_load %arg11[%get3A_314] {strides = array<i32>} : memref<80xi32, #tpu.memory_space<vmem>>, vector<16xi32>,
      %eq3A_316 = arith.constant 0 : i32
      %eq3A_317 = arith.cmpi eq, %arg0, %eq3A_316 : i32
      %shift_right_logical3A_318 = arith.constant 16 : i32
      %shift_right_logical3A_319 = vector.broadcast %shift_right_logical3A_318 : i32 to vector<16xi32>
      %shift_right_logical3A_320 = arith.shrui %get3A_315, %shift_right_logical3A_319 : vector<16xi32>
      %and3A_321 = arith.constant 65535 : i32
      %and3A_322 = vector.broadcast %and3A_321 : i32 to vector<16xi32>
      %and3A_323 = arith.andi %get3A_315, %and3A_322 : vector<16xi32>
      %select_n3A_324 = arith.select %eq3A_317, %shift_right_logical3A_320, %and3A_323 : vector<16xi32>
      %swap3A_325 = arith.constant 0 : index
      %swap3A_326 = tpu.vector_load %arg15[%swap3A_325] {strides = array<i32>} : memref<80xi32, #tpu.memory_space<vmem>>, vector<16xi32>,
      tpu.vector_store %arg15[%swap3A_325], %select_n3A_324 {strides = array<i32>} : memref<80xi32, #tpu.memory_space<vmem>>, vector<16xi32>,
      %get3A_327 = arith.constant 16 : index
      %get3A_328 = tpu.vector_load %arg11[%get3A_327] {strides = array<i32>} : memref<80xi32, #tpu.memory_space<vmem>>, vector<16xi32>,
      %eq3A_329 = arith.constant 0 : i32
      %eq3A_330 = arith.cmpi eq, %arg0, %eq3A_329 : i32
      %shift_right_logical3A_331 = arith.constant 16 : i32
      %shift_right_logical3A_332 = vector.broadcast %shift_right_logical3A_331 : i32 to vector<16xi32>
      %shift_right_logical3A_333 = arith.shrui %get3A_328, %shift_right_logical3A_332 : vector<16xi32>
      %and3A_334 = arith.constant 65535 : i32
      %and3A_335 = vector.broadcast %and3A_334 : i32 to vector<16xi32>
      %and3A_336 = arith.andi %get3A_328, %and3A_335 : vector<16xi32>
      %select_n3A_337 = arith.select %eq3A_330, %shift_right_logical3A_333, %and3A_336 : vector<16xi32>
      %swap3A_338 = arith.constant 16 : index
      %swap3A_339 = tpu.vector_load %arg15[%swap3A_338] {strides = array<i32>} : memref<80xi32, #tpu.memory_space<vmem>>, vector<16xi32>,
      tpu.vector_store %arg15[%swap3A_338], %select_n3A_337 {strides = array<i32>} : memref<80xi32, #tpu.memory_space<vmem>>, vector<16xi32>,
      %get3A_340 = arith.constant 32 : index
      %get3A_341 = tpu.vector_load %arg11[%get3A_340] {strides = array<i32>} : memref<80xi32, #tpu.memory_space<vmem>>, vector<16xi32>,
      %eq3A_342 = arith.constant 0 : i32
      %eq3A_343 = arith.cmpi eq, %arg0, %eq3A_342 : i32
      %shift_right_logical3A_344 = arith.constant 16 : i32
      %shift_right_logical3A_345 = vector.broadcast %shift_right_logical3A_344 : i32 to vector<16xi32>
      %shift_right_logical3A_346 = arith.shrui %get3A_341, %shift_right_logical3A_345 : vector<16xi32>
      %and3A_347 = arith.constant 65535 : i32
      %and3A_348 = vector.broadcast %and3A_347 : i32 to vector<16xi32>
      %and3A_349 = arith.andi %get3A_341, %and3A_348 : vector<16xi32>
      %select_n3A_350 = arith.select %eq3A_343, %shift_right_logical3A_346, %and3A_349 : vector<16xi32>
      %swap3A_351 = arith.constant 32 : index
      %swap3A_352 = tpu.vector_load %arg15[%swap3A_351] {strides = array<i32>} : memref<80xi32, #tpu.memory_space<vmem>>, vector<16xi32>,
      tpu.vector_store %arg15[%swap3A_351], %select_n3A_350 {strides = array<i32>} : memref<80xi32, #tpu.memory_space<vmem>>, vector<16xi32>,
      %get3A_353 = arith.constant 48 : index
      %get3A_354 = tpu.vector_load %arg11[%get3A_353] {strides = array<i32>} : memref<80xi32, #tpu.memory_space<vmem>>, vector<16xi32>,
      %eq3A_355 = arith.constant 0 : i32
      %eq3A_356 = arith.cmpi eq, %arg0, %eq3A_355 : i32
      %shift_right_logical3A_357 = arith.constant 16 : i32
      %shift_right_logical3A_358 = vector.broadcast %shift_right_logical3A_357 : i32 to vector<16xi32>
      %shift_right_logical3A_359 = arith.shrui %get3A_354, %shift_right_logical3A_358 : vector<16xi32>
      %and3A_360 = arith.constant 65535 : i32
      %and3A_361 = vector.broadcast %and3A_360 : i32 to vector<16xi32>
      %and3A_362 = arith.andi %get3A_354, %and3A_361 : vector<16xi32>
      %select_n3A_363 = arith.select %eq3A_356, %shift_right_logical3A_359, %and3A_362 : vector<16xi32>
      %swap3A_364 = arith.constant 48 : index
      %swap3A_365 = tpu.vector_load %arg15[%swap3A_364] {strides = array<i32>} : memref<80xi32, #tpu.memory_space<vmem>>, vector<16xi32>,
      tpu.vector_store %arg15[%swap3A_364], %select_n3A_363 {strides = array<i32>} : memref<80xi32, #tpu.memory_space<vmem>>, vector<16xi32>,
      %get3A_366 = arith.constant 64 : index
      %get3A_367 = tpu.vector_load %arg11[%get3A_366] {strides = array<i32>} : memref<80xi32, #tpu.memory_space<vmem>>, vector<16xi32>,
      %eq3A_368 = arith.constant 0 : i32
      %eq3A_369 = arith.cmpi eq, %arg0, %eq3A_368 : i32
      %shift_right_logical3A_370 = arith.constant 16 : i32
      %shift_right_logical3A_371 = vector.broadcast %shift_right_logical3A_370 : i32 to vector<16xi32>
      %shift_right_logical3A_372 = arith.shrui %get3A_367, %shift_right_logical3A_371 : vector<16xi32>
      %and3A_373 = arith.constant 65535 : i32
      %and3A_374 = vector.broadcast %and3A_373 : i32 to vector<16xi32>
      %and3A_375 = arith.andi %get3A_367, %and3A_374 : vector<16xi32>
      %select_n3A_376 = arith.select %eq3A_369, %shift_right_logical3A_372, %and3A_375 : vector<16xi32>
      %swap3A_377 = arith.constant 64 : index
      %swap3A_378 = tpu.vector_load %arg15[%swap3A_377] {strides = array<i32>} : memref<80xi32, #tpu.memory_space<vmem>>, vector<16xi32>,
      tpu.vector_store %arg15[%swap3A_377], %select_n3A_376 {strides = array<i32>} : memref<80xi32, #tpu.memory_space<vmem>>, vector<16xi32>,
      %dma_start3A_379 = arith.constant 0 : i32
      %dma_start3A_380 = arith.constant 0 : i32
      %dma_start3A_381 = tpu.memref_slice %arg23[%dma_start3A_379, %dma_start3A_380] : memref<10240x128xf32, #tpu.memory_space<vmem_shared>> -> memref<10240x128xf32, #tpu.memory_space<vmem_shared>>
      tpu.enqueue_indirect_dma source(%arg19 : memref<80x128xf32, #tpu.memory_space<vmem>>) target(%dma_start3A_381 : memref<10240x128xf32, #tpu.memory_space<vmem_shared>>) offsets(%arg15 : memref<80xi32, #tpu.memory_space<vmem>>) semaphore(%arg30 : memref<!tpu.dma_semaphore, #tpu.memory_space<semaphore_mem>>) {add = true}
      %dma_start3A_382 = arith.constant 0 : i32
      %dma_start3A_383 = tpu.memref_slice %arg24[%dma_start3A_382] : memref<10240xf32, #tpu.memory_space<vmem_shared>> -> memref<10240xf32, #tpu.memory_space<vmem_shared>>
      tpu.enqueue_indirect_dma source(%arg22 : memref<80xf32, #tpu.memory_space<vmem>>) target(%dma_start3A_383 : memref<10240xf32, #tpu.memory_space<vmem_shared>>) offsets(%arg15 : memref<80xi32, #tpu.memory_space<vmem>>) semaphore(%arg30 : memref<!tpu.dma_semaphore, #tpu.memory_space<semaphore_mem>>) {add = true}
      %dma_wait3A_384 = tpu.memref_slice %arg3[%mul3A_20] : memref<320000xi32, #tpu.memory_space<hbm>> -> memref<80xi32, #tpu.memory_space<hbm>>
      %dma_wait3A_385 = tpu.memref_slice %arg3[%mul3A_20] : memref<320000xi32, #tpu.memory_space<hbm>> -> memref<80xi32, #tpu.memory_space<hbm>>
      tpu.wait_dma2 semaphore(%arg27 : memref<!tpu.dma_semaphore, #tpu.memory_space<semaphore_mem>>) src(%dma_wait3A_385 : memref<80xi32, #tpu.memory_space<hbm>>) dst(%arg12 : memref<80xi32, #tpu.memory_space<vmem>>)
      %dma_wait3A_386 = arith.constant 0 : i32
      %dma_wait3A_387 = tpu.memref_slice %arg2[%mul3A_20, %dma_wait3A_386] : memref<320000x128xf32, #tpu.memory_space<hbm>> -> memref<80x128xf32, #tpu.memory_space<hbm>>
      %dma_wait3A_388 = arith.constant 0 : i32
      %dma_wait3A_389 = tpu.memref_slice %arg2[%mul3A_20, %dma_wait3A_388] : memref<320000x128xf32, #tpu.memory_space<hbm>> -> memref<80x128xf32, #tpu.memory_space<hbm>>
      tpu.wait_dma2 semaphore(%arg27 : memref<!tpu.dma_semaphore, #tpu.memory_space<semaphore_mem>>) src(%dma_wait3A_389 : memref<80x128xf32, #tpu.memory_space<hbm>>) dst(%arg20 : memref<80x128xf32, #tpu.memory_space<vmem>>)
      %get3A_390 = arith.constant 0 : index
      %get3A_391 = tpu.vector_load %arg12[%get3A_390] {strides = array<i32>} : memref<80xi32, #tpu.memory_space<vmem>>, vector<16xi32>,
      %eq3A_392 = arith.constant 0 : i32
      %eq3A_393 = arith.cmpi eq, %arg0, %eq3A_392 : i32
      %shift_right_logical3A_394 = arith.constant 16 : i32
      %shift_right_logical3A_395 = vector.broadcast %shift_right_logical3A_394 : i32 to vector<16xi32>
      %shift_right_logical3A_396 = arith.shrui %get3A_391, %shift_right_logical3A_395 : vector<16xi32>
      %and3A_397 = arith.constant 65535 : i32
      %and3A_398 = vector.broadcast %and3A_397 : i32 to vector<16xi32>
      %and3A_399 = arith.andi %get3A_391, %and3A_398 : vector<16xi32>
      %select_n3A_400 = arith.select %eq3A_393, %shift_right_logical3A_396, %and3A_399 : vector<16xi32>
      %swap3A_401 = arith.constant 0 : index
      %swap3A_402 = tpu.vector_load %arg16[%swap3A_401] {strides = array<i32>} : memref<80xi32, #tpu.memory_space<vmem>>, vector<16xi32>,
      tpu.vector_store %arg16[%swap3A_401], %select_n3A_400 {strides = array<i32>} : memref<80xi32, #tpu.memory_space<vmem>>, vector<16xi32>,
      %get3A_403 = arith.constant 16 : index
      %get3A_404 = tpu.vector_load %arg12[%get3A_403] {strides = array<i32>} : memref<80xi32, #tpu.memory_space<vmem>>, vector<16xi32>,
      %eq3A_405 = arith.constant 0 : i32
      %eq3A_406 = arith.cmpi eq, %arg0, %eq3A_405 : i32
      %shift_right_logical3A_407 = arith.constant 16 : i32
      %shift_right_logical3A_408 = vector.broadcast %shift_right_logical3A_407 : i32 to vector<16xi32>
      %shift_right_logical3A_409 = arith.shrui %get3A_404, %shift_right_logical3A_408 : vector<16xi32>
      %and3A_410 = arith.constant 65535 : i32
      %and3A_411 = vector.broadcast %and3A_410 : i32 to vector<16xi32>
      %and3A_412 = arith.andi %get3A_404, %and3A_411 : vector<16xi32>
      %select_n3A_413 = arith.select %eq3A_406, %shift_right_logical3A_409, %and3A_412 : vector<16xi32>
      %swap3A_414 = arith.constant 16 : index
      %swap3A_415 = tpu.vector_load %arg16[%swap3A_414] {strides = array<i32>} : memref<80xi32, #tpu.memory_space<vmem>>, vector<16xi32>,
      tpu.vector_store %arg16[%swap3A_414], %select_n3A_413 {strides = array<i32>} : memref<80xi32, #tpu.memory_space<vmem>>, vector<16xi32>,
      %get3A_416 = arith.constant 32 : index
      %get3A_417 = tpu.vector_load %arg12[%get3A_416] {strides = array<i32>} : memref<80xi32, #tpu.memory_space<vmem>>, vector<16xi32>,
      %eq3A_418 = arith.constant 0 : i32
      %eq3A_419 = arith.cmpi eq, %arg0, %eq3A_418 : i32
      %shift_right_logical3A_420 = arith.constant 16 : i32
      %shift_right_logical3A_421 = vector.broadcast %shift_right_logical3A_420 : i32 to vector<16xi32>
      %shift_right_logical3A_422 = arith.shrui %get3A_417, %shift_right_logical3A_421 : vector<16xi32>
      %and3A_423 = arith.constant 65535 : i32
      %and3A_424 = vector.broadcast %and3A_423 : i32 to vector<16xi32>
      %and3A_425 = arith.andi %get3A_417, %and3A_424 : vector<16xi32>
      %select_n3A_426 = arith.select %eq3A_419, %shift_right_logical3A_422, %and3A_425 : vector<16xi32>
      %swap3A_427 = arith.constant 32 : index
      %swap3A_428 = tpu.vector_load %arg16[%swap3A_427] {strides = array<i32>} : memref<80xi32, #tpu.memory_space<vmem>>, vector<16xi32>,
      tpu.vector_store %arg16[%swap3A_427], %select_n3A_426 {strides = array<i32>} : memref<80xi32, #tpu.memory_space<vmem>>, vector<16xi32>,
      %get3A_429 = arith.constant 48 : index
      %get3A_430 = tpu.vector_load %arg12[%get3A_429] {strides = array<i32>} : memref<80xi32, #tpu.memory_space<vmem>>, vector<16xi32>,
      %eq3A_431 = arith.constant 0 : i32
      %eq3A_432 = arith.cmpi eq, %arg0, %eq3A_431 : i32
      %shift_right_logical3A_433 = arith.constant 16 : i32
      %shift_right_logical3A_434 = vector.broadcast %shift_right_logical3A_433 : i32 to vector<16xi32>
      %shift_right_logical3A_435 = arith.shrui %get3A_430, %shift_right_logical3A_434 : vector<16xi32>
      %and3A_436 = arith.constant 65535 : i32
      %and3A_437 = vector.broadcast %and3A_436 : i32 to vector<16xi32>
      %and3A_438 = arith.andi %get3A_430, %and3A_437 : vector<16xi32>
      %select_n3A_439 = arith.select %eq3A_432, %shift_right_logical3A_435, %and3A_438 : vector<16xi32>
      %swap3A_440 = arith.constant 48 : index
      %swap3A_441 = tpu.vector_load %arg16[%swap3A_440] {strides = array<i32>} : memref<80xi32, #tpu.memory_space<vmem>>, vector<16xi32>,
      tpu.vector_store %arg16[%swap3A_440], %select_n3A_439 {strides = array<i32>} : memref<80xi32, #tpu.memory_space<vmem>>, vector<16xi32>,
      %get3A_442 = arith.constant 64 : index
      %get3A_443 = tpu.vector_load %arg12[%get3A_442] {strides = array<i32>} : memref<80xi32, #tpu.memory_space<vmem>>, vector<16xi32>,
      %eq3A_444 = arith.constant 0 : i32
      %eq3A_445 = arith.cmpi eq, %arg0, %eq3A_444 : i32
      %shift_right_logical3A_446 = arith.constant 16 : i32
      %shift_right_logical3A_447 = vector.broadcast %shift_right_logical3A_446 : i32 to vector<16xi32>
      %shift_right_logical3A_448 = arith.shrui %get3A_443, %shift_right_logical3A_447 : vector<16xi32>
      %and3A_449 = arith.constant 65535 : i32
      %and3A_450 = vector.broadcast %and3A_449 : i32 to vector<16xi32>
      %and3A_451 = arith.andi %get3A_443, %and3A_450 : vector<16xi32>
      %select_n3A_452 = arith.select %eq3A_445, %shift_right_logical3A_448, %and3A_451 : vector<16xi32>
      %swap3A_453 = arith.constant 64 : index
      %swap3A_454 = tpu.vector_load %arg16[%swap3A_453] {strides = array<i32>} : memref<80xi32, #tpu.memory_space<vmem>>, vector<16xi32>,
      tpu.vector_store %arg16[%swap3A_453], %select_n3A_452 {strides = array<i32>} : memref<80xi32, #tpu.memory_space<vmem>>, vector<16xi32>,
      %dma_start3A_455 = arith.constant 0 : i32
      %dma_start3A_456 = arith.constant 0 : i32
      %dma_start3A_457 = tpu.memref_slice %arg23[%dma_start3A_455, %dma_start3A_456] : memref<10240x128xf32, #tpu.memory_space<vmem_shared>> -> memref<10240x128xf32, #tpu.memory_space<vmem_shared>>
      tpu.enqueue_indirect_dma source(%arg20 : memref<80x128xf32, #tpu.memory_space<vmem>>) target(%dma_start3A_457 : memref<10240x128xf32, #tpu.memory_space<vmem_shared>>) offsets(%arg16 : memref<80xi32, #tpu.memory_space<vmem>>) semaphore(%arg31 : memref<!tpu.dma_semaphore, #tpu.memory_space<semaphore_mem>>) {add = true}
      %dma_start3A_458 = arith.constant 0 : i32
      %dma_start3A_459 = tpu.memref_slice %arg24[%dma_start3A_458] : memref<10240xf32, #tpu.memory_space<vmem_shared>> -> memref<10240xf32, #tpu.memory_space<vmem_shared>>
      tpu.enqueue_indirect_dma source(%arg22 : memref<80xf32, #tpu.memory_space<vmem>>) target(%dma_start3A_459 : memref<10240xf32, #tpu.memory_space<vmem_shared>>) offsets(%arg16 : memref<80xi32, #tpu.memory_space<vmem>>) semaphore(%arg31 : memref<!tpu.dma_semaphore, #tpu.memory_space<semaphore_mem>>) {add = true}
      %dma_wait3A_460 = tpu.memref_slice %arg3[%mul3A_20] : memref<320000xi32, #tpu.memory_space<hbm>> -> memref<80xi32, #tpu.memory_space<hbm>>
      %dma_wait3A_461 = tpu.memref_slice %arg3[%mul3A_20] : memref<320000xi32, #tpu.memory_space<hbm>> -> memref<80xi32, #tpu.memory_space<hbm>>
      tpu.wait_dma2 semaphore(%arg28 : memref<!tpu.dma_semaphore, #tpu.memory_space<semaphore_mem>>) src(%dma_wait3A_461 : memref<80xi32, #tpu.memory_space<hbm>>) dst(%arg13 : memref<80xi32, #tpu.memory_space<vmem>>)
      %dma_wait3A_462 = arith.constant 0 : i32
      %dma_wait3A_463 = tpu.memref_slice %arg2[%mul3A_20, %dma_wait3A_462] : memref<320000x128xf32, #tpu.memory_space<hbm>> -> memref<80x128xf32, #tpu.memory_space<hbm>>
      %dma_wait3A_464 = arith.constant 0 : i32
      %dma_wait3A_465 = tpu.memref_slice %arg2[%mul3A_20, %dma_wait3A_464] : memref<320000x128xf32, #tpu.memory_space<hbm>> -> memref<80x128xf32, #tpu.memory_space<hbm>>
      tpu.wait_dma2 semaphore(%arg28 : memref<!tpu.dma_semaphore, #tpu.memory_space<semaphore_mem>>) src(%dma_wait3A_465 : memref<80x128xf32, #tpu.memory_space<hbm>>) dst(%arg21 : memref<80x128xf32, #tpu.memory_space<vmem>>)
      %get3A_466 = arith.constant 0 : index
      %get3A_467 = tpu.vector_load %arg13[%get3A_466] {strides = array<i32>} : memref<80xi32, #tpu.memory_space<vmem>>, vector<16xi32>,
      %eq3A_468 = arith.constant 0 : i32
      %eq3A_469 = arith.cmpi eq, %arg0, %eq3A_468 : i32
      %shift_right_logical3A_470 = arith.constant 16 : i32
      %shift_right_logical3A_471 = vector.broadcast %shift_right_logical3A_470 : i32 to vector<16xi32>
      %shift_right_logical3A_472 = arith.shrui %get3A_467, %shift_right_logical3A_471 : vector<16xi32>
      %and3A_473 = arith.constant 65535 : i32
      %and3A_474 = vector.broadcast %and3A_473 : i32 to vector<16xi32>
      %and3A_475 = arith.andi %get3A_467, %and3A_474 : vector<16xi32>
      %select_n3A_476 = arith.select %eq3A_469, %shift_right_logical3A_472, %and3A_475 : vector<16xi32>
      %swap3A_477 = arith.constant 0 : index
      %swap3A_478 = tpu.vector_load %arg17[%swap3A_477] {strides = array<i32>} : memref<80xi32, #tpu.memory_space<vmem>>, vector<16xi32>,
      tpu.vector_store %arg17[%swap3A_477], %select_n3A_476 {strides = array<i32>} : memref<80xi32, #tpu.memory_space<vmem>>, vector<16xi32>,
      %get3A_479 = arith.constant 16 : index
      %get3A_480 = tpu.vector_load %arg13[%get3A_479] {strides = array<i32>} : memref<80xi32, #tpu.memory_space<vmem>>, vector<16xi32>,
      %eq3A_481 = arith.constant 0 : i32
      %eq3A_482 = arith.cmpi eq, %arg0, %eq3A_481 : i32
      %shift_right_logical3A_483 = arith.constant 16 : i32
      %shift_right_logical3A_484 = vector.broadcast %shift_right_logical3A_483 : i32 to vector<16xi32>
      %shift_right_logical3A_485 = arith.shrui %get3A_480, %shift_right_logical3A_484 : vector<16xi32>
      %and3A_486 = arith.constant 65535 : i32
      %and3A_487 = vector.broadcast %and3A_486 : i32 to vector<16xi32>
      %and3A_488 = arith.andi %get3A_480, %and3A_487 : vector<16xi32>
      %select_n3A_489 = arith.select %eq3A_482, %shift_right_logical3A_485, %and3A_488 : vector<16xi32>
      %swap3A_490 = arith.constant 16 : index
      %swap3A_491 = tpu.vector_load %arg17[%swap3A_490] {strides = array<i32>} : memref<80xi32, #tpu.memory_space<vmem>>, vector<16xi32>,
      tpu.vector_store %arg17[%swap3A_490], %select_n3A_489 {strides = array<i32>} : memref<80xi32, #tpu.memory_space<vmem>>, vector<16xi32>,
      %get3A_492 = arith.constant 32 : index
      %get3A_493 = tpu.vector_load %arg13[%get3A_492] {strides = array<i32>} : memref<80xi32, #tpu.memory_space<vmem>>, vector<16xi32>,
      %eq3A_494 = arith.constant 0 : i32
      %eq3A_495 = arith.cmpi eq, %arg0, %eq3A_494 : i32
      %shift_right_logical3A_496 = arith.constant 16 : i32
      %shift_right_logical3A_497 = vector.broadcast %shift_right_logical3A_496 : i32 to vector<16xi32>
      %shift_right_logical3A_498 = arith.shrui %get3A_493, %shift_right_logical3A_497 : vector<16xi32>
      %and3A_499 = arith.constant 65535 : i32
      %and3A_500 = vector.broadcast %and3A_499 : i32 to vector<16xi32>
      %and3A_501 = arith.andi %get3A_493, %and3A_500 : vector<16xi32>
      %select_n3A_502 = arith.select %eq3A_495, %shift_right_logical3A_498, %and3A_501 : vector<16xi32>
      %swap3A_503 = arith.constant 32 : index
      %swap3A_504 = tpu.vector_load %arg17[%swap3A_503] {strides = array<i32>} : memref<80xi32, #tpu.memory_space<vmem>>, vector<16xi32>,
      tpu.vector_store %arg17[%swap3A_503], %select_n3A_502 {strides = array<i32>} : memref<80xi32, #tpu.memory_space<vmem>>, vector<16xi32>,
      %get3A_505 = arith.constant 48 : index
      %get3A_506 = tpu.vector_load %arg13[%get3A_505] {strides = array<i32>} : memref<80xi32, #tpu.memory_space<vmem>>, vector<16xi32>,
      %eq3A_507 = arith.constant 0 : i32
      %eq3A_508 = arith.cmpi eq, %arg0, %eq3A_507 : i32
      %shift_right_logical3A_509 = arith.constant 16 : i32
      %shift_right_logical3A_510 = vector.broadcast %shift_right_logical3A_509 : i32 to vector<16xi32>
      %shift_right_logical3A_511 = arith.shrui %get3A_506, %shift_right_logical3A_510 : vector<16xi32>
      %and3A_512 = arith.constant 65535 : i32
      %and3A_513 = vector.broadcast %and3A_512 : i32 to vector<16xi32>
      %and3A_514 = arith.andi %get3A_506, %and3A_513 : vector<16xi32>
      %select_n3A_515 = arith.select %eq3A_508, %shift_right_logical3A_511, %and3A_514 : vector<16xi32>
      %swap3A_516 = arith.constant 48 : index
      %swap3A_517 = tpu.vector_load %arg17[%swap3A_516] {strides = array<i32>} : memref<80xi32, #tpu.memory_space<vmem>>, vector<16xi32>,
      tpu.vector_store %arg17[%swap3A_516], %select_n3A_515 {strides = array<i32>} : memref<80xi32, #tpu.memory_space<vmem>>, vector<16xi32>,
      %get3A_518 = arith.constant 64 : index
      %get3A_519 = tpu.vector_load %arg13[%get3A_518] {strides = array<i32>} : memref<80xi32, #tpu.memory_space<vmem>>, vector<16xi32>,
      %eq3A_520 = arith.constant 0 : i32
      %eq3A_521 = arith.cmpi eq, %arg0, %eq3A_520 : i32
      %shift_right_logical3A_522 = arith.constant 16 : i32
      %shift_right_logical3A_523 = vector.broadcast %shift_right_logical3A_522 : i32 to vector<16xi32>
      %shift_right_logical3A_524 = arith.shrui %get3A_519, %shift_right_logical3A_523 : vector<16xi32>
      %and3A_525 = arith.constant 65535 : i32
      %and3A_526 = vector.broadcast %and3A_525 : i32 to vector<16xi32>
      %and3A_527 = arith.andi %get3A_519, %and3A_526 : vector<16xi32>
      %select_n3A_528 = arith.select %eq3A_521, %shift_right_logical3A_524, %and3A_527 : vector<16xi32>
      %swap3A_529 = arith.constant 64 : index
      %swap3A_530 = tpu.vector_load %arg17[%swap3A_529] {strides = array<i32>} : memref<80xi32, #tpu.memory_space<vmem>>, vector<16xi32>,
      tpu.vector_store %arg17[%swap3A_529], %select_n3A_528 {strides = array<i32>} : memref<80xi32, #tpu.memory_space<vmem>>, vector<16xi32>,
      %dma_start3A_531 = arith.constant 0 : i32
      %dma_start3A_532 = arith.constant 0 : i32
      %dma_start3A_533 = tpu.memref_slice %arg23[%dma_start3A_531, %dma_start3A_532] : memref<10240x128xf32, #tpu.memory_space<vmem_shared>> -> memref<10240x128xf32, #tpu.memory_space<vmem_shared>>
      tpu.enqueue_indirect_dma source(%arg21 : memref<80x128xf32, #tpu.memory_space<vmem>>) target(%dma_start3A_533 : memref<10240x128xf32, #tpu.memory_space<vmem_shared>>) offsets(%arg17 : memref<80xi32, #tpu.memory_space<vmem>>) semaphore(%arg32 : memref<!tpu.dma_semaphore, #tpu.memory_space<semaphore_mem>>) {add = true}
      %dma_start3A_534 = arith.constant 0 : i32
      %dma_start3A_535 = tpu.memref_slice %arg24[%dma_start3A_534] : memref<10240xf32, #tpu.memory_space<vmem_shared>> -> memref<10240xf32, #tpu.memory_space<vmem_shared>>
      tpu.enqueue_indirect_dma source(%arg22 : memref<80xf32, #tpu.memory_space<vmem>>) target(%dma_start3A_535 : memref<10240xf32, #tpu.memory_space<vmem_shared>>) offsets(%arg17 : memref<80xi32, #tpu.memory_space<vmem>>) semaphore(%arg32 : memref<!tpu.dma_semaphore, #tpu.memory_space<semaphore_mem>>) {add = true}
      %dma_wait3A_536 = arith.constant 0 : i32
      %dma_wait3A_537 = arith.constant 0 : i32
      %dma_wait3A_538 = tpu.memref_slice %arg23[%dma_wait3A_536, %dma_wait3A_537] : memref<10240x128xf32, #tpu.memory_space<vmem_shared>> -> memref<10240x128xf32, #tpu.memory_space<vmem_shared>>
      tpu.wait_indirect_dma semaphore(%arg29 : memref<!tpu.dma_semaphore, #tpu.memory_space<semaphore_mem>>) src(%arg18 : memref<80x128xf32, #tpu.memory_space<vmem>>) dst(%dma_wait3A_538 : memref<10240x128xf32, #tpu.memory_space<vmem_shared>>)
      %dma_wait3A_539 = arith.constant 0 : i32
      %dma_wait3A_540 = tpu.memref_slice %arg24[%dma_wait3A_539] : memref<10240xf32, #tpu.memory_space<vmem_shared>> -> memref<10240xf32, #tpu.memory_space<vmem_shared>>
      tpu.wait_indirect_dma semaphore(%arg29 : memref<!tpu.dma_semaphore, #tpu.memory_space<semaphore_mem>>) src(%arg22 : memref<80xf32, #tpu.memory_space<vmem>>) dst(%dma_wait3A_540 : memref<10240xf32, #tpu.memory_space<vmem_shared>>)
      %add3A_541 = arith.constant 4 : i32
      %add3A_542 = arith.addi %mul3A_231, %add3A_541 : i32
      %add3A_543 = arith.constant 0 : i32
      %add3A_544 = arith.addi %add3A_542, %add3A_543 : i32
      %lt3A = arith.constant 250 : i32
      %lt3A_545 = arith.cmpi slt, %add3A_544, %lt3A : i32
      %convert_element_type3A_546 = arith.extui %lt3A_545 : i1 to i32
      %cond3A_547 = arith.constant 0 : i32
      %cond3A_548 = arith.cmpi ne, %convert_element_type3A_546, %cond3A_547 : i32
      scf.if %cond3A_548 {
        %add3A_591 = arith.constant 4 : i32
        %add3A_592 = arith.addi %mul3A_231, %add3A_591 : i32
        %add3A_593 = arith.constant 0 : i32
        %add3A_594 = arith.addi %add3A_592, %add3A_593 : i32
        %mul3A_595 = arith.constant 80 : i32
        %mul3A_596 = arith.muli %add3A_594, %mul3A_595 : i32
        %add3A_597 = arith.addi %mul3A_20, %mul3A_596 : i32
        %dma_start3A_598 = tpu.memref_slice %arg3[%add3A_597] : memref<320000xi32, #tpu.memory_space<hbm>> -> memref<80xi32, #tpu.memory_space<hbm>>
        %dma_start3A_599 = tpu.memref_slice %arg3[%add3A_597] : memref<320000xi32, #tpu.memory_space<hbm>> -> memref<80xi32, #tpu.memory_space<hbm>>
        tpu.enqueue_dma source(%dma_start3A_599 : memref<80xi32, #tpu.memory_space<hbm>>) target(%arg10 : memref<80xi32, #tpu.memory_space<vmem>>) target_semaphore(%arg25 : memref<!tpu.dma_semaphore, #tpu.memory_space<semaphore_mem>>)
        %mul3A_600 = arith.constant 80 : i32
        %mul3A_601 = arith.muli %add3A_594, %mul3A_600 : i32
        %add3A_602 = arith.addi %mul3A_20, %mul3A_601 : i32
        %dma_start3A_603 = arith.constant 0 : i32
        %dma_start3A_604 = tpu.memref_slice %arg2[%add3A_602, %dma_start3A_603] : memref<320000x128xf32, #tpu.memory_space<hbm>> -> memref<80x128xf32, #tpu.memory_space<hbm>>
        %dma_start3A_605 = arith.constant 0 : i32
        %dma_start3A_606 = tpu.memref_slice %arg2[%add3A_602, %dma_start3A_605] : memref<320000x128xf32, #tpu.memory_space<hbm>> -> memref<80x128xf32, #tpu.memory_space<hbm>>
        tpu.enqueue_dma source(%dma_start3A_606 : memref<80x128xf32, #tpu.memory_space<hbm>>) target(%arg18 : memref<80x128xf32, #tpu.memory_space<vmem>>) target_semaphore(%arg25 : memref<!tpu.dma_semaphore, #tpu.memory_space<semaphore_mem>>)
      } else {
      }
      %dma_wait3A_549 = arith.constant 0 : i32
      %dma_wait3A_550 = arith.constant 0 : i32
      %dma_wait3A_551 = tpu.memref_slice %arg23[%dma_wait3A_549, %dma_wait3A_550] : memref<10240x128xf32, #tpu.memory_space<vmem_shared>> -> memref<10240x128xf32, #tpu.memory_space<vmem_shared>>
      tpu.wait_indirect_dma semaphore(%arg30 : memref<!tpu.dma_semaphore, #tpu.memory_space<semaphore_mem>>) src(%arg19 : memref<80x128xf32, #tpu.memory_space<vmem>>) dst(%dma_wait3A_551 : memref<10240x128xf32, #tpu.memory_space<vmem_shared>>)
      %dma_wait3A_552 = arith.constant 0 : i32
      %dma_wait3A_553 = tpu.memref_slice %arg24[%dma_wait3A_552] : memref<10240xf32, #tpu.memory_space<vmem_shared>> -> memref<10240xf32, #tpu.memory_space<vmem_shared>>
      tpu.wait_indirect_dma semaphore(%arg30 : memref<!tpu.dma_semaphore, #tpu.memory_space<semaphore_mem>>) src(%arg22 : memref<80xf32, #tpu.memory_space<vmem>>) dst(%dma_wait3A_553 : memref<10240xf32, #tpu.memory_space<vmem_shared>>)
      %add3A_554 = arith.constant 4 : i32
      %add3A_555 = arith.addi %mul3A_231, %add3A_554 : i32
      %add3A_556 = arith.constant 1 : i32
      %add3A_557 = arith.addi %add3A_555, %add3A_556 : i32
      %lt3A_558 = arith.constant 250 : i32
      %lt3A_559 = arith.cmpi slt, %add3A_557, %lt3A_558 : i32
      %convert_element_type3A_560 = arith.extui %lt3A_559 : i1 to i32
      %cond3A_561 = arith.constant 0 : i32
      %cond3A_562 = arith.cmpi ne, %convert_element_type3A_560, %cond3A_561 : i32
      scf.if %cond3A_562 {
        %add3A_591 = arith.constant 4 : i32
        %add3A_592 = arith.addi %mul3A_231, %add3A_591 : i32
        %add3A_593 = arith.constant 1 : i32
        %add3A_594 = arith.addi %add3A_592, %add3A_593 : i32
        %mul3A_595 = arith.constant 80 : i32
        %mul3A_596 = arith.muli %add3A_594, %mul3A_595 : i32
        %add3A_597 = arith.addi %mul3A_20, %mul3A_596 : i32
        %dma_start3A_598 = tpu.memref_slice %arg3[%add3A_597] : memref<320000xi32, #tpu.memory_space<hbm>> -> memref<80xi32, #tpu.memory_space<hbm>>
        %dma_start3A_599 = tpu.memref_slice %arg3[%add3A_597] : memref<320000xi32, #tpu.memory_space<hbm>> -> memref<80xi32, #tpu.memory_space<hbm>>
        tpu.enqueue_dma source(%dma_start3A_599 : memref<80xi32, #tpu.memory_space<hbm>>) target(%arg11 : memref<80xi32, #tpu.memory_space<vmem>>) target_semaphore(%arg26 : memref<!tpu.dma_semaphore, #tpu.memory_space<semaphore_mem>>)
        %mul3A_600 = arith.constant 80 : i32
        %mul3A_601 = arith.muli %add3A_594, %mul3A_600 : i32
        %add3A_602 = arith.addi %mul3A_20, %mul3A_601 : i32
        %dma_start3A_603 = arith.constant 0 : i32
        %dma_start3A_604 = tpu.memref_slice %arg2[%add3A_602, %dma_start3A_603] : memref<320000x128xf32, #tpu.memory_space<hbm>> -> memref<80x128xf32, #tpu.memory_space<hbm>>
        %dma_start3A_605 = arith.constant 0 : i32
        %dma_start3A_606 = tpu.memref_slice %arg2[%add3A_602, %dma_start3A_605] : memref<320000x128xf32, #tpu.memory_space<hbm>> -> memref<80x128xf32, #tpu.memory_space<hbm>>
        tpu.enqueue_dma source(%dma_start3A_606 : memref<80x128xf32, #tpu.memory_space<hbm>>) target(%arg19 : memref<80x128xf32, #tpu.memory_space<vmem>>) target_semaphore(%arg26 : memref<!tpu.dma_semaphore, #tpu.memory_space<semaphore_mem>>)
      } else {
      }
      %dma_wait3A_563 = arith.constant 0 : i32
      %dma_wait3A_564 = arith.constant 0 : i32
      %dma_wait3A_565 = tpu.memref_slice %arg23[%dma_wait3A_563, %dma_wait3A_564] : memref<10240x128xf32, #tpu.memory_space<vmem_shared>> -> memref<10240x128xf32, #tpu.memory_space<vmem_shared>>
      tpu.wait_indirect_dma semaphore(%arg31 : memref<!tpu.dma_semaphore, #tpu.memory_space<semaphore_mem>>) src(%arg20 : memref<80x128xf32, #tpu.memory_space<vmem>>) dst(%dma_wait3A_565 : memref<10240x128xf32, #tpu.memory_space<vmem_shared>>)
      %dma_wait3A_566 = arith.constant 0 : i32
      %dma_wait3A_567 = tpu.memref_slice %arg24[%dma_wait3A_566] : memref<10240xf32, #tpu.memory_space<vmem_shared>> -> memref<10240xf32, #tpu.memory_space<vmem_shared>>
      tpu.wait_indirect_dma semaphore(%arg31 : memref<!tpu.dma_semaphore, #tpu.memory_space<semaphore_mem>>) src(%arg22 : memref<80xf32, #tpu.memory_space<vmem>>) dst(%dma_wait3A_567 : memref<10240xf32, #tpu.memory_space<vmem_shared>>)
      %add3A_568 = arith.constant 4 : i32
      %add3A_569 = arith.addi %mul3A_231, %add3A_568 : i32
      %add3A_570 = arith.constant 2 : i32
      %add3A_571 = arith.addi %add3A_569, %add3A_570 : i32
      %lt3A_572 = arith.constant 250 : i32
      %lt3A_573 = arith.cmpi slt, %add3A_571, %lt3A_572 : i32
      %convert_element_type3A_574 = arith.extui %lt3A_573 : i1 to i32
      %cond3A_575 = arith.constant 0 : i32
      %cond3A_576 = arith.cmpi ne, %convert_element_type3A_574, %cond3A_575 : i32
      scf.if %cond3A_576 {
        %add3A_591 = arith.constant 4 : i32
        %add3A_592 = arith.addi %mul3A_231, %add3A_591 : i32
        %add3A_593 = arith.constant 2 : i32
        %add3A_594 = arith.addi %add3A_592, %add3A_593 : i32
        %mul3A_595 = arith.constant 80 : i32
        %mul3A_596 = arith.muli %add3A_594, %mul3A_595 : i32
        %add3A_597 = arith.addi %mul3A_20, %mul3A_596 : i32
        %dma_start3A_598 = tpu.memref_slice %arg3[%add3A_597] : memref<320000xi32, #tpu.memory_space<hbm>> -> memref<80xi32, #tpu.memory_space<hbm>>
        %dma_start3A_599 = tpu.memref_slice %arg3[%add3A_597] : memref<320000xi32, #tpu.memory_space<hbm>> -> memref<80xi32, #tpu.memory_space<hbm>>
        tpu.enqueue_dma source(%dma_start3A_599 : memref<80xi32, #tpu.memory_space<hbm>>) target(%arg12 : memref<80xi32, #tpu.memory_space<vmem>>) target_semaphore(%arg27 : memref<!tpu.dma_semaphore, #tpu.memory_space<semaphore_mem>>)
        %mul3A_600 = arith.constant 80 : i32
        %mul3A_601 = arith.muli %add3A_594, %mul3A_600 : i32
        %add3A_602 = arith.addi %mul3A_20, %mul3A_601 : i32
        %dma_start3A_603 = arith.constant 0 : i32
        %dma_start3A_604 = tpu.memref_slice %arg2[%add3A_602, %dma_start3A_603] : memref<320000x128xf32, #tpu.memory_space<hbm>> -> memref<80x128xf32, #tpu.memory_space<hbm>>
        %dma_start3A_605 = arith.constant 0 : i32
        %dma_start3A_606 = tpu.memref_slice %arg2[%add3A_602, %dma_start3A_605] : memref<320000x128xf32, #tpu.memory_space<hbm>> -> memref<80x128xf32, #tpu.memory_space<hbm>>
        tpu.enqueue_dma source(%dma_start3A_606 : memref<80x128xf32, #tpu.memory_space<hbm>>) target(%arg20 : memref<80x128xf32, #tpu.memory_space<vmem>>) target_semaphore(%arg27 : memref<!tpu.dma_semaphore, #tpu.memory_space<semaphore_mem>>)
      } else {
      }
      %dma_wait3A_577 = arith.constant 0 : i32
      %dma_wait3A_578 = arith.constant 0 : i32
      %dma_wait3A_579 = tpu.memref_slice %arg23[%dma_wait3A_577, %dma_wait3A_578] : memref<10240x128xf32, #tpu.memory_space<vmem_shared>> -> memref<10240x128xf32, #tpu.memory_space<vmem_shared>>
      tpu.wait_indirect_dma semaphore(%arg32 : memref<!tpu.dma_semaphore, #tpu.memory_space<semaphore_mem>>) src(%arg21 : memref<80x128xf32, #tpu.memory_space<vmem>>) dst(%dma_wait3A_579 : memref<10240x128xf32, #tpu.memory_space<vmem_shared>>)
      %dma_wait3A_580 = arith.constant 0 : i32
      %dma_wait3A_581 = tpu.memref_slice %arg24[%dma_wait3A_580] : memref<10240xf32, #tpu.memory_space<vmem_shared>> -> memref<10240xf32, #tpu.memory_space<vmem_shared>>
      tpu.wait_indirect_dma semaphore(%arg32 : memref<!tpu.dma_semaphore, #tpu.memory_space<semaphore_mem>>) src(%arg22 : memref<80xf32, #tpu.memory_space<vmem>>) dst(%dma_wait3A_581 : memref<10240xf32, #tpu.memory_space<vmem_shared>>)
      %add3A_582 = arith.constant 4 : i32
      %add3A_583 = arith.addi %mul3A_231, %add3A_582 : i32
      %add3A_584 = arith.constant 3 : i32
      %add3A_585 = arith.addi %add3A_583, %add3A_584 : i32
      %lt3A_586 = arith.constant 250 : i32
      %lt3A_587 = arith.cmpi slt, %add3A_585, %lt3A_586 : i32
      %convert_element_type3A_588 = arith.extui %lt3A_587 : i1 to i32
      %cond3A_589 = arith.constant 0 : i32
      %cond3A_590 = arith.cmpi ne, %convert_element_type3A_588, %cond3A_589 : i32
      scf.if %cond3A_590 {
        %add3A_591 = arith.constant 4 : i32
        %add3A_592 = arith.addi %mul3A_231, %add3A_591 : i32
        %add3A_593 = arith.constant 3 : i32
        %add3A_594 = arith.addi %add3A_592, %add3A_593 : i32
        %mul3A_595 = arith.constant 80 : i32
        %mul3A_596 = arith.muli %add3A_594, %mul3A_595 : i32
        %add3A_597 = arith.addi %mul3A_20, %mul3A_596 : i32
        %dma_start3A_598 = tpu.memref_slice %arg3[%add3A_597] : memref<320000xi32, #tpu.memory_space<hbm>> -> memref<80xi32, #tpu.memory_space<hbm>>
        %dma_start3A_599 = tpu.memref_slice %arg3[%add3A_597] : memref<320000xi32, #tpu.memory_space<hbm>> -> memref<80xi32, #tpu.memory_space<hbm>>
        tpu.enqueue_dma source(%dma_start3A_599 : memref<80xi32, #tpu.memory_space<hbm>>) target(%arg13 : memref<80xi32, #tpu.memory_space<vmem>>) target_semaphore(%arg28 : memref<!tpu.dma_semaphore, #tpu.memory_space<semaphore_mem>>)
        %mul3A_600 = arith.constant 80 : i32
        %mul3A_601 = arith.muli %add3A_594, %mul3A_600 : i32
        %add3A_602 = arith.addi %mul3A_20, %mul3A_601 : i32
        %dma_start3A_603 = arith.constant 0 : i32
        %dma_start3A_604 = tpu.memref_slice %arg2[%add3A_602, %dma_start3A_603] : memref<320000x128xf32, #tpu.memory_space<hbm>> -> memref<80x128xf32, #tpu.memory_space<hbm>>
        %dma_start3A_605 = arith.constant 0 : i32
        %dma_start3A_606 = tpu.memref_slice %arg2[%add3A_602, %dma_start3A_605] : memref<320000x128xf32, #tpu.memory_space<hbm>> -> memref<80x128xf32, #tpu.memory_space<hbm>>
        tpu.enqueue_dma source(%dma_start3A_606 : memref<80x128xf32, #tpu.memory_space<hbm>>) target(%arg21 : memref<80x128xf32, #tpu.memory_space<vmem>>) target_semaphore(%arg28 : memref<!tpu.dma_semaphore, #tpu.memory_space<semaphore_mem>>)
      } else {
      }
    }
    %scan3A_63 = arith.constant 62 : i32
    %dma_wait3A = tpu.memref_slice %arg3[%mul3A_20] : memref<320000xi32, #tpu.memory_space<hbm>> -> memref<80xi32, #tpu.memory_space<hbm>>
    %dma_wait3A_64 = tpu.memref_slice %arg3[%mul3A_20] : memref<320000xi32, #tpu.memory_space<hbm>> -> memref<80xi32, #tpu.memory_space<hbm>>
    tpu.wait_dma2 semaphore(%arg25 : memref<!tpu.dma_semaphore, #tpu.memory_space<semaphore_mem>>) src(%dma_wait3A_64 : memref<80xi32, #tpu.memory_space<hbm>>) dst(%arg10 : memref<80xi32, #tpu.memory_space<vmem>>)
    %dma_wait3A_65 = arith.constant 0 : i32
    %dma_wait3A_66 = tpu.memref_slice %arg2[%mul3A_20, %dma_wait3A_65] : memref<320000x128xf32, #tpu.memory_space<hbm>> -> memref<80x128xf32, #tpu.memory_space<hbm>>
    %dma_wait3A_67 = arith.constant 0 : i32
    %dma_wait3A_68 = tpu.memref_slice %arg2[%mul3A_20, %dma_wait3A_67] : memref<320000x128xf32, #tpu.memory_space<hbm>> -> memref<80x128xf32, #tpu.memory_space<hbm>>
    tpu.wait_dma2 semaphore(%arg25 : memref<!tpu.dma_semaphore, #tpu.memory_space<semaphore_mem>>) src(%dma_wait3A_68 : memref<80x128xf32, #tpu.memory_space<hbm>>) dst(%arg18 : memref<80x128xf32, #tpu.memory_space<vmem>>)
    %get3A = arith.constant 0 : index
    %get3A_69 = tpu.vector_load %arg10[%get3A] {strides = array<i32>} : memref<80xi32, #tpu.memory_space<vmem>>, vector<16xi32>,
    %eq3A = arith.constant 0 : i32
    %eq3A_70 = arith.cmpi eq, %arg0, %eq3A : i32
    %shift_right_logical3A = arith.constant 16 : i32
    %shift_right_logical3A_71 = vector.broadcast %shift_right_logical3A : i32 to vector<16xi32>
    %shift_right_logical3A_72 = arith.shrui %get3A_69, %shift_right_logical3A_71 : vector<16xi32>
    %and3A = arith.constant 65535 : i32
    %and3A_73 = vector.broadcast %and3A : i32 to vector<16xi32>
    %and3A_74 = arith.andi %get3A_69, %and3A_73 : vector<16xi32>
    %select_n3A = arith.select %eq3A_70, %shift_right_logical3A_72, %and3A_74 : vector<16xi32>
    %swap3A_75 = arith.constant 0 : index
    %swap3A_76 = tpu.vector_load %arg14[%swap3A_75] {strides = array<i32>} : memref<80xi32, #tpu.memory_space<vmem>>, vector<16xi32>,
    tpu.vector_store %arg14[%swap3A_75], %select_n3A {strides = array<i32>} : memref<80xi32, #tpu.memory_space<vmem>>, vector<16xi32>,
    %get3A_77 = arith.constant 16 : index
    %get3A_78 = tpu.vector_load %arg10[%get3A_77] {strides = array<i32>} : memref<80xi32, #tpu.memory_space<vmem>>, vector<16xi32>,
    %eq3A_79 = arith.constant 0 : i32
    %eq3A_80 = arith.cmpi eq, %arg0, %eq3A_79 : i32
    %shift_right_logical3A_81 = arith.constant 16 : i32
    %shift_right_logical3A_82 = vector.broadcast %shift_right_logical3A_81 : i32 to vector<16xi32>
    %shift_right_logical3A_83 = arith.shrui %get3A_78, %shift_right_logical3A_82 : vector<16xi32>
    %and3A_84 = arith.constant 65535 : i32
    %and3A_85 = vector.broadcast %and3A_84 : i32 to vector<16xi32>
    %and3A_86 = arith.andi %get3A_78, %and3A_85 : vector<16xi32>
    %select_n3A_87 = arith.select %eq3A_80, %shift_right_logical3A_83, %and3A_86 : vector<16xi32>
    %swap3A_88 = arith.constant 16 : index
    %swap3A_89 = tpu.vector_load %arg14[%swap3A_88] {strides = array<i32>} : memref<80xi32, #tpu.memory_space<vmem>>, vector<16xi32>,
    tpu.vector_store %arg14[%swap3A_88], %select_n3A_87 {strides = array<i32>} : memref<80xi32, #tpu.memory_space<vmem>>, vector<16xi32>,
    %get3A_90 = arith.constant 32 : index
    %get3A_91 = tpu.vector_load %arg10[%get3A_90] {strides = array<i32>} : memref<80xi32, #tpu.memory_space<vmem>>, vector<16xi32>,
    %eq3A_92 = arith.constant 0 : i32
    %eq3A_93 = arith.cmpi eq, %arg0, %eq3A_92 : i32
    %shift_right_logical3A_94 = arith.constant 16 : i32
    %shift_right_logical3A_95 = vector.broadcast %shift_right_logical3A_94 : i32 to vector<16xi32>
    %shift_right_logical3A_96 = arith.shrui %get3A_91, %shift_right_logical3A_95 : vector<16xi32>
    %and3A_97 = arith.constant 65535 : i32
    %and3A_98 = vector.broadcast %and3A_97 : i32 to vector<16xi32>
    %and3A_99 = arith.andi %get3A_91, %and3A_98 : vector<16xi32>
    %select_n3A_100 = arith.select %eq3A_93, %shift_right_logical3A_96, %and3A_99 : vector<16xi32>
    %swap3A_101 = arith.constant 32 : index
    %swap3A_102 = tpu.vector_load %arg14[%swap3A_101] {strides = array<i32>} : memref<80xi32, #tpu.memory_space<vmem>>, vector<16xi32>,
    tpu.vector_store %arg14[%swap3A_101], %select_n3A_100 {strides = array<i32>} : memref<80xi32, #tpu.memory_space<vmem>>, vector<16xi32>,
    %get3A_103 = arith.constant 48 : index
    %get3A_104 = tpu.vector_load %arg10[%get3A_103] {strides = array<i32>} : memref<80xi32, #tpu.memory_space<vmem>>, vector<16xi32>,
    %eq3A_105 = arith.constant 0 : i32
    %eq3A_106 = arith.cmpi eq, %arg0, %eq3A_105 : i32
    %shift_right_logical3A_107 = arith.constant 16 : i32
    %shift_right_logical3A_108 = vector.broadcast %shift_right_logical3A_107 : i32 to vector<16xi32>
    %shift_right_logical3A_109 = arith.shrui %get3A_104, %shift_right_logical3A_108 : vector<16xi32>
    %and3A_110 = arith.constant 65535 : i32
    %and3A_111 = vector.broadcast %and3A_110 : i32 to vector<16xi32>
    %and3A_112 = arith.andi %get3A_104, %and3A_111 : vector<16xi32>
    %select_n3A_113 = arith.select %eq3A_106, %shift_right_logical3A_109, %and3A_112 : vector<16xi32>
    %swap3A_114 = arith.constant 48 : index
    %swap3A_115 = tpu.vector_load %arg14[%swap3A_114] {strides = array<i32>} : memref<80xi32, #tpu.memory_space<vmem>>, vector<16xi32>,
    tpu.vector_store %arg14[%swap3A_114], %select_n3A_113 {strides = array<i32>} : memref<80xi32, #tpu.memory_space<vmem>>, vector<16xi32>,
    %get3A_116 = arith.constant 64 : index
    %get3A_117 = tpu.vector_load %arg10[%get3A_116] {strides = array<i32>} : memref<80xi32, #tpu.memory_space<vmem>>, vector<16xi32>,
    %eq3A_118 = arith.constant 0 : i32
    %eq3A_119 = arith.cmpi eq, %arg0, %eq3A_118 : i32
    %shift_right_logical3A_120 = arith.constant 16 : i32
    %shift_right_logical3A_121 = vector.broadcast %shift_right_logical3A_120 : i32 to vector<16xi32>
    %shift_right_logical3A_122 = arith.shrui %get3A_117, %shift_right_logical3A_121 : vector<16xi32>
    %and3A_123 = arith.constant 65535 : i32
    %and3A_124 = vector.broadcast %and3A_123 : i32 to vector<16xi32>
    %and3A_125 = arith.andi %get3A_117, %and3A_124 : vector<16xi32>
    %select_n3A_126 = arith.select %eq3A_119, %shift_right_logical3A_122, %and3A_125 : vector<16xi32>
    %swap3A_127 = arith.constant 64 : index
    %swap3A_128 = tpu.vector_load %arg14[%swap3A_127] {strides = array<i32>} : memref<80xi32, #tpu.memory_space<vmem>>, vector<16xi32>,
    tpu.vector_store %arg14[%swap3A_127], %select_n3A_126 {strides = array<i32>} : memref<80xi32, #tpu.memory_space<vmem>>, vector<16xi32>,
    %dma_start3A_129 = arith.constant 0 : i32
    %dma_start3A_130 = arith.constant 0 : i32
    %dma_start3A_131 = tpu.memref_slice %arg23[%dma_start3A_129, %dma_start3A_130] : memref<10240x128xf32, #tpu.memory_space<vmem_shared>> -> memref<10240x128xf32, #tpu.memory_space<vmem_shared>>
    tpu.enqueue_indirect_dma source(%arg18 : memref<80x128xf32, #tpu.memory_space<vmem>>) target(%dma_start3A_131 : memref<10240x128xf32, #tpu.memory_space<vmem_shared>>) offsets(%arg14 : memref<80xi32, #tpu.memory_space<vmem>>) semaphore(%arg29 : memref<!tpu.dma_semaphore, #tpu.memory_space<semaphore_mem>>) {add = true}
    %dma_start3A_132 = arith.constant 0 : i32
    %dma_start3A_133 = tpu.memref_slice %arg24[%dma_start3A_132] : memref<10240xf32, #tpu.memory_space<vmem_shared>> -> memref<10240xf32, #tpu.memory_space<vmem_shared>>
    tpu.enqueue_indirect_dma source(%arg22 : memref<80xf32, #tpu.memory_space<vmem>>) target(%dma_start3A_133 : memref<10240xf32, #tpu.memory_space<vmem_shared>>) offsets(%arg14 : memref<80xi32, #tpu.memory_space<vmem>>) semaphore(%arg29 : memref<!tpu.dma_semaphore, #tpu.memory_space<semaphore_mem>>) {add = true}
    %dma_wait3A_134 = tpu.memref_slice %arg3[%mul3A_20] : memref<320000xi32, #tpu.memory_space<hbm>> -> memref<80xi32, #tpu.memory_space<hbm>>
    %dma_wait3A_135 = tpu.memref_slice %arg3[%mul3A_20] : memref<320000xi32, #tpu.memory_space<hbm>> -> memref<80xi32, #tpu.memory_space<hbm>>
    tpu.wait_dma2 semaphore(%arg26 : memref<!tpu.dma_semaphore, #tpu.memory_space<semaphore_mem>>) src(%dma_wait3A_135 : memref<80xi32, #tpu.memory_space<hbm>>) dst(%arg11 : memref<80xi32, #tpu.memory_space<vmem>>)
    %dma_wait3A_136 = arith.constant 0 : i32
    %dma_wait3A_137 = tpu.memref_slice %arg2[%mul3A_20, %dma_wait3A_136] : memref<320000x128xf32, #tpu.memory_space<hbm>> -> memref<80x128xf32, #tpu.memory_space<hbm>>
    %dma_wait3A_138 = arith.constant 0 : i32
    %dma_wait3A_139 = tpu.memref_slice %arg2[%mul3A_20, %dma_wait3A_138] : memref<320000x128xf32, #tpu.memory_space<hbm>> -> memref<80x128xf32, #tpu.memory_space<hbm>>
    tpu.wait_dma2 semaphore(%arg26 : memref<!tpu.dma_semaphore, #tpu.memory_space<semaphore_mem>>) src(%dma_wait3A_139 : memref<80x128xf32, #tpu.memory_space<hbm>>) dst(%arg19 : memref<80x128xf32, #tpu.memory_space<vmem>>)
    %get3A_140 = arith.constant 0 : index
    %get3A_141 = tpu.vector_load %arg11[%get3A_140] {strides = array<i32>} : memref<80xi32, #tpu.memory_space<vmem>>, vector<16xi32>,
    %eq3A_142 = arith.constant 0 : i32
    %eq3A_143 = arith.cmpi eq, %arg0, %eq3A_142 : i32
    %shift_right_logical3A_144 = arith.constant 16 : i32
    %shift_right_logical3A_145 = vector.broadcast %shift_right_logical3A_144 : i32 to vector<16xi32>
    %shift_right_logical3A_146 = arith.shrui %get3A_141, %shift_right_logical3A_145 : vector<16xi32>
    %and3A_147 = arith.constant 65535 : i32
    %and3A_148 = vector.broadcast %and3A_147 : i32 to vector<16xi32>
    %and3A_149 = arith.andi %get3A_141, %and3A_148 : vector<16xi32>
    %select_n3A_150 = arith.select %eq3A_143, %shift_right_logical3A_146, %and3A_149 : vector<16xi32>
    %swap3A_151 = arith.constant 0 : index
    %swap3A_152 = tpu.vector_load %arg15[%swap3A_151] {strides = array<i32>} : memref<80xi32, #tpu.memory_space<vmem>>, vector<16xi32>,
    tpu.vector_store %arg15[%swap3A_151], %select_n3A_150 {strides = array<i32>} : memref<80xi32, #tpu.memory_space<vmem>>, vector<16xi32>,
    %get3A_153 = arith.constant 16 : index
    %get3A_154 = tpu.vector_load %arg11[%get3A_153] {strides = array<i32>} : memref<80xi32, #tpu.memory_space<vmem>>, vector<16xi32>,
    %eq3A_155 = arith.constant 0 : i32
    %eq3A_156 = arith.cmpi eq, %arg0, %eq3A_155 : i32
    %shift_right_logical3A_157 = arith.constant 16 : i32
    %shift_right_logical3A_158 = vector.broadcast %shift_right_logical3A_157 : i32 to vector<16xi32>
    %shift_right_logical3A_159 = arith.shrui %get3A_154, %shift_right_logical3A_158 : vector<16xi32>
    %and3A_160 = arith.constant 65535 : i32
    %and3A_161 = vector.broadcast %and3A_160 : i32 to vector<16xi32>
    %and3A_162 = arith.andi %get3A_154, %and3A_161 : vector<16xi32>
    %select_n3A_163 = arith.select %eq3A_156, %shift_right_logical3A_159, %and3A_162 : vector<16xi32>
    %swap3A_164 = arith.constant 16 : index
    %swap3A_165 = tpu.vector_load %arg15[%swap3A_164] {strides = array<i32>} : memref<80xi32, #tpu.memory_space<vmem>>, vector<16xi32>,
    tpu.vector_store %arg15[%swap3A_164], %select_n3A_163 {strides = array<i32>} : memref<80xi32, #tpu.memory_space<vmem>>, vector<16xi32>,
    %get3A_166 = arith.constant 32 : index
    %get3A_167 = tpu.vector_load %arg11[%get3A_166] {strides = array<i32>} : memref<80xi32, #tpu.memory_space<vmem>>, vector<16xi32>,
    %eq3A_168 = arith.constant 0 : i32
    %eq3A_169 = arith.cmpi eq, %arg0, %eq3A_168 : i32
    %shift_right_logical3A_170 = arith.constant 16 : i32
    %shift_right_logical3A_171 = vector.broadcast %shift_right_logical3A_170 : i32 to vector<16xi32>
    %shift_right_logical3A_172 = arith.shrui %get3A_167, %shift_right_logical3A_171 : vector<16xi32>
    %and3A_173 = arith.constant 65535 : i32
    %and3A_174 = vector.broadcast %and3A_173 : i32 to vector<16xi32>
    %and3A_175 = arith.andi %get3A_167, %and3A_174 : vector<16xi32>
    %select_n3A_176 = arith.select %eq3A_169, %shift_right_logical3A_172, %and3A_175 : vector<16xi32>
    %swap3A_177 = arith.constant 32 : index
    %swap3A_178 = tpu.vector_load %arg15[%swap3A_177] {strides = array<i32>} : memref<80xi32, #tpu.memory_space<vmem>>, vector<16xi32>,
    tpu.vector_store %arg15[%swap3A_177], %select_n3A_176 {strides = array<i32>} : memref<80xi32, #tpu.memory_space<vmem>>, vector<16xi32>,
    %get3A_179 = arith.constant 48 : index
    %get3A_180 = tpu.vector_load %arg11[%get3A_179] {strides = array<i32>} : memref<80xi32, #tpu.memory_space<vmem>>, vector<16xi32>,
    %eq3A_181 = arith.constant 0 : i32
    %eq3A_182 = arith.cmpi eq, %arg0, %eq3A_181 : i32
    %shift_right_logical3A_183 = arith.constant 16 : i32
    %shift_right_logical3A_184 = vector.broadcast %shift_right_logical3A_183 : i32 to vector<16xi32>
    %shift_right_logical3A_185 = arith.shrui %get3A_180, %shift_right_logical3A_184 : vector<16xi32>
    %and3A_186 = arith.constant 65535 : i32
    %and3A_187 = vector.broadcast %and3A_186 : i32 to vector<16xi32>
    %and3A_188 = arith.andi %get3A_180, %and3A_187 : vector<16xi32>
    %select_n3A_189 = arith.select %eq3A_182, %shift_right_logical3A_185, %and3A_188 : vector<16xi32>
    %swap3A_190 = arith.constant 48 : index
    %swap3A_191 = tpu.vector_load %arg15[%swap3A_190] {strides = array<i32>} : memref<80xi32, #tpu.memory_space<vmem>>, vector<16xi32>,
    tpu.vector_store %arg15[%swap3A_190], %select_n3A_189 {strides = array<i32>} : memref<80xi32, #tpu.memory_space<vmem>>, vector<16xi32>,
    %get3A_192 = arith.constant 64 : index
    %get3A_193 = tpu.vector_load %arg11[%get3A_192] {strides = array<i32>} : memref<80xi32, #tpu.memory_space<vmem>>, vector<16xi32>,
    %eq3A_194 = arith.constant 0 : i32
    %eq3A_195 = arith.cmpi eq, %arg0, %eq3A_194 : i32
    %shift_right_logical3A_196 = arith.constant 16 : i32
    %shift_right_logical3A_197 = vector.broadcast %shift_right_logical3A_196 : i32 to vector<16xi32>
    %shift_right_logical3A_198 = arith.shrui %get3A_193, %shift_right_logical3A_197 : vector<16xi32>
    %and3A_199 = arith.constant 65535 : i32
    %and3A_200 = vector.broadcast %and3A_199 : i32 to vector<16xi32>
    %and3A_201 = arith.andi %get3A_193, %and3A_200 : vector<16xi32>
    %select_n3A_202 = arith.select %eq3A_195, %shift_right_logical3A_198, %and3A_201 : vector<16xi32>
    %swap3A_203 = arith.constant 64 : index
    %swap3A_204 = tpu.vector_load %arg15[%swap3A_203] {strides = array<i32>} : memref<80xi32, #tpu.memory_space<vmem>>, vector<16xi32>,
    tpu.vector_store %arg15[%swap3A_203], %select_n3A_202 {strides = array<i32>} : memref<80xi32, #tpu.memory_space<vmem>>, vector<16xi32>,
    %dma_start3A_205 = arith.constant 0 : i32
    %dma_start3A_206 = arith.constant 0 : i32
    %dma_start3A_207 = tpu.memref_slice %arg23[%dma_start3A_205, %dma_start3A_206] : memref<10240x128xf32, #tpu.memory_space<vmem_shared>> -> memref<10240x128xf32, #tpu.memory_space<vmem_shared>>
    tpu.enqueue_indirect_dma source(%arg19 : memref<80x128xf32, #tpu.memory_space<vmem>>) target(%dma_start3A_207 : memref<10240x128xf32, #tpu.memory_space<vmem_shared>>) offsets(%arg15 : memref<80xi32, #tpu.memory_space<vmem>>) semaphore(%arg30 : memref<!tpu.dma_semaphore, #tpu.memory_space<semaphore_mem>>) {add = true}
    %dma_start3A_208 = arith.constant 0 : i32
    %dma_start3A_209 = tpu.memref_slice %arg24[%dma_start3A_208] : memref<10240xf32, #tpu.memory_space<vmem_shared>> -> memref<10240xf32, #tpu.memory_space<vmem_shared>>
    tpu.enqueue_indirect_dma source(%arg22 : memref<80xf32, #tpu.memory_space<vmem>>) target(%dma_start3A_209 : memref<10240xf32, #tpu.memory_space<vmem_shared>>) offsets(%arg15 : memref<80xi32, #tpu.memory_space<vmem>>) semaphore(%arg30 : memref<!tpu.dma_semaphore, #tpu.memory_space<semaphore_mem>>) {add = true}
    %dma_wait3A_210 = arith.constant 0 : i32
    %dma_wait3A_211 = arith.constant 0 : i32
    %dma_wait3A_212 = tpu.memref_slice %arg23[%dma_wait3A_210, %dma_wait3A_211] : memref<10240x128xf32, #tpu.memory_space<vmem_shared>> -> memref<10240x128xf32, #tpu.memory_space<vmem_shared>>
    tpu.wait_indirect_dma semaphore(%arg29 : memref<!tpu.dma_semaphore, #tpu.memory_space<semaphore_mem>>) src(%arg18 : memref<80x128xf32, #tpu.memory_space<vmem>>) dst(%dma_wait3A_212 : memref<10240x128xf32, #tpu.memory_space<vmem_shared>>)
    %dma_wait3A_213 = arith.constant 0 : i32
    %dma_wait3A_214 = tpu.memref_slice %arg24[%dma_wait3A_213] : memref<10240xf32, #tpu.memory_space<vmem_shared>> -> memref<10240xf32, #tpu.memory_space<vmem_shared>>
    tpu.wait_indirect_dma semaphore(%arg29 : memref<!tpu.dma_semaphore, #tpu.memory_space<semaphore_mem>>) src(%arg22 : memref<80xf32, #tpu.memory_space<vmem>>) dst(%dma_wait3A_214 : memref<10240xf32, #tpu.memory_space<vmem_shared>>)
    %dma_wait3A_215 = arith.constant 0 : i32
    %dma_wait3A_216 = arith.constant 0 : i32
    %dma_wait3A_217 = tpu.memref_slice %arg23[%dma_wait3A_215, %dma_wait3A_216] : memref<10240x128xf32, #tpu.memory_space<vmem_shared>> -> memref<10240x128xf32, #tpu.memory_space<vmem_shared>>
    tpu.wait_indirect_dma semaphore(%arg30 : memref<!tpu.dma_semaphore, #tpu.memory_space<semaphore_mem>>) src(%arg19 : memref<80x128xf32, #tpu.memory_space<vmem>>) dst(%dma_wait3A_217 : memref<10240x128xf32, #tpu.memory_space<vmem_shared>>)
    %dma_wait3A_218 = arith.constant 0 : i32
    %dma_wait3A_219 = tpu.memref_slice %arg24[%dma_wait3A_218] : memref<10240xf32, #tpu.memory_space<vmem_shared>> -> memref<10240xf32, #tpu.memory_space<vmem_shared>>
    tpu.wait_indirect_dma semaphore(%arg30 : memref<!tpu.dma_semaphore, #tpu.memory_space<semaphore_mem>>) src(%arg22 : memref<80xf32, #tpu.memory_space<vmem>>) dst(%dma_wait3A_219 : memref<10240xf32, #tpu.memory_space<vmem_shared>>)
    %barrier3A_220 = arith.constant 0 : index
    tpu.barrier barrier_id(%barrier3A_220)
    %eq3A_221 = arith.constant 0 : i32
    %eq3A_222 = arith.cmpi eq, %arg0, %eq3A_221 : i32
    %convert_element_type3A = arith.extui %eq3A_222 : i1 to i32
    %cond3A = arith.constant 0 : i32
    %cond3A_223 = arith.cmpi ne, %convert_element_type3A, %cond3A : i32
    scf.if %cond3A_223 {
      "tpu.region"() ({
        %run_scoped3A = tpu.sem_alloc : memref<!tpu.dma_semaphore, #tpu.memory_space<semaphore_mem>>
        %dma_start3A_229 = arith.constant 0 : i32
        %dma_start3A_230 = tpu.memref_slice %arg6[%mul3A_0, %dma_start3A_229] : memref<10240x128xf32, #tpu.memory_space<hbm>> -> memref<640x128xf32, #tpu.memory_space<hbm>>
        %dma_start3A_231 = arith.constant 0 : i32
        %dma_start3A_232 = tpu.memref_slice %arg23[%mul3A_0, %dma_start3A_231] : memref<10240x128xf32, #tpu.memory_space<vmem_shared>> -> memref<640x128xf32, #tpu.memory_space<vmem_shared>>
        tpu.enqueue_dma source(%dma_start3A_232 : memref<640x128xf32, #tpu.memory_space<vmem_shared>>) target(%dma_start3A_230 : memref<640x128xf32, #tpu.memory_space<hbm>>) target_semaphore(%run_scoped3A : memref<!tpu.dma_semaphore, #tpu.memory_space<semaphore_mem>>)
        %dma_wait3A_233 = arith.constant 0 : i32
        %dma_wait3A_234 = tpu.memref_slice %arg6[%mul3A_0, %dma_wait3A_233] : memref<10240x128xf32, #tpu.memory_space<hbm>> -> memref<640x128xf32, #tpu.memory_space<hbm>>
        %dma_wait3A_235 = arith.constant 0 : i32
        %dma_wait3A_236 = tpu.memref_slice %arg23[%mul3A_0, %dma_wait3A_235] : memref<10240x128xf32, #tpu.memory_space<vmem_shared>> -> memref<640x128xf32, #tpu.memory_space<vmem_shared>>
        tpu.wait_dma2 semaphore(%run_scoped3A : memref<!tpu.dma_semaphore, #tpu.memory_space<semaphore_mem>>) src(%dma_wait3A_236 : memref<640x128xf32, #tpu.memory_space<vmem_shared>>) dst(%dma_wait3A_234 : memref<640x128xf32, #tpu.memory_space<hbm>>)
        tpu.yield
      }) : () -> ()
      "tpu.region"() ({
        %run_scoped3A = tpu.sem_alloc : memref<!tpu.dma_semaphore, #tpu.memory_space<semaphore_mem>>
        %dma_start3A_229 = tpu.memref_slice %arg8[%mul3A_0] : memref<10240xf32, #tpu.memory_space<hbm>> -> memref<640xf32, #tpu.memory_space<hbm>>
        %dma_start3A_230 = tpu.memref_slice %arg24[%mul3A_0] : memref<10240xf32, #tpu.memory_space<vmem_shared>> -> memref<640xf32, #tpu.memory_space<vmem_shared>>
        tpu.enqueue_dma source(%dma_start3A_230 : memref<640xf32, #tpu.memory_space<vmem_shared>>) target(%dma_start3A_229 : memref<640xf32, #tpu.memory_space<hbm>>) target_semaphore(%run_scoped3A : memref<!tpu.dma_semaphore, #tpu.memory_space<semaphore_mem>>)
        %dma_wait3A_231 = tpu.memref_slice %arg8[%mul3A_0] : memref<10240xf32, #tpu.memory_space<hbm>> -> memref<640xf32, #tpu.memory_space<hbm>>
        %dma_wait3A_232 = tpu.memref_slice %arg24[%mul3A_0] : memref<10240xf32, #tpu.memory_space<vmem_shared>> -> memref<640xf32, #tpu.memory_space<vmem_shared>>
        tpu.wait_dma2 semaphore(%run_scoped3A : memref<!tpu.dma_semaphore, #tpu.memory_space<semaphore_mem>>) src(%dma_wait3A_232 : memref<640xf32, #tpu.memory_space<vmem_shared>>) dst(%dma_wait3A_231 : memref<640xf32, #tpu.memory_space<hbm>>)
        tpu.yield
      }) : () -> ()
    } else {
    }
    %eq3A_224 = arith.constant 1 : i32
    %eq3A_225 = arith.cmpi eq, %arg0, %eq3A_224 : i32
    %convert_element_type3A_226 = arith.extui %eq3A_225 : i1 to i32
    %cond3A_227 = arith.constant 0 : i32
    %cond3A_228 = arith.cmpi ne, %convert_element_type3A_226, %cond3A_227 : i32
    scf.if %cond3A_228 {
      "tpu.region"() ({
        %run_scoped3A = tpu.sem_alloc : memref<!tpu.dma_semaphore, #tpu.memory_space<semaphore_mem>>
        %dma_start3A_229 = arith.constant 0 : i32
        %dma_start3A_230 = tpu.memref_slice %arg7[%mul3A_0, %dma_start3A_229] : memref<10240x128xf32, #tpu.memory_space<hbm>> -> memref<640x128xf32, #tpu.memory_space<hbm>>
        %dma_start3A_231 = arith.constant 0 : i32
        %dma_start3A_232 = tpu.memref_slice %arg23[%mul3A_0, %dma_start3A_231] : memref<10240x128xf32, #tpu.memory_space<vmem_shared>> -> memref<640x128xf32, #tpu.memory_space<vmem_shared>>
        tpu.enqueue_dma source(%dma_start3A_232 : memref<640x128xf32, #tpu.memory_space<vmem_shared>>) target(%dma_start3A_230 : memref<640x128xf32, #tpu.memory_space<hbm>>) target_semaphore(%run_scoped3A : memref<!tpu.dma_semaphore, #tpu.memory_space<semaphore_mem>>)
        %dma_wait3A_233 = arith.constant 0 : i32
        %dma_wait3A_234 = tpu.memref_slice %arg7[%mul3A_0, %dma_wait3A_233] : memref<10240x128xf32, #tpu.memory_space<hbm>> -> memref<640x128xf32, #tpu.memory_space<hbm>>
        %dma_wait3A_235 = arith.constant 0 : i32
        %dma_wait3A_236 = tpu.memref_slice %arg23[%mul3A_0, %dma_wait3A_235] : memref<10240x128xf32, #tpu.memory_space<vmem_shared>> -> memref<640x128xf32, #tpu.memory_space<vmem_shared>>
        tpu.wait_dma2 semaphore(%run_scoped3A : memref<!tpu.dma_semaphore, #tpu.memory_space<semaphore_mem>>) src(%dma_wait3A_236 : memref<640x128xf32, #tpu.memory_space<vmem_shared>>) dst(%dma_wait3A_234 : memref<640x128xf32, #tpu.memory_space<hbm>>)
        tpu.yield
      }) : () -> ()
      "tpu.region"() ({
        %run_scoped3A = tpu.sem_alloc : memref<!tpu.dma_semaphore, #tpu.memory_space<semaphore_mem>>
        %dma_start3A_229 = tpu.memref_slice %arg9[%mul3A_0] : memref<10240xf32, #tpu.memory_space<hbm>> -> memref<640xf32, #tpu.memory_space<hbm>>
        %dma_start3A_230 = tpu.memref_slice %arg24[%mul3A_0] : memref<10240xf32, #tpu.memory_space<vmem_shared>> -> memref<640xf32, #tpu.memory_space<vmem_shared>>
        tpu.enqueue_dma source(%dma_start3A_230 : memref<640xf32, #tpu.memory_space<vmem_shared>>) target(%dma_start3A_229 : memref<640xf32, #tpu.memory_space<hbm>>) target_semaphore(%run_scoped3A : memref<!tpu.dma_semaphore, #tpu.memory_space<semaphore_mem>>)
        %dma_wait3A_231 = tpu.memref_slice %arg9[%mul3A_0] : memref<10240xf32, #tpu.memory_space<hbm>> -> memref<640xf32, #tpu.memory_space<hbm>>
        %dma_wait3A_232 = tpu.memref_slice %arg24[%mul3A_0] : memref<10240xf32, #tpu.memory_space<vmem_shared>> -> memref<640xf32, #tpu.memory_space<vmem_shared>>
        tpu.wait_dma2 semaphore(%run_scoped3A : memref<!tpu.dma_semaphore, #tpu.memory_space<semaphore_mem>>) src(%dma_wait3A_232 : memref<640xf32, #tpu.memory_space<vmem_shared>>) dst(%dma_wait3A_231 : memref<640xf32, #tpu.memory_space<hbm>>)
        tpu.yield
      }) : () -> ()
    } else {
    }
    return
  }
}

module attributes {stable_mosaic.version = 14 : i64} {
  func.func @_dense_body(%arg0: i32, %arg1: memref<2000x128xf32, #tpu.memory_space<vmem>>, %arg2: memref<2000x128xf32, #tpu.memory_space<vmem>>, %arg3: memref<2000x1xf32, #tpu.memory_space<vmem>>, %arg4: memref<2000x1xf32, #tpu.memory_space<vmem>>, %arg5: memref<128x256xf32, #tpu.memory_space<vmem>>, %arg6: memref<1x128xf32, #tpu.memory_space<vmem>>, %arg7: memref<128x256xf32, #tpu.memory_space<vmem>>, %arg8: memref<1x128xf32, #tpu.memory_space<vmem>>, %arg9: memref<1x256xf32, #tpu.memory_space<vmem>>, %arg10: memref<1x1xf32, #tpu.memory_space<vmem>>, %arg11: memref<2000x128xf32, #tpu.memory_space<vmem>>, %arg12: memref<2000x1xf32, #tpu.memory_space<vmem>>, %arg13: memref<2000x1xf32, #tpu.memory_space<vmem>>) attributes {dimension_semantics = [#tpu.dimension_semantics<arbitrary>], iteration_bounds = array<i64: 5>, scalar_prefetch = 0 : i64, scratch_operands = 0 : i64, tpu.core_type = #tpu.core_type<tc>, window_params = [{transform_indices = @transform_0, window_bounds = array<i64: 2000, 128>}, {transform_indices = @transform_1, window_bounds = array<i64: 2000, 128>}, {transform_indices = @transform_2, window_bounds = array<i64: 2000, 1>}, {transform_indices = @transform_3, window_bounds = array<i64: 2000, 1>}, {pipeline_mode = #tpu.pipeline_mode<synchronous>, transform_indices = @transform_4, window_bounds = array<i64: 128, 256>}, {pipeline_mode = #tpu.pipeline_mode<synchronous>, transform_indices = @transform_5, window_bounds = array<i64: 1, 128>}, {pipeline_mode = #tpu.pipeline_mode<synchronous>, transform_indices = @transform_6, window_bounds = array<i64: 128, 256>}, {pipeline_mode = #tpu.pipeline_mode<synchronous>, transform_indices = @transform_7, window_bounds = array<i64: 1, 128>}, {pipeline_mode = #tpu.pipeline_mode<synchronous>, transform_indices = @transform_8, window_bounds = array<i64: 1, 256>}, {pipeline_mode = #tpu.pipeline_mode<synchronous>, transform_indices = @transform_9, window_bounds = array<i64: 1, 1>}, {transform_indices = @transform_10, window_bounds = array<i64: 2000, 128>}, {transform_indices = @transform_11, window_bounds = array<i64: 2000, 1>}, {transform_indices = @transform_12, window_bounds = array<i64: 2000, 1>}]} {
    %get3A = arith.constant 0 : index
    %get3A_0 = arith.constant 0 : index
    %get3A_1 = vector.load %arg3[%get3A, %get3A_0] : memref<2000x1xf32, #tpu.memory_space<vmem>>, vector<2000x1xf32>
    %get3A_2 = arith.constant 0 : index
    %get3A_3 = arith.constant 0 : index
    %get3A_4 = vector.load %arg4[%get3A_2, %get3A_3] : memref<2000x1xf32, #tpu.memory_space<vmem>>, vector<2000x1xf32>
    %gt3A = arith.constant 0.000000e+00 : f32
    %gt3A_5 = vector.broadcast %gt3A : f32 to vector<2000x1xf32>
    %gt3A_6 = arith.cmpf ogt, %get3A_1, %gt3A_5 : vector<2000x1xf32>
    %get3A_7 = arith.constant 0 : index
    %get3A_8 = arith.constant 0 : index
    %get3A_9 = vector.load %arg1[%get3A_7, %get3A_8] : memref<2000x128xf32, #tpu.memory_space<vmem>>, vector<2000x128xf32>
    %max3A = arith.constant 1.000000e+00 : f32
    %max3A_10 = vector.broadcast %max3A : f32 to vector<2000x1xf32>
    %max3A_11 = arith.maximumf %get3A_1, %max3A_10 : vector<2000x1xf32>
    %div3A = vector.broadcast %max3A_11 : vector<2000x1xf32> to vector<2000x128xf32>
    %div3A_12 = arith.divf %get3A_9, %div3A : vector<2000x128xf32>
    %jit3A = arith.constant 0.000000e+00 : f32
    %broadcast_in_dim3A = vector.shape_cast %gt3A_6 : vector<2000x1xi1> to vector<2000x1xi1>
    %broadcast_in_dim3A_13 = vector.broadcast %broadcast_in_dim3A : vector<2000x1xi1> to vector<2000x128xi1>
    %broadcast_in_dim3A_14 = vector.broadcast %jit3A : f32 to vector<2000x128xf32>
    %select_n3A = arith.select %broadcast_in_dim3A_13, %div3A_12, %broadcast_in_dim3A_14 : vector<2000x128xi1>, vector<2000x128xf32>
    %gt3A_15 = arith.constant 0.000000e+00 : f32
    %gt3A_16 = vector.broadcast %gt3A_15 : f32 to vector<2000x1xf32>
    %gt3A_17 = arith.cmpf ogt, %get3A_4, %gt3A_16 : vector<2000x1xf32>
    %get3A_18 = arith.constant 0 : index
    %get3A_19 = arith.constant 0 : index
    %get3A_20 = vector.load %arg2[%get3A_18, %get3A_19] : memref<2000x128xf32, #tpu.memory_space<vmem>>, vector<2000x128xf32>
    %max3A_21 = arith.constant 1.000000e+00 : f32
    %max3A_22 = vector.broadcast %max3A_21 : f32 to vector<2000x1xf32>
    %max3A_23 = arith.maximumf %get3A_4, %max3A_22 : vector<2000x1xf32>
    %div3A_24 = vector.broadcast %max3A_23 : vector<2000x1xf32> to vector<2000x128xf32>
    %div3A_25 = arith.divf %get3A_20, %div3A_24 : vector<2000x128xf32>
    %jit3A_26 = arith.constant 0.000000e+00 : f32
    %broadcast_in_dim3A_27 = vector.shape_cast %gt3A_17 : vector<2000x1xi1> to vector<2000x1xi1>
    %broadcast_in_dim3A_28 = vector.broadcast %broadcast_in_dim3A_27 : vector<2000x1xi1> to vector<2000x128xi1>
    %broadcast_in_dim3A_29 = vector.broadcast %jit3A_26 : f32 to vector<2000x128xf32>
    %select_n3A_30 = arith.select %broadcast_in_dim3A_28, %div3A_25, %broadcast_in_dim3A_29 : vector<2000x128xi1>, vector<2000x128xf32>
    %get3A_31 = arith.constant 0 : index
    %get3A_32 = arith.constant 0 : index
    %get3A_33 = vector.load %arg5[%get3A_31, %get3A_32] : memref<128x256xf32, #tpu.memory_space<vmem>>, vector<128x256xf32>
    %slice3A = vector.extract_strided_slice %get3A_33 {offsets = [0, 0], sizes = [128, 128], strides = [1, 1]} : vector<128x256xf32> to vector<128x128xf32>
    %dot_general3A = arith.constant dense<0.000000e+00> : vector<2000x128xf32>
    %dot_general3A_34 = tpu.matmul %select_n3A, %slice3A, %dot_general3A {dimension_numbers = #tpu.dot_dimension_numbers<[1], [1], [0], [0], [0, 0, 1, 0], [], []>, transpose_lhs_hint = false} : vector<2000x128xf32>, vector<128x128xf32>, vector<2000x128xf32> -> vector<2000x128xf32>
    %slice3A_35 = vector.extract_strided_slice %get3A_33 {offsets = [0, 128], sizes = [128, 128], strides = [1, 1]} : vector<128x256xf32> to vector<128x128xf32>
    %dot_general3A_36 = arith.constant dense<0.000000e+00> : vector<2000x128xf32>
    %dot_general3A_37 = tpu.matmul %select_n3A_30, %slice3A_35, %dot_general3A_36 {dimension_numbers = #tpu.dot_dimension_numbers<[1], [1], [0], [0], [0, 0, 1, 0], [], []>, transpose_lhs_hint = false} : vector<2000x128xf32>, vector<128x128xf32>, vector<2000x128xf32> -> vector<2000x128xf32>
    %add3A = arith.addf %dot_general3A_34, %dot_general3A_37 : vector<2000x128xf32>
    %get3A_38 = arith.constant 0 : index
    %get3A_39 = arith.constant 0 : index
    %get3A_40 = vector.load %arg6[%get3A_38, %get3A_39] : memref<1x128xf32, #tpu.memory_space<vmem>>, vector<1x128xf32>
    %add3A_41 = vector.broadcast %get3A_40 : vector<1x128xf32> to vector<2000x128xf32>
    %add3A_42 = arith.addf %add3A, %add3A_41 : vector<2000x128xf32>
    %max3A_43 = arith.constant 0.000000e+00 : f32
    %max3A_44 = vector.broadcast %max3A_43 : f32 to vector<2000x128xf32>
    %max3A_45 = arith.maximumf %add3A_42, %max3A_44 : vector<2000x128xf32>
    %get3A_46 = arith.constant 0 : index
    %get3A_47 = arith.constant 0 : index
    %get3A_48 = vector.load %arg7[%get3A_46, %get3A_47] : memref<128x256xf32, #tpu.memory_space<vmem>>, vector<128x256xf32>
    %slice3A_49 = vector.extract_strided_slice %get3A_48 {offsets = [0, 0], sizes = [128, 128], strides = [1, 1]} : vector<128x256xf32> to vector<128x128xf32>
    %dot_general3A_50 = arith.constant dense<0.000000e+00> : vector<2000x128xf32>
    %dot_general3A_51 = tpu.matmul %max3A_45, %slice3A_49, %dot_general3A_50 {dimension_numbers = #tpu.dot_dimension_numbers<[1], [1], [0], [0], [0, 0, 1, 0], [], []>, transpose_lhs_hint = false} : vector<2000x128xf32>, vector<128x128xf32>, vector<2000x128xf32> -> vector<2000x128xf32>
    %slice3A_52 = vector.extract_strided_slice %get3A_48 {offsets = [0, 128], sizes = [128, 128], strides = [1, 1]} : vector<128x256xf32> to vector<128x128xf32>
    %dot_general3A_53 = arith.constant dense<0.000000e+00> : vector<2000x128xf32>
    %dot_general3A_54 = tpu.matmul %select_n3A_30, %slice3A_52, %dot_general3A_53 {dimension_numbers = #tpu.dot_dimension_numbers<[1], [1], [0], [0], [0, 0, 1, 0], [], []>, transpose_lhs_hint = false} : vector<2000x128xf32>, vector<128x128xf32>, vector<2000x128xf32> -> vector<2000x128xf32>
    %add3A_55 = arith.addf %dot_general3A_51, %dot_general3A_54 : vector<2000x128xf32>
    %get3A_56 = arith.constant 0 : index
    %get3A_57 = arith.constant 0 : index
    %get3A_58 = vector.load %arg8[%get3A_56, %get3A_57] : memref<1x128xf32, #tpu.memory_space<vmem>>, vector<1x128xf32>
    %add3A_59 = vector.broadcast %get3A_58 : vector<1x128xf32> to vector<2000x128xf32>
    %add3A_60 = arith.addf %add3A_55, %add3A_59 : vector<2000x128xf32>
    %max3A_61 = arith.constant 0.000000e+00 : f32
    %max3A_62 = vector.broadcast %max3A_61 : f32 to vector<2000x128xf32>
    %max3A_63 = arith.maximumf %add3A_60, %max3A_62 : vector<2000x128xf32>
    %swap3A = arith.constant 0 : index
    %swap3A_64 = arith.constant 0 : index
    %swap3A_65 = vector.load %arg11[%swap3A, %swap3A_64] : memref<2000x128xf32, #tpu.memory_space<vmem>>, vector<2000x128xf32>
    tpu.vector_store %arg11[%swap3A, %swap3A_64], %max3A_63 {strides = array<i32>} : memref<2000x128xf32, #tpu.memory_space<vmem>>, vector<2000x128xf32>,
    %get3A_66 = arith.constant 0 : index
    %get3A_67 = arith.constant 0 : index
    %get3A_68 = vector.load %arg9[%get3A_66, %get3A_67] : memref<1x256xf32, #tpu.memory_space<vmem>>, vector<1x256xf32>
    %slice3A_69 = vector.extract_strided_slice %get3A_68 {offsets = [0, 0], sizes = [1, 128], strides = [1, 1]} : vector<1x256xf32> to vector<1x128xf32>
    %mul3A = vector.broadcast %slice3A_69 : vector<1x128xf32> to vector<2000x128xf32>
    %mul3A_70 = arith.mulf %max3A_63, %mul3A : vector<2000x128xf32>
    %reduce_sum3A = arith.constant dense<0.000000e+00> : vector<2000xf32>
    %reduce_sum3A_71 = vector.multi_reduction <add>, %mul3A_70, %reduce_sum3A [1] : vector<2000x128xf32> to vector<2000xf32>
    %broadcast_in_dim3A_72 = vector.shape_cast %reduce_sum3A_71 : vector<2000xf32> to vector<2000x1xf32>
    %get3A_73 = arith.constant 0 : index
    %get3A_74 = arith.constant 0 : index
    %get3A_75 = vector.load %arg10[%get3A_73, %get3A_74] : memref<1x1xf32, #tpu.memory_space<vmem>>, vector<1x1xf32>
    %get3A_76 = vector.extract %get3A_75[0, 0] : f32 from vector<1x1xf32>
    %add3A_77 = vector.broadcast %get3A_76 : f32 to vector<2000x1xf32>
    %add3A_78 = arith.addf %broadcast_in_dim3A_72, %add3A_77 : vector<2000x1xf32>
    %swap3A_79 = arith.constant 0 : index
    %swap3A_80 = arith.constant 0 : index
    %swap3A_81 = vector.load %arg12[%swap3A_79, %swap3A_80] : memref<2000x1xf32, #tpu.memory_space<vmem>>, vector<2000x1xf32>
    tpu.vector_store %arg12[%swap3A_79, %swap3A_80], %add3A_78 {strides = array<i32>} : memref<2000x1xf32, #tpu.memory_space<vmem>>, vector<2000x1xf32>,
    %slice3A_82 = vector.extract_strided_slice %get3A_68 {offsets = [0, 128], sizes = [1, 128], strides = [1, 1]} : vector<1x256xf32> to vector<1x128xf32>
    %mul3A_83 = vector.broadcast %slice3A_82 : vector<1x128xf32> to vector<2000x128xf32>
    %mul3A_84 = arith.mulf %max3A_63, %mul3A_83 : vector<2000x128xf32>
    %reduce_sum3A_85 = arith.constant dense<0.000000e+00> : vector<2000xf32>
    %reduce_sum3A_86 = vector.multi_reduction <add>, %mul3A_84, %reduce_sum3A_85 [1] : vector<2000x128xf32> to vector<2000xf32>
    %broadcast_in_dim3A_87 = vector.shape_cast %reduce_sum3A_86 : vector<2000xf32> to vector<2000x1xf32>
    %swap3A_88 = arith.constant 0 : index
    %swap3A_89 = arith.constant 0 : index
    %swap3A_90 = vector.load %arg13[%swap3A_88, %swap3A_89] : memref<2000x1xf32, #tpu.memory_space<vmem>>, vector<2000x1xf32>
    tpu.vector_store %arg13[%swap3A_88, %swap3A_89], %broadcast_in_dim3A_87 {strides = array<i32>} : memref<2000x1xf32, #tpu.memory_space<vmem>>, vector<2000x1xf32>,
    return
  }
  func.func @transform_0(%arg0: i32) -> (i32, i32) {
    %c0_i32 = arith.constant 0 : i32
    %c0_i32_0 = arith.constant 0 : i32
    return %arg0, %c0_i32 : i32, i32
  }
  func.func @transform_1(%arg0: i32) -> (i32, i32) {
    %c0_i32 = arith.constant 0 : i32
    %c0_i32_0 = arith.constant 0 : i32
    return %arg0, %c0_i32 : i32, i32
  }
  func.func @transform_2(%arg0: i32) -> (i32, i32) {
    %c0_i32 = arith.constant 0 : i32
    %c0_i32_0 = arith.constant 0 : i32
    return %arg0, %c0_i32 : i32, i32
  }
  func.func @transform_3(%arg0: i32) -> (i32, i32) {
    %c0_i32 = arith.constant 0 : i32
    %c0_i32_0 = arith.constant 0 : i32
    return %arg0, %c0_i32 : i32, i32
  }
  func.func @transform_4(%arg0: i32) -> (i32, i32) {
    %c0_i32 = arith.constant 0 : i32
    %c0_i32_0 = arith.constant 0 : i32
    %c0_i32_1 = arith.constant 0 : i32
    return %c0_i32, %c0_i32_0 : i32, i32
  }
  func.func @transform_5(%arg0: i32) -> (i32, i32) {
    %c0_i32 = arith.constant 0 : i32
    %c0_i32_0 = arith.constant 0 : i32
    %c0_i32_1 = arith.constant 0 : i32
    return %c0_i32, %c0_i32_0 : i32, i32
  }
  func.func @transform_6(%arg0: i32) -> (i32, i32) {
    %c0_i32 = arith.constant 0 : i32
    %c0_i32_0 = arith.constant 0 : i32
    %c0_i32_1 = arith.constant 0 : i32
    return %c0_i32, %c0_i32_0 : i32, i32
  }
  func.func @transform_7(%arg0: i32) -> (i32, i32) {
    %c0_i32 = arith.constant 0 : i32
    %c0_i32_0 = arith.constant 0 : i32
    %c0_i32_1 = arith.constant 0 : i32
    return %c0_i32, %c0_i32_0 : i32, i32
  }
  func.func @transform_8(%arg0: i32) -> (i32, i32) {
    %c0_i32 = arith.constant 0 : i32
    %c0_i32_0 = arith.constant 0 : i32
    %c0_i32_1 = arith.constant 0 : i32
    return %c0_i32, %c0_i32_0 : i32, i32
  }
  func.func @transform_9(%arg0: i32) -> (i32, i32) {
    %c0_i32 = arith.constant 0 : i32
    %c0_i32_0 = arith.constant 0 : i32
    %c0_i32_1 = arith.constant 0 : i32
    return %c0_i32, %c0_i32_0 : i32, i32
  }
  func.func @transform_10(%arg0: i32) -> (i32, i32) {
    %c0_i32 = arith.constant 0 : i32
    %c0_i32_0 = arith.constant 0 : i32
    return %arg0, %c0_i32 : i32, i32
  }
  func.func @transform_11(%arg0: i32) -> (i32, i32) {
    %c0_i32 = arith.constant 0 : i32
    %c0_i32_0 = arith.constant 0 : i32
    return %arg0, %c0_i32 : i32, i32
  }
  func.func @transform_12(%arg0: i32) -> (i32, i32) {
    %c0_i32 = arith.constant 0 : i32
    %c0_i32_0 = arith.constant 0 : i32
    return %arg0, %c0_i32 : i32, i32
  }
}

</mosaic_0001>

<sc_bundles>
// kernel: kernel.5.cloned.1.call-start
scs
__scs_entry_jumppad:
0x0: {  	(pc) =	sbr.rel $0x88, $3  }
0x1: {  	(tag) =	ssettag $0x0;
	lr =	simm.s32 $0x1  }
0x2: {  	[smem:$0x3F99] =	sst lr;
	_ =	strace $0xD0000000  }
0x3: {  	_ = 	snop  }
0x4: {  	_ = 	snop  }
0x5: {  	_ = 	snop  }
0x6: {  	_ = 	snop  }
0x7: {  	_ = 	snop  }
__scs_overlays_trampoline_lowered:
0x8: {  	[smem:$0x3FA8] =	sst s0  }
0x9: {  	[smem:$0x3FA9] =	sst s1  }
0xa: {  	[smem:$0x3FAA] =	sst s2  }
0xb: {  	[smem:$0x3FAB] =	sst s3  }
0xc: {  	[smem:$0x3FAC] =	sst s4  }
0xd: {  	[smem:$0x3FAD] =	sst s5  }
0xe: {  	[smem:$0x3FAE] =	sst s6  }
0xf: {  	[smem:$0x3FAF] =	sst s7  }
0x10: {  	[smem:$0x3FB0] =	sst s8  }
0x11: {  	[smem:$0x3FB1] =	sst s9;
	s0 =	simm.s32 @!p0 $0x0  }
0x12: {  	s1 =	sld [smem:$0x3F97];
	s0 =	simm.s32 @p0 $0x1  }
0x13: {  	[smem:$0x3FB2] =	sst s0;
	s0 =	simm.s32 @!p1 $0x0  }
0x14: {  	s2 =	sld [smem:$0x3F96];
	s0 =	simm.s32 @p1 $0x1  }
0x15: {  	[smem:$0x3FB3] =	sst s0;
	s0 =	simm.s32 @!p2 $0x0  }
0x16: {  	s3 =	sld [smem:$0x3FDB];
	s0 =	simm.s32 @p2 $0x1  }
0x17: {  	s4 =	simm.s32 $0x1BF5;
	[smem:$0x3FB5] =	sst s0  }
0x18: {  	s0 =	sld [smem:$0x3F98];
	_ =	swait.ge [sflag:s4], $0x0  }
0x19: {  	s7 =	sld [smem:$0x3F99]  }
0x1a: {  	s8 =	sadd.s32 $0xFFFFE003, lr  }
0x1b: {  	s9 =	sadd.s32 $0xFFFFFEF7, lr;
	s5 =	simm.s32 $0xFFFFFFFF;
	p2 =	slt.u32 s8, $0xFFFFF086  }
0x1c: {  	p1 =	slt.u32 s9, $0xF7A;
	s5 =	simm.s32 @!p2 $0x0  }
0x1d: {  	s5 =	simm.s32 @p1 $0x1;
	p0 =	seq.s32 s7, s2  }
0x1e: {  	s7 =	smul.u32 @!p0 $0xF7A, s2;
	p2 =	seq.s32 @!p0 s5, $0x0  }
0x1f: {  	s9 =	smul.u32 $0xF7A, s1;
	s8 =	simm.s32 @!p0 $0x1BF5;
	p2 =	por !p2, p0  }
0x20: {  	[sflag:s8] =	ssyncset.s32 @!p0 $0xFFFFF086;
	s6 =	sadd.s32 @!p0 s3, s7;
	s7 =	simm.s32 @!p0 $0x108  }
0x21: {  	s3 =	sadd.s32 s3, s9;
	s6 =	sadd.s32 @!p0 $0x88, s6;
	s7 =	simm.s32 @p2 $0x1082  }
0x22: {  	[simem:s7], [sflag:s8] =	dma.local @!p0 [hbm:s6], $0xF7A  }
0x23: {  	s9 =	sor.u32 $0xD0000000, s2;
	s6 =	simm.s32 $0x108;
	_ =	swait.ge @!p0 [sflag:s8], $0x0  }
0x24: {  	s3 =	sadd.s32 $0x88, s3;
	s6 =	simm.s32 @!p1 $0x1082;
	[sflag:s4] =	ssyncset.s32 $0xFFFFF086  }
0x25: {  	[simem:s6], [sflag:s4] =	dma.local [hbm:s3], $0xF7A  }
0x26: {  	[smem:$0x3F99] =	sst s1;
	(tag) =	ssettag s2;
	_ =	strace s9  }
0x27: {  	s1 =	sld [smem:$0x3FA9]  }
0x28: {  	s2 =	sld [smem:$0x3FAA]  }
0x29: {  	s4 =	sld [smem:$0x3FAC]  }
0x2a: {  	p0 =	seq.s32 s5, $0x0;
	s5 =	sld [smem:$0x3FAD]  }
0x2b: {  	s6 =	sld [smem:$0x3FAE]  }
0x2c: {  	s7 =	sld [smem:$0x3FAF]  }
0x2d: {  	s3 =	simm.s32 $0x108;
	s8 =	sld [smem:$0x3FB0]  }
0x2e: {  	s3 =	simm.s32 @!p0 $0x1082;
	s9 =	sld [smem:$0x3FB1]  }
0x2f: {  	lr =	sadd.s32 s0, s3;
	s0 =	sld [smem:$0x3FA8]  }
0x30: {  	s3 =	sld [smem:$0x3FAB]  }
0x31: {  	[smem:$0x3FB4] =	sst s10  }
0x32: {  	s10 =	sld [smem:$0x3FB2];
	_ =	sdelay $0x3  }
0x33: {  	p0 =	seq.s32 s10, $0x1;
	s10 =	sld [smem:$0x3FB4];
	_ =	sdelay $0x3  }
0x34: {  	[smem:$0x3FB4] =	sst s10  }
0x35: {  	s10 =	sld [smem:$0x3FB3];
	_ =	sdelay $0x3  }
0x36: {  	p1 =	seq.s32 s10, $0x1;
	s10 =	sld [smem:$0x3FB4];
	_ =	sdelay $0x3  }
0x37: {  	[smem:$0x3FB4] =	sst s10  }
0x38: {  	s10 =	sld [smem:$0x3FB5]  }
0x39: {  	_ = 	snop;
	(pc) =	sbr.ind lr, $3  }
0x3a: {  	_ = 	snop  }
0x3b: {  	_ = 	snop  }
0x3c: {  	p2 =	seq.s32 s10, $0x1;
	s10 =	sld [smem:$0x3FB4]  }
0x3d: {  	_ =	shalt  }
0x3e: {  	_ =	shalt  }
0x3f: {  	_ =	shalt  }
0x40: {  	_ =	shalt  }
0x41: {  	_ =	shalt  }
0x42: {  	_ =	shalt  }
0x43: {  	_ =	shalt  }
0x44: {  	_ =	shalt  }
0x45: {  	_ =	shalt  }
0x46: {  	_ =	shalt  }
0x47: {  	_ =	shalt  }
0x48: {  	_ =	shalt  }
0x49: {  	_ =	shalt  }
0x4a: {  	_ =	shalt  }
0x4b: {  	_ =	shalt  }
0x4c: {  	_ =	shalt  }
0x4d: {  	_ =	shalt  }
0x4e: {  	_ =	shalt  }
0x4f: {  	_ =	shalt  }
0x50: {  	_ =	shalt  }
0x51: {  	_ =	shalt  }
0x52: {  	_ =	shalt  }
0x53: {  	_ =	shalt  }
0x54: {  	_ =	shalt  }
0x55: {  	_ =	shalt  }
0x56: {  	_ =	shalt  }
0x57: {  	_ =	shalt  }
0x58: {  	_ =	shalt  }
0x59: {  	_ =	shalt  }
0x5a: {  	_ =	shalt  }
0x5b: {  	_ =	shalt  }
0x5c: {  	_ =	shalt  }
0x5d: {  	_ =	shalt  }
0x5e: {  	_ =	shalt  }
0x5f: {  	_ =	shalt  }
0x60: {  	_ =	shalt  }
0x61: {  	_ =	shalt  }
0x62: {  	_ =	shalt  }
0x63: {  	_ =	shalt  }
0x64: {  	_ =	shalt  }
0x65: {  	_ =	shalt  }
0x66: {  	_ =	shalt  }
0x67: {  	_ =	shalt  }
0x68: {  	_ =	shalt  }
0x69: {  	_ =	shalt  }
0x6a: {  	_ =	shalt  }
0x6b: {  	_ =	shalt  }
0x6c: {  	_ =	shalt  }
0x6d: {  	_ =	shalt  }
0x6e: {  	_ =	shalt  }
0x6f: {  	_ =	shalt  }
0x70: {  	_ =	shalt  }
0x71: {  	_ =	shalt  }
0x72: {  	_ =	shalt  }
0x73: {  	_ =	shalt  }
0x74: {  	_ =	shalt  }
0x75: {  	_ =	shalt  }
0x76: {  	_ =	shalt  }
0x77: {  	_ =	shalt  }
0x78: {  	_ =	shalt  }
0x79: {  	_ =	shalt  }
0x7a: {  	_ =	shalt  }
0x7b: {  	_ =	shalt  }
0x7c: {  	_ =	shalt  }
0x7d: {  	_ =	shalt  }
0x7e: {  	_ =	shalt  }
0x7f: {  	_ =	shalt  }
0x80: {  	_ =	shalt  }
0x81: {  	_ =	shalt  }
0x82: {  	_ =	shalt  }
0x83: {  	_ =	shalt  }
0x84: {  	_ =	shalt  }
0x85: {  	_ =	shalt  }
0x86: {  	_ =	shalt  }
0x87: {  	_ =	shalt  }
.Lfunc_end0:
.L_simem_size_0:
called_computation_lowered:
.L_overlay_start_0:
0x88: {  	s2 =	sld [smem:$0x3FD9]  }
0x89: {  	s3 =	sld [smem:$0x3FFE];
	_ =	sdelay $0x1  }
0x8a: {  	s1 =	srdreg.scid  }
0x8b: {  	s0 =	sand.u32 $0x1, s1  }
0x8c: {  	s14 =	sshll.u32 s0, $0xA;
	s2 =	sadd.s32 s3, s2  }
0x8d: {  	s2 =	sadd.s32 s2, s14  }
0x8e: {  	[smem:$0x3FC0] =	sst s2  }
0x8f: {  	_ = 	snop  }
0x90: {  	s2 =	sld [smem:$0x3FD0];
	_ =	sdelay $0x2  }
0x91: {  	s4 =	simm.s32 $0xA;
	s5 =	simm.s32 $0x10;
	s15 =	sld [smem:$0x3FC9]  }
0x92: {  	[smem:s5], [sflag:s4] =	dma.local [hbm:s2], $0x1  }
0x93: {  	_ =	swait.eq [sflag:s4], $0x1  }
0x94: {  	s16 =	sld [smem:$0x10];
	[sflag:s4] =	ssyncset.done $0x0  }
0x95: {  	s17 =	sld [smem:$0x11];
	[sflag:s4] =	ssyncadd.s32 $0xFFFFFFFF  }
0x96: {  	s18 =	sld [smem:$0x12];
	(tm) =	ssettm $0x1  }
0x97: {  	s6 =	sld [smem:$0x3FFB];
	_ =	sdelay $0x3  }
0x98: {  	_ =	strace s6  }
0x99: {  	s6 =	sld [smem:$0x3FFC];
	_ =	sdelay $0x3  }
0x9a: {  	_ =	strace s6  }
0x9b: {  	s6 =	sld [smem:$0x3FFD];
	_ =	sdelay $0x3  }
0x9c: {  	_ =	strace s6  }
0x9d: {  	_ =	strace $0x8FFFFFFF  }
0x9e: {  	s19 =	sld [smem:$0x3FDB];
	_ =	sdelay $0x1  }
0x9f: {  	s7 =	simm.s32 $_scs_section_size  }
0xa0: {  	s8 =	simm.s32 $_size__tile_overlayer_lowered;
	s9 =	simm.s32 $_tile_overlayer_lowered  }
0xa1: {  	s22 =	simm.s32 $0x1BFF;
	s21 =	sshll.u32 s9, $0x1;
	s6 =	sadd.s32 s7, s19  }
0xa2: {  	s10 =	simm.s32 $0x0;
	s20 =	sshll.u32 s8, $0x1;
	s8 =	sadd.s32 s21, s6  }
0xa3: {  	[timem:s10], [sflag:s22] =	dma.local [hbm:s8], s20  }
0xa4: {  	_ =	swait.ge [sflag:s22], s20  }
0xa5: {  	s7 =	ssub.s32 $0x0, s20;
	[sflag:s22] =	ssyncset.done $0x0  }
0xa6: {  	[sflag:s22] =	ssyncadd.s32 s7;
	_ =	sdelay $0x1  }
0xa7: {  	s23 =	simm.s32 $0x1B8B  }
0xa8: {  	_ =	swait.ge [sflag:s23], $0x1  }
0xa9: {  	[sflag:s23] =	ssyncset.done $0x0  }
0xaa: {  	s25 =	simm.s32 $0x1B8E;
	s24 =	sld [smem:$0x3FFE];
	[sflag:s23] =	ssyncadd.s32 $0xFFFFFFFF  }
0xab: {  	s26 =	simm.s32 $execute0_lowered;
	[smem:$0x3FD2] =	sst s25  }
0xac: {  	s8 =	sshll.u32 s26, $0x1;
	_ =	strace $0x80000046;
	[dreg:$0x1] =	wrdreg $0xFFFFFFFF  }
0xad: {  	s28 =	simm.s32 $_size_execute0_lowered;
	s6 =	sadd.s32 s6, s8;
	[dreg:$0x0] =	wrdreg $0x0  }
0xae: {  	s8 =	sshll.u32 s28, $0x1;
	[dreg:$0x2] =	wrdreg s6  }
0xaf: {  	[dreg:$0x3] =	wrdreg s8  }
0xb0: {  	[dreg:$0x4] =	wrdreg $0xC0  }
0xb1: {  	_ =	task [dreg:s10], $0x5FFFF  }
0xb2: {  	[dreg:$0x1] =	wrdreg $0xFFFFFFFF  }
0xb3: {  	[dreg:$0x0] =	wrdreg $0x60  }
0xb4: {  	[dreg:$0x2] =	wrdreg s15  }
0xb5: {  	[dreg:$0x3] =	wrdreg s24  }
0xb6: {  	[dreg:$0x4] =	wrdreg s16  }
0xb7: {  	[dreg:$0x5] =	wrdreg s17  }
0xb8: {  	[dreg:$0x6] =	wrdreg s18  }
0xb9: {  	[dreg:$0x7] =	wrdreg $0xA4800  }
0xba: {  	[dreg:$0x8] =	wrdreg $0x1E4800  }
0xbb: {  	[dreg:$0x9] =	wrdreg $0x9  }
0xbc: {  	_ =	task.clear_ibuf [dreg:s10], $0xAFFFF;
	_ =	strace $0x90000046  }
0xbd: {  	s29 =	simm.s32 $0x9;
	_ =	strace $0x80000048  }
0xbe: {  	_ =	swait.ge [sflag:s29], $0x1  }
0xbf: {  	[sflag:s29] =	ssyncadd.s32 $0xFFFFFFFF  }
0xc0: {  	_ =	strace $0x90000048  }
0xc1: {  	_ =	sfence  }
0xc2: {  	s30 =	sld [smem:$0x0];
	_ =	sdelay $0x2  }
0xc3: {  	s31 =	sshll.u32 s1, $0xD;
	s1 =	sshrl.u32 s1, $0x2  }
0xc4: {  	s3 =	sand.u32 $0x4000, s31;
	s1 =	sadd.s32 s1, s30  }
0xc5: {  	s0 =	sor.u32 s3, s0;
	s1 =	sshll.u32 s1, $0x11  }
0xc6: {  	s0 =	sor.u32 s1, s0  }
0xc7: {  	s0 =	sadd.s32 $0x8F2B, s0  }
0xc8: {  	[sflag:s0] =	ssyncadd.remote.s32 $0x1  }
0xc9: {  	_ =	sfence.sel $0xFFFF  }
0xca: {  	[dreg:$0x0] =	wrdreg $0xFFFFFFFF;
	(pc) =	sbr.abs _section_cstart, $3  }
0xcb: {  	[dreg:$0x1] =	wrdreg $0xFFFFFFFF  }
0xcc: {  	_ =	task.clear_ibuf [dreg:s10], $0x2FFFF;
	_ =	strace $0x9FFFFFFF  }
0xcd: {  	(tm) =	ssettm $0x7FFFFFFF  }
tec
execute0_lowered:
.L_overlay_start_1:
0x0: {  	(tag) =	ssettag $0x1  }
0x1: {  	s0 =	rddreg [dreg:$0x0]  }
0x2: {  	s1 =	rddreg [dreg:$0x1]  }
0x3: {  	s2 =	rddreg [dreg:$0x4]  }
0x4: {  	s3 =	rddreg [dreg:$0x5]  }
0x5: {  	s4 =	rddreg [dreg:$0x6];
	s5 =	simm.s32 $0x0;
	s7 =	srdreg.scid  }
0x6: {  	s20 =	stileid.u32;
	s28 =	simm.s32 $0x5400;
	s29 =	simm.s32 $0x180  }
0x7: {  	s30 =	simm.s32 $0x7C00;
	s31 =	simm.s32 $0x1;
	s9 =	smul.u32 $0x50000, s20  }
0x8: {  	[smem:$0x7FF] =	sst s5;
	s6 =	sadd.s32 $0x1200, s1;
	s13 =	smul.u32 $0x4E20, s20  }
0x9: {  	s10 =	sadd.s32 $0x33600, s1;
	s7 =	sand.u32 $0x1, s7;
	s17 =	smul.u32 $0x4E200, s20  }
0xa: {  	s11 =	sadd.s32 $0xB600, s1;
	s1 =	sadd.s32 $0xB000, s1;
	s14 =	smul.u32 $0x280, s20  }
0xb: {  	s18 =	sshll.u32 s20, $0x6;
	_ =	strace $0x80000047;
	s8 =	ssub.s32 $0x2, s7  }
0xc: {  	s21 =	sor.u32 $0x1C09, s18;
	p0 =	seq.s32 s7, $0x0;
	s7 =	simm.s32 $0x280  }
0xd: {  	s12 =	sshrl.u32 s8, $0x1;
	s16 =	sshrl.u32 s9, $0x2;
	s9 =	sadd.s32 s0, s17  }
0xe: {  	s15 =	sadd.s32 $0x50, s13;
	s17 =	sadd.s32 $0xA0, s13;
	s18 =	sadd.s32 $0xF0, s13  }
0xf: {  	s24 =	sadd.s32 s14, s4;
	s25 =	sshrl.u32 s13, $0x3;
	s11 =	smov.u32 @p0 s10  }
0x10: {  	s1 =	smov.u32 @p0 s2;
	s2 =	simm.s32 $0x2;
	s10 =	simm.s32 $0x3  }
0x11: {  	s13 =	simm.s32 $0x380;
	[dreg:$0x9] =	wrdreg s21;
	s12 =	ssub.s32 s8, s12  }
0x12: {  	s8 =	sadd.s32 s16, s3;
	s16 =	sshll.u32 s15, $0x4;
	s22 =	sshll.u32 s17, $0x4  }
0x13: {  	[dreg:$0xd] =	wrdreg s24;
	s26 =	sshrl.u32 s15, $0x3;
	s24 =	sshrl.u32 s14, $0x3  }
0x14: {  	s14 =	simm.s32 $0x5;
	s15 =	simm.s32 $0x6;
	[dreg:$0x8] =	wrdreg s8  }
0x15: {  	s19 =	sadd.s32 s0, s16;
	s23 =	sadd.s32 s0, s22;
	s8 =	sshrl.u32 s17, $0x3  }
0x16: {  	s16 =	sadd.s32 s6, s26;
	s22 =	smul.u32 $0x2800, s20;
	[dreg:$0xa] =	wrdreg s19  }
0x17: {  	s1 =	sadd.s32 s1, s24;
	s24 =	simm.s32 $0x80;
	[dreg:$0xb] =	wrdreg s23  }
0x18: {  	s19 =	sshll.u32 s18, $0x4;
	[dreg:$0xf] =	wrdreg s16;
	s17 =	sadd.s32 s6, s8  }
0x19: {  	s23 =	smul.u32 $0x9C4, s20;
	[dreg:$0x14] =	wrdreg s1;
	s1 =	simm.s32 $0xA400  }
0x1a: {  	s16 =	simm.s32 $0x7;
	s0 =	sadd.s32 s0, s19;
	[dreg:$0x10] =	wrdreg s17  }
0x1b: {  	s19 =	sshrl.u32 s18, $0x3;
	s26 =	sadd.s32 s11, s22;
	s22 =	simm.s32 $0x9  }
0x1c: {  	s11 =	simm.s32 $0x300;
	s17 =	simm.s32 $0x8;
	[dreg:$0xc] =	wrdreg s0  }
0x1d: {  	s18 =	simm.s32 $0x0;
	s0 =	sadd.s32 s6, s25;
	[dreg:$0x13] =	wrdreg s26  }
.Ltmp0:
0x1e: {  	s25 =	smax.u32 s12, $0x1;
	[dreg:$0xe] =	wrdreg s0;
	(pc) =	sbr.rel .LBB2_1-.Ltmp0, $4  }
0x1f: {  	s26 =	simm.s32 $0x100;
	s0 =	sadd.s32 s6, s19;
	[dreg:$0x12] =	wrdreg s25  }
0x20: {  	s12 =	simm.s32 $0x4;
	[dreg:$0x11] =	wrdreg s0;
	s0 =	sadd.s32 s23, s6  }
0x21: {  	s25 =	simm.s32 $0x2C00;
	s23 =	simm.s32 $0x400;
	s0 =	sadd.s32 $0x46, s0  }
0x22: {  	v0 =	vimm.f32 $1.000000000e+00;
	s6 =	simm.s32 $0x200;
	[dreg:$0x15] =	wrdreg s0;
	s0 =	simm.s32 $0x50  }
.LBB2_4:
0x23: {  	_ =	swait.ge [sflag:s17], $0x2800  }
0x24: {  	[sflag:s17] =	ssyncset.done $0x0  }
0x25: {  	[sflag:s17] =	ssyncadd.s32 $0xFFFFD800  }
0x26: {  	_ =	swait.ge [sflag:s17], $0x50  }
0x27: {  	[sflag:s17] =	ssyncset.done $0x0  }
0x28: {  	[sflag:s17] =	ssyncadd.s32 $0xFFFFFFB0  }
0x29: {  	_ =	swait.ge [sflag:s31], $0x50  }
0x2a: {  	[sflag:s31] =	ssyncset.done $0x0  }
0x2b: {  	[sflag:s31] =	ssyncadd.s32 $0xFFFFFFB0  }
0x2c: {  	_ =	swait.ge [sflag:s31], $0x2800  }
0x2d: {  	[sflag:s31] =	ssyncset.done $0x0  }
0x2e: {  	[sflag:s31] =	ssyncadd.s32 $0xFFFFD800  }
0x2f: {  	v1 =	vld [tilespmem:$0x0]  }
0x30: {  	v2 =	vld [tilespmem:$0x10]  }
0x31: {  	v3 =	vld [tilespmem:$0x20]  }
0x32: {  	v4 =	vld [tilespmem:$0x30]  }
0x33: {  	v5 =	vld [tilespmem:$0x40]  }
0x34: {  	v6 =	vshrl.u32 v1, $0x10;
	v1 =	vand.u32 $0xFFFF, v1  }
0x35: {  	v59 =	vshrl.u32 v2, $0x10;
	v2 =	vand.u32 $0xFFFF, v2;
	v1 =	vpsel p0, v6, v1  }
0x36: {  	[tilespmem:$0x200] =	vst v1;
	v1 =	vpsel p0, v59, v2;
	v2 =	vshrl.u32 v3, $0x10;
	v3 =	vand.u32 $0xFFFF, v3  }
0x37: {  	[tilespmem:$0x210] =	vst v1;
	v1 =	vpsel p0, v2, v3;
	v2 =	vshrl.u32 v4, $0x10;
	v3 =	vand.u32 $0xFFFF, v4  }
0x38: {  	[tilespmem:$0x220] =	vst v1;
	v1 =	vpsel p0, v2, v3;
	v2 =	vshrl.u32 v5, $0x10;
	v3 =	vand.u32 $0xFFFF, v5  }
0x39: {  	[tilespmem:$0x230] =	vst v1;
	v1 =	vpsel p0, v2, v3  }
0x3a: {  	[tilespmem:$0x240] =	vst v1  }
0x3b: {  	[spmem:s3] =	stream.indirect.scatter.add.f32 [tilespmem:s23], [sflag:$0x5], $0x80, s6, s0, $0xb8;
	[tilespmem:$0x1E700] =	vst v63  }
0x3c: {  	_ = 	snop  }
0x3d: {  	[spmem:s4] =	stream.indirect.scatter.add.f32 [tilespmem:s1], [sflag:$0x5], $0x1, s6, s0, $0xb8;
	[tilespmem:$0x1E700] =	vst v63  }
0x3e: {  	_ =	swait.ge [sflag:s2], $0x50  }
0x3f: {  	[sflag:s2] =	ssyncset.done $0x0  }
0x40: {  	[sflag:s2] =	ssyncadd.s32 $0xFFFFFFB0  }
0x41: {  	_ =	swait.ge [sflag:s2], $0x2800  }
0x42: {  	[sflag:s2] =	ssyncset.done $0x0  }
0x43: {  	[sflag:s2] =	ssyncadd.s32 $0xFFFFD800  }
0x44: {  	v1 =	vld [tilespmem:$0x80]  }
0x45: {  	v2 =	vld [tilespmem:$0x90]  }
0x46: {  	v3 =	vld [tilespmem:$0xA0]  }
0x47: {  	v60 =	vld [tilespmem:$0xB0]  }
0x48: {  	v61 =	vld [tilespmem:$0xC0]  }
0x49: {  	v62 =	vshrl.u32 v1, $0x10;
	v1 =	vand.u32 $0xFFFF, v1  }
0x4a: {  	v63 =	vshrl.u32 v2, $0x10;
	v2 =	vand.u32 $0xFFFF, v2;
	v1 =	vpsel p0, v62, v1  }
0x4b: {  	[tilespmem:$0x280] =	vst v1;
	v1 =	vpsel p0, v63, v2;
	v2 =	vshrl.u32 v3, $0x10;
	v3 =	vand.u32 $0xFFFF, v3  }
0x4c: {  	[tilespmem:$0x290] =	vst v1;
	v1 =	vpsel p0, v2, v3;
	v2 =	vshrl.u32 v60, $0x10;
	v3 =	vand.u32 $0xFFFF, v60  }
0x4d: {  	[tilespmem:$0x2A0] =	vst v1;
	v1 =	vpsel p0, v2, v3;
	v2 =	vshrl.u32 v61, $0x10;
	v3 =	vand.u32 $0xFFFF, v61  }
0x4e: {  	[tilespmem:$0x2B0] =	vst v1;
	v1 =	vpsel p0, v2, v3  }
0x4f: {  	[tilespmem:$0x2C0] =	vst v1  }
0x50: {  	[spmem:s3] =	stream.indirect.scatter.add.f32 [tilespmem:s25], [sflag:$0x6], $0x80, s7, s0, $0xb8;
	[tilespmem:$0x1E700] =	vst v63  }
0x51: {  	_ = 	snop  }
0x52: {  	[spmem:s4] =	stream.indirect.scatter.add.f32 [tilespmem:s1], [sflag:$0x6], $0x1, s7, s0, $0xb8;
	[tilespmem:$0x1E700] =	vst v63  }
0x53: {  	_ =	swait.ge [sflag:s14], $0x2800  }
0x54: {  	[sflag:s14] =	ssyncset.done $0x0  }
0x55: {  	[sflag:s14] =	ssyncadd.s32 $0xFFFFD800  }
0x56: {  	_ =	swait.ge [sflag:s14], $0x50  }
0x57: {  	[sflag:s14] =	ssyncset.done $0x0  }
0x58: {  	[sflag:s14] =	ssyncadd.s32 $0xFFFFFFB0  }
0x59: {  	_ =	swait.ge [sflag:s15], $0x2800  }
0x5a: {  	[sflag:s15] =	ssyncset.done $0x0  }
0x5b: {  	[sflag:s15] =	ssyncadd.s32 $0xFFFFD800  }
0x5c: {  	_ =	swait.ge [sflag:s15], $0x50  }
0x5d: {  	[sflag:s15] =	ssyncset.done $0x0  }
0x5e: {  	[sflag:s15] =	ssyncadd.s32 $0xFFFFFFB0  }
0x5f: {  	[bflag:$0x0] =	sbarrier.arrive $0xFFFF  }
0x60: {  	s21 =	rddreg [dreg:$0x9]  }
0x61: {  	s8 =	rddreg [dreg:$0x13]  }
0x62: {  	s19 =	rddreg [dreg:$0x16]  }
0x63: {  	[hbm:s8], [sflag:s21] =	dma.local [spmem:s19], $0x2800  }
0x64: {  	_ =	swait.ge [sflag:s22], $0x2800  }
0x65: {  	[sflag:s22] =	ssyncset.done $0x0;
	s19 =	rddreg [dreg:$0x14]  }
0x66: {  	s20 =	rddreg [dreg:$0x17];
	[sflag:s22] =	ssyncadd.s32 $0xFFFFD800  }
0x67: {  	[hbm:s19], [sflag:s21] =	dma.local [spmem:s20], $0x50  }
0x68: {  	_ =	swait.ge [sflag:s22], $0x50  }
0x69: {  	s18 =	sadd.s32 $0x1, s18;
	s20 =	rddreg [dreg:$0x12]  }
0x6a: {  	p1 =	sne.s32 s18, s20  }
.Ltmp1:
0x6b: {  	_ = 	snop;
	(pc) =	sbr.rel @!p1 .LBB2_5-.Ltmp1, $3  }
0x6c: {  	_ =	sdelay $0x1  }
0x6d: {  	[sflag:s22] =	ssyncset.done $0x0  }
0x6e: {  	[sflag:s22] =	ssyncadd.s32 $0xFFFFFFB0  }
.LBB2_1:
0x6f: {  	s8 =	rddreg [dreg:$0x8]  }
0x70: {  	s20 =	rddreg [dreg:$0x2];
	s19 =	sshrl.u32 s8, $0x3  }
0x71: {  	[dreg:$0x16] =	wrdreg s19  }
0x72: {  	[spmem:s19], [sflag:s21] =	dma.local [hbm:s20], $0x2800  }
0x73: {  	_ =	swait.ge [sflag:s22], $0x2800  }
0x74: {  	[sflag:s22] =	ssyncset.done $0x0  }
0x75: {  	s20 =	rddreg [dreg:$0xd];
	[sflag:s22] =	ssyncadd.s32 $0xFFFFD800  }
0x76: {  	s8 =	sshrl.u32 s20, $0x3;
	s20 =	rddreg [dreg:$0x3]  }
0x77: {  	[dreg:$0x17] =	wrdreg s8  }
0x78: {  	[spmem:s8], [sflag:s21] =	dma.local [hbm:s20], $0x50  }
0x79: {  	_ =	swait.ge [sflag:s22], $0x50  }
0x7a: {  	[sflag:s22] =	ssyncset.done $0x0  }
0x7b: {  	[sflag:s22] =	ssyncadd.s32 $0xFFFFFFB0  }
0x7c: {  	[tilespmem:$0xA400] =	vst v0  }
0x7d: {  	[tilespmem:$0xA410] =	vst v0  }
0x7e: {  	[tilespmem:$0xA420] =	vst v0  }
0x7f: {  	[tilespmem:$0xA430] =	vst v0  }
0x80: {  	[tilespmem:$0xA440] =	vst v0  }
0x81: {  	[bflag:$0x0] =	sbarrier.arrive $0xFFFF  }
0x82: {  	s21 =	rddreg [dreg:$0xe]  }
0x83: {  	[tilespmem:s5], [sflag:$0x1] =	stream.linear.gather [hbm4b:s21+s5], $0x50, $0x38;
	[tilespmem:$0x1E700] =	vst v63  }
0x84: {  	_ = 	snop  }
0x85: {  	[tilespmem:s23], [sflag:$0x1] =	stream.linear.gather [hbm4b:s9+s5], $0x2800, $0x38;
	[tilespmem:$0x1E700] =	vst v63  }
0x86: {  	s19 =	rddreg [dreg:$0xf]  }
0x87: {  	[tilespmem:s24], [sflag:$0x2] =	stream.linear.gather [hbm4b:s19+s5], $0x50, $0x38;
	[tilespmem:$0x1E700] =	vst v63  }
0x88: {  	s20 =	rddreg [dreg:$0xa]  }
0x89: {  	[tilespmem:s25], [sflag:$0x2] =	stream.linear.gather [hbm4b:s20+s5], $0x2800, $0x38;
	[tilespmem:$0x1E700] =	vst v63  }
0x8a: {  	s21 =	rddreg [dreg:$0x10]  }
0x8b: {  	[tilespmem:s26], [sflag:$0x3] =	stream.linear.gather [hbm4b:s21+s5], $0x50, $0x38;
	[tilespmem:$0x1E700] =	vst v63  }
0x8c: {  	s19 =	rddreg [dreg:$0xb]  }
0x8d: {  	[tilespmem:s28], [sflag:$0x3] =	stream.linear.gather [hbm4b:s19+s5], $0x2800, $0x38;
	[tilespmem:$0x1E700] =	vst v63  }
0x8e: {  	s20 =	rddreg [dreg:$0x11]  }
0x8f: {  	[tilespmem:s29], [sflag:$0x4] =	stream.linear.gather [hbm4b:s20+s5], $0x50, $0x38;
	[tilespmem:$0x1E700] =	vst v63  }
0x90: {  	s21 =	rddreg [dreg:$0xc]  }
0x91: {  	[tilespmem:s30], [sflag:$0x4] =	stream.linear.gather [hbm4b:s21+s5], $0x2800, $0x38;
	[tilespmem:$0x1E700] =	vst v63  }
0x92: {  	s19 =	simm.s32 $0x0;
	s21 =	rddreg [dreg:$0x15]  }
.LBB2_2:
0x93: {  	_ =	swait.ge [sflag:s31], $0x50  }
0x94: {  	[sflag:s31] =	ssyncset.done $0x0  }
0x95: {  	[sflag:s31] =	ssyncadd.s32 $0xFFFFFFB0  }
0x96: {  	_ =	swait.ge [sflag:s31], $0x2800  }
0x97: {  	[sflag:s31] =	ssyncset.done $0x0  }
0x98: {  	[sflag:s31] =	ssyncadd.s32 $0xFFFFD800  }
0x99: {  	v1 =	vld [tilespmem:$0x0]  }
0x9a: {  	v2 =	vld [tilespmem:$0x10]  }
0x9b: {  	v3 =	vld [tilespmem:$0x20]  }
0x9c: {  	v4 =	vld [tilespmem:$0x30]  }
0x9d: {  	v5 =	vld [tilespmem:$0x40]  }
0x9e: {  	v6 =	vshrl.u32 v1, $0x10;
	v1 =	vand.u32 $0xFFFF, v1  }
0x9f: {  	v51 =	vshrl.u32 v2, $0x10;
	v2 =	vand.u32 $0xFFFF, v2;
	v1 =	vpsel p0, v6, v1  }
0xa0: {  	[tilespmem:$0x200] =	vst v1;
	v1 =	vpsel p0, v51, v2;
	v2 =	vshrl.u32 v3, $0x10;
	v3 =	vand.u32 $0xFFFF, v3  }
0xa1: {  	[tilespmem:$0x210] =	vst v1;
	v1 =	vpsel p0, v2, v3;
	v2 =	vshrl.u32 v4, $0x10;
	v3 =	vand.u32 $0xFFFF, v4  }
0xa2: {  	[tilespmem:$0x220] =	vst v1;
	v1 =	vpsel p0, v2, v3;
	v2 =	vshrl.u32 v5, $0x10;
	v3 =	vand.u32 $0xFFFF, v5  }
0xa3: {  	[tilespmem:$0x230] =	vst v1;
	v1 =	vpsel p0, v2, v3  }
0xa4: {  	[tilespmem:$0x240] =	vst v1  }
0xa5: {  	[spmem:s3] =	stream.indirect.scatter.add.f32 [tilespmem:s23], [sflag:$0x5], $0x80, s6, s0, $0xb8;
	[tilespmem:$0x1E700] =	vst v63  }
0xa6: {  	_ = 	snop  }
0xa7: {  	[spmem:s4] =	stream.indirect.scatter.add.f32 [tilespmem:s1], [sflag:$0x5], $0x1, s6, s0, $0xb8;
	[tilespmem:$0x1E700] =	vst v63  }
0xa8: {  	_ =	swait.ge [sflag:s2], $0x50  }
0xa9: {  	[sflag:s2] =	ssyncset.done $0x0  }
0xaa: {  	[sflag:s2] =	ssyncadd.s32 $0xFFFFFFB0  }
0xab: {  	_ =	swait.ge [sflag:s2], $0x2800  }
0xac: {  	[sflag:s2] =	ssyncset.done $0x0  }
0xad: {  	[sflag:s2] =	ssyncadd.s32 $0xFFFFD800  }
0xae: {  	v1 =	vld [tilespmem:$0x80]  }
0xaf: {  	v2 =	vld [tilespmem:$0x90]  }
0xb0: {  	v3 =	vld [tilespmem:$0xA0]  }
0xb1: {  	v52 =	vld [tilespmem:$0xB0]  }
0xb2: {  	v53 =	vld [tilespmem:$0xC0]  }
0xb3: {  	v54 =	vshrl.u32 v1, $0x10;
	v1 =	vand.u32 $0xFFFF, v1  }
0xb4: {  	v55 =	vshrl.u32 v2, $0x10;
	v2 =	vand.u32 $0xFFFF, v2;
	v1 =	vpsel p0, v54, v1  }
0xb5: {  	[tilespmem:$0x280] =	vst v1;
	v1 =	vpsel p0, v55, v2;
	v2 =	vshrl.u32 v3, $0x10;
	v3 =	vand.u32 $0xFFFF, v3  }
0xb6: {  	[tilespmem:$0x290] =	vst v1;
	v1 =	vpsel p0, v2, v3;
	v2 =	vshrl.u32 v52, $0x10;
	v3 =	vand.u32 $0xFFFF, v52  }
0xb7: {  	[tilespmem:$0x2A0] =	vst v1;
	v1 =	vpsel p0, v2, v3;
	v2 =	vshrl.u32 v53, $0x10;
	v3 =	vand.u32 $0xFFFF, v53  }
0xb8: {  	[tilespmem:$0x2B0] =	vst v1;
	v1 =	vpsel p0, v2, v3  }
0xb9: {  	[tilespmem:$0x2C0] =	vst v1  }
0xba: {  	[spmem:s3] =	stream.indirect.scatter.add.f32 [tilespmem:s25], [sflag:$0x6], $0x80, s7, s0, $0xb8;
	[tilespmem:$0x1E700] =	vst v63  }
0xbb: {  	_ = 	snop  }
0xbc: {  	[spmem:s4] =	stream.indirect.scatter.add.f32 [tilespmem:s1], [sflag:$0x6], $0x1, s7, s0, $0xb8;
	[tilespmem:$0x1E700] =	vst v63  }
0xbd: {  	_ =	swait.ge [sflag:s10], $0x50  }
0xbe: {  	[sflag:s10] =	ssyncset.done $0x0  }
0xbf: {  	[sflag:s10] =	ssyncadd.s32 $0xFFFFFFB0  }
0xc0: {  	_ =	swait.ge [sflag:s10], $0x2800  }
0xc1: {  	[sflag:s10] =	ssyncset.done $0x0  }
0xc2: {  	[sflag:s10] =	ssyncadd.s32 $0xFFFFD800  }
0xc3: {  	v1 =	vld [tilespmem:$0x100]  }
0xc4: {  	v2 =	vld [tilespmem:$0x110]  }
0xc5: {  	v3 =	vld [tilespmem:$0x120]  }
0xc6: {  	v56 =	vld [tilespmem:$0x130]  }
0xc7: {  	v57 =	vld [tilespmem:$0x140]  }
0xc8: {  	v58 =	vshrl.u32 v1, $0x10;
	v1 =	vand.u32 $0xFFFF, v1  }
0xc9: {  	v59 =	vshrl.u32 v2, $0x10;
	v2 =	vand.u32 $0xFFFF, v2;
	v1 =	vpsel p0, v58, v1  }
0xca: {  	[tilespmem:$0x300] =	vst v1;
	v1 =	vpsel p0, v59, v2;
	v2 =	vshrl.u32 v3, $0x10;
	v3 =	vand.u32 $0xFFFF, v3  }
0xcb: {  	[tilespmem:$0x310] =	vst v1;
	v1 =	vpsel p0, v2, v3;
	v2 =	vshrl.u32 v56, $0x10;
	v3 =	vand.u32 $0xFFFF, v56  }
0xcc: {  	[tilespmem:$0x320] =	vst v1;
	v1 =	vpsel p0, v2, v3;
	v2 =	vshrl.u32 v57, $0x10;
	v3 =	vand.u32 $0xFFFF, v57  }
0xcd: {  	[tilespmem:$0x330] =	vst v1;
	v1 =	vpsel p0, v2, v3  }
0xce: {  	[tilespmem:$0x340] =	vst v1  }
0xcf: {  	[spmem:s3] =	stream.indirect.scatter.add.f32 [tilespmem:s28], [sflag:$0x7], $0x80, s11, s0, $0xb8;
	[tilespmem:$0x1E700] =	vst v63  }
0xd0: {  	_ = 	snop  }
0xd1: {  	[spmem:s4] =	stream.indirect.scatter.add.f32 [tilespmem:s1], [sflag:$0x7], $0x1, s11, s0, $0xb8;
	[tilespmem:$0x1E700] =	vst v63  }
0xd2: {  	_ =	swait.ge [sflag:s12], $0x50  }
0xd3: {  	[sflag:s12] =	ssyncset.done $0x0  }
0xd4: {  	[sflag:s12] =	ssyncadd.s32 $0xFFFFFFB0  }
0xd5: {  	_ =	swait.ge [sflag:s12], $0x2800  }
0xd6: {  	[sflag:s12] =	ssyncset.done $0x0  }
0xd7: {  	[sflag:s12] =	ssyncadd.s32 $0xFFFFD800  }
0xd8: {  	v1 =	vld [tilespmem:$0x180]  }
0xd9: {  	v2 =	vld [tilespmem:$0x190]  }
0xda: {  	v3 =	vld [tilespmem:$0x1A0]  }
0xdb: {  	v60 =	vld [tilespmem:$0x1B0]  }
0xdc: {  	v61 =	vld [tilespmem:$0x1C0]  }
0xdd: {  	v62 =	vshrl.u32 v1, $0x10;
	v1 =	vand.u32 $0xFFFF, v1  }
0xde: {  	v63 =	vshrl.u32 v2, $0x10;
	v2 =	vand.u32 $0xFFFF, v2;
	v1 =	vpsel p0, v62, v1  }
0xdf: {  	[tilespmem:$0x380] =	vst v1;
	v1 =	vpsel p0, v63, v2;
	v2 =	vshrl.u32 v3, $0x10;
	v3 =	vand.u32 $0xFFFF, v3  }
0xe0: {  	[tilespmem:$0x390] =	vst v1;
	v1 =	vpsel p0, v2, v3;
	v2 =	vshrl.u32 v60, $0x10;
	v3 =	vand.u32 $0xFFFF, v60  }
0xe1: {  	[tilespmem:$0x3A0] =	vst v1;
	v1 =	vpsel p0, v2, v3;
	v2 =	vshrl.u32 v61, $0x10;
	v3 =	vand.u32 $0xFFFF, v61  }
0xe2: {  	[tilespmem:$0x3B0] =	vst v1;
	v1 =	vpsel p0, v2, v3  }
0xe3: {  	[tilespmem:$0x3C0] =	vst v1  }
0xe4: {  	[spmem:s3] =	stream.indirect.scatter.add.f32 [tilespmem:s30], [sflag:$0x8], $0x80, s13, s0, $0xb8;
	[tilespmem:$0x1E700] =	vst v63  }
0xe5: {  	_ = 	snop  }
0xe6: {  	[spmem:s4] =	stream.indirect.scatter.add.f32 [tilespmem:s1], [sflag:$0x8], $0x1, s13, s0, $0xb8;
	[tilespmem:$0x1E700] =	vst v63  }
0xe7: {  	_ =	swait.ge [sflag:s14], $0x2800  }
0xe8: {  	[sflag:s14] =	ssyncset.done $0x0  }
0xe9: {  	[sflag:s14] =	ssyncadd.s32 $0xFFFFD800  }
0xea: {  	_ =	swait.ge [sflag:s14], $0x50  }
0xeb: {  	[sflag:s14] =	ssyncset.done $0x0  }
0xec: {  	s20 =	sadd.s32 $0xFFFFFFE2, s21;
	[sflag:s14] =	ssyncadd.s32 $0xFFFFFFB0  }
0xed: {  	[tilespmem:s5], [sflag:$0x1] =	stream.linear.gather [hbm4b:s20+s5], $0x50, $0x38;
	[tilespmem:$0x1E700] =	vst v63  }
0xee: {  	s20 =	sadd.s32 s19, s9  }
0xef: {  	s8 =	sadd.s32 $0x1400, s20  }
0xf0: {  	[tilespmem:s23], [sflag:$0x1] =	stream.linear.gather [hbm4b:s8+s5], $0x2800, $0x38;
	[tilespmem:$0x1E700] =	vst v63  }
0xf1: {  	_ =	swait.ge [sflag:s15], $0x2800  }
0xf2: {  	[sflag:s15] =	ssyncset.done $0x0  }
0xf3: {  	[sflag:s15] =	ssyncadd.s32 $0xFFFFD800  }
0xf4: {  	_ =	swait.ge [sflag:s15], $0x50  }
0xf5: {  	[sflag:s15] =	ssyncset.done $0x0  }
0xf6: {  	s8 =	sadd.s32 $0xFFFFFFEC, s21;
	[sflag:s15] =	ssyncadd.s32 $0xFFFFFFB0  }
0xf7: {  	[tilespmem:s24], [sflag:$0x2] =	stream.linear.gather [hbm4b:s8+s5], $0x50, $0x38;
	[tilespmem:$0x1E700] =	vst v63  }
0xf8: {  	s8 =	sadd.s32 $0x1900, s20  }
0xf9: {  	[tilespmem:s25], [sflag:$0x2] =	stream.linear.gather [hbm4b:s8+s5], $0x2800, $0x38;
	[tilespmem:$0x1E700] =	vst v63  }
0xfa: {  	p1 =	seq.s32 s19, $0x4C400;
	_ =	swait.ge [sflag:s16], $0x2800  }
.Ltmp2:
0xfb: {  	[sflag:s16] =	ssyncset.done $0x0;
	(pc) =	sbr.rel @p1 .LBB2_4-.Ltmp2, $4  }
0xfc: {  	[sflag:s16] =	ssyncadd.s32 $0xFFFFD800  }
0xfd: {  	_ =	swait.ge [sflag:s16], $0x50  }
0xfe: {  	[sflag:s16] =	ssyncset.done $0x0  }
0xff: {  	[sflag:s16] =	ssyncadd.s32 $0xFFFFFFB0  }
0x100: {  	s8 =	sadd.s32 $0xFFFFFFF6, s21  }
0x101: {  	[tilespmem:s26], [sflag:$0x3] =	stream.linear.gather [hbm4b:s8+s5], $0x50, $0x38;
	[tilespmem:$0x1E700] =	vst v63  }
0x102: {  	s8 =	sadd.s32 $0x1E00, s20  }
0x103: {  	[tilespmem:s28], [sflag:$0x3] =	stream.linear.gather [hbm4b:s8+s5], $0x2800, $0x38;
	[tilespmem:$0x1E700] =	vst v63  }
0x104: {  	_ =	swait.ge [sflag:s17], $0x2800  }
0x105: {  	[sflag:s17] =	ssyncset.done $0x0  }
0x106: {  	[sflag:s17] =	ssyncadd.s32 $0xFFFFD800  }
0x107: {  	_ =	swait.ge [sflag:s17], $0x50  }
.Ltmp3:
0x108: {  	[sflag:s17] =	ssyncset.done $0x0;
	(pc) =	sbr.rel .LBB2_2-.Ltmp3, $4  }
0x109: {  	[sflag:s17] =	ssyncadd.s32 $0xFFFFFFB0  }
0x10a: {  	[tilespmem:s29], [sflag:$0x4] =	stream.linear.gather [hbm4b:s21+s5], $0x50, $0x38;
	[tilespmem:$0x1E700] =	vst v63  }
0x10b: {  	s19 =	sadd.s32 $0x1400, s19;
	s20 =	sadd.s32 $0x2300, s20;
	s21 =	sadd.s32 $0x28, s21  }
0x10c: {  	[tilespmem:s30], [sflag:$0x4] =	stream.linear.gather [hbm4b:s20+s5], $0x2800, $0x38;
	[tilespmem:$0x1E700] =	vst v63  }
.LBB2_5:
0x10d: {  	_ =	sfence.sel $0x180000  }
0x10e: {  	[bflag:$0x0] =	sbarrier.arrive $0xFFFF  }
0x10f: {  	_ =	strace $0x90000047  }
0x110: {  	s0 =	stileid.u32;
	[bflag:$0x2] =	sbarrier.arrive $0xFFFF  }
0x111: {  	p0 =	sne.s32 s0, $0x0;
	s0 =	rddreg [dreg:$0x7]  }
0x112: {  	s0 =	sadd.s32 @!p0 $0x100000, s0  }
0x113: {  	[sflag:s0] =	ssyncadd.tile.s32 @!p0 $0x1;
	_ =	shalt  }
.Lfunc_end2:
_tile_overlayer_lowered:
.L_overlay_start_2:
0x114: {  	(tag) =	ssettag $0x2  }
0x115: {  	s0 =	rddreg [dreg:$0x0];
	s2 =	stileid.u32  }
0x116: {  	s1 =	rddreg [dreg:$0x1];
	p0 =	sne.s32 s2, $0x0  }
0x117: {  	s3 =	rddreg [dreg:$0x2];
	[bflag:$0x3] =	sbarrier.arrive $0xFFFF;
	s2 =	simm.s32 @!p0 $0x1C09  }
0x118: {  	[timem:s3], [sflag:s2] =	dma.local @!p0 [hbm:s0], s1  }
0x119: {  	s0 =	simm.s32 @!p0 $0x9  }
0x11a: {  	_ =	swait.ge @!p0 [sflag:s0], s1  }
0x11b: {  	s1 =	ssub.s32 @!p0 $0x0, s1;
	[sflag:s0] =	ssyncset.done @!p0 $0x0  }
0x11c: {  	[sflag:s0] =	ssyncadd.s32 @!p0 s1  }
0x11d: {  	[bflag:$0x3] =	sbarrier.arrive $0xFFFF  }
0x11e: {  	_ =	shalt  }

// kernel: kernel.8.cloned.1.call-start
scs
__scs_entry_jumppad:
0x0: {  	(pc) =	sbr.rel $0x88, $3  }
0x1: {  	(tag) =	ssettag $0x0;
	lr =	simm.s32 $0x1  }
0x2: {  	[smem:$0x3F99] =	sst lr;
	_ =	strace $0xD0000000  }
0x3: {  	_ = 	snop  }
0x4: {  	_ = 	snop  }
0x5: {  	_ = 	snop  }
0x6: {  	_ = 	snop  }
0x7: {  	_ = 	snop  }
__scs_overlays_trampoline_lowered:
0x8: {  	[smem:$0x3FA8] =	sst s0  }
0x9: {  	[smem:$0x3FA9] =	sst s1  }
0xa: {  	[smem:$0x3FAA] =	sst s2  }
0xb: {  	[smem:$0x3FAB] =	sst s3  }
0xc: {  	[smem:$0x3FAC] =	sst s4  }
0xd: {  	[smem:$0x3FAD] =	sst s5  }
0xe: {  	[smem:$0x3FAE] =	sst s6  }
0xf: {  	[smem:$0x3FAF] =	sst s7  }
0x10: {  	[smem:$0x3FB0] =	sst s8  }
0x11: {  	[smem:$0x3FB1] =	sst s9;
	s0 =	simm.s32 @!p0 $0x0  }
0x12: {  	s1 =	sld [smem:$0x3F97];
	s0 =	simm.s32 @p0 $0x1  }
0x13: {  	[smem:$0x3FB2] =	sst s0;
	s0 =	simm.s32 @!p1 $0x0  }
0x14: {  	s2 =	sld [smem:$0x3F96];
	s0 =	simm.s32 @p1 $0x1  }
0x15: {  	[smem:$0x3FB3] =	sst s0;
	s0 =	simm.s32 @!p2 $0x0  }
0x16: {  	s3 =	sld [smem:$0x3FDB];
	s0 =	simm.s32 @p2 $0x1  }
0x17: {  	s4 =	simm.s32 $0x1BF5;
	[smem:$0x3FB5] =	sst s0  }
0x18: {  	s0 =	sld [smem:$0x3F98];
	_ =	swait.ge [sflag:s4], $0x0  }
0x19: {  	s7 =	sld [smem:$0x3F99]  }
0x1a: {  	s8 =	sadd.s32 $0xFFFFE003, lr  }
0x1b: {  	s9 =	sadd.s32 $0xFFFFFEF7, lr;
	s5 =	simm.s32 $0xFFFFFFFF;
	p2 =	slt.u32 s8, $0xFFFFF086  }
0x1c: {  	p1 =	slt.u32 s9, $0xF7A;
	s5 =	simm.s32 @!p2 $0x0  }
0x1d: {  	s5 =	simm.s32 @p1 $0x1;
	p0 =	seq.s32 s7, s2  }
0x1e: {  	s7 =	smul.u32 @!p0 $0xF7A, s2;
	p2 =	seq.s32 @!p0 s5, $0x0  }
0x1f: {  	s9 =	smul.u32 $0xF7A, s1;
	s8 =	simm.s32 @!p0 $0x1BF5;
	p2 =	por !p2, p0  }
0x20: {  	[sflag:s8] =	ssyncset.s32 @!p0 $0xFFFFF086;
	s6 =	sadd.s32 @!p0 s3, s7;
	s7 =	simm.s32 @!p0 $0x108  }
0x21: {  	s3 =	sadd.s32 s3, s9;
	s6 =	sadd.s32 @!p0 $0x88, s6;
	s7 =	simm.s32 @p2 $0x1082  }
0x22: {  	[simem:s7], [sflag:s8] =	dma.local @!p0 [hbm:s6], $0xF7A  }
0x23: {  	s9 =	sor.u32 $0xD0000000, s2;
	s6 =	simm.s32 $0x108;
	_ =	swait.ge @!p0 [sflag:s8], $0x0  }
0x24: {  	s3 =	sadd.s32 $0x88, s3;
	s6 =	simm.s32 @!p1 $0x1082;
	[sflag:s4] =	ssyncset.s32 $0xFFFFF086  }
0x25: {  	[simem:s6], [sflag:s4] =	dma.local [hbm:s3], $0xF7A  }
0x26: {  	[smem:$0x3F99] =	sst s1;
	(tag) =	ssettag s2;
	_ =	strace s9  }
0x27: {  	s1 =	sld [smem:$0x3FA9]  }
0x28: {  	s2 =	sld [smem:$0x3FAA]  }
0x29: {  	s4 =	sld [smem:$0x3FAC]  }
0x2a: {  	p0 =	seq.s32 s5, $0x0;
	s5 =	sld [smem:$0x3FAD]  }
0x2b: {  	s6 =	sld [smem:$0x3FAE]  }
0x2c: {  	s7 =	sld [smem:$0x3FAF]  }
0x2d: {  	s3 =	simm.s32 $0x108;
	s8 =	sld [smem:$0x3FB0]  }
0x2e: {  	s3 =	simm.s32 @!p0 $0x1082;
	s9 =	sld [smem:$0x3FB1]  }
0x2f: {  	lr =	sadd.s32 s0, s3;
	s0 =	sld [smem:$0x3FA8]  }
0x30: {  	s3 =	sld [smem:$0x3FAB]  }
0x31: {  	[smem:$0x3FB4] =	sst s10  }
0x32: {  	s10 =	sld [smem:$0x3FB2];
	_ =	sdelay $0x3  }
0x33: {  	p0 =	seq.s32 s10, $0x1;
	s10 =	sld [smem:$0x3FB4];
	_ =	sdelay $0x3  }
0x34: {  	[smem:$0x3FB4] =	sst s10  }
0x35: {  	s10 =	sld [smem:$0x3FB3];
	_ =	sdelay $0x3  }
0x36: {  	p1 =	seq.s32 s10, $0x1;
	s10 =	sld [smem:$0x3FB4];
	_ =	sdelay $0x3  }
0x37: {  	[smem:$0x3FB4] =	sst s10  }
0x38: {  	s10 =	sld [smem:$0x3FB5]  }
0x39: {  	_ = 	snop;
	(pc) =	sbr.ind lr, $3  }
0x3a: {  	_ = 	snop  }
0x3b: {  	_ = 	snop  }
0x3c: {  	p2 =	seq.s32 s10, $0x1;
	s10 =	sld [smem:$0x3FB4]  }
0x3d: {  	_ =	shalt  }
0x3e: {  	_ =	shalt  }
0x3f: {  	_ =	shalt  }
0x40: {  	_ =	shalt  }
0x41: {  	_ =	shalt  }
0x42: {  	_ =	shalt  }
0x43: {  	_ =	shalt  }
0x44: {  	_ =	shalt  }
0x45: {  	_ =	shalt  }
0x46: {  	_ =	shalt  }
0x47: {  	_ =	shalt  }
0x48: {  	_ =	shalt  }
0x49: {  	_ =	shalt  }
0x4a: {  	_ =	shalt  }
0x4b: {  	_ =	shalt  }
0x4c: {  	_ =	shalt  }
0x4d: {  	_ =	shalt  }
0x4e: {  	_ =	shalt  }
0x4f: {  	_ =	shalt  }
0x50: {  	_ =	shalt  }
0x51: {  	_ =	shalt  }
0x52: {  	_ =	shalt  }
0x53: {  	_ =	shalt  }
0x54: {  	_ =	shalt  }
0x55: {  	_ =	shalt  }
0x56: {  	_ =	shalt  }
0x57: {  	_ =	shalt  }
0x58: {  	_ =	shalt  }
0x59: {  	_ =	shalt  }
0x5a: {  	_ =	shalt  }
0x5b: {  	_ =	shalt  }
0x5c: {  	_ =	shalt  }
0x5d: {  	_ =	shalt  }
0x5e: {  	_ =	shalt  }
0x5f: {  	_ =	shalt  }
0x60: {  	_ =	shalt  }
0x61: {  	_ =	shalt  }
0x62: {  	_ =	shalt  }
0x63: {  	_ =	shalt  }
0x64: {  	_ =	shalt  }
0x65: {  	_ =	shalt  }
0x66: {  	_ =	shalt  }
0x67: {  	_ =	shalt  }
0x68: {  	_ =	shalt  }
0x69: {  	_ =	shalt  }
0x6a: {  	_ =	shalt  }
0x6b: {  	_ =	shalt  }
0x6c: {  	_ =	shalt  }
0x6d: {  	_ =	shalt  }
0x6e: {  	_ =	shalt  }
0x6f: {  	_ =	shalt  }
0x70: {  	_ =	shalt  }
0x71: {  	_ =	shalt  }
0x72: {  	_ =	shalt  }
0x73: {  	_ =	shalt  }
0x74: {  	_ =	shalt  }
0x75: {  	_ =	shalt  }
0x76: {  	_ =	shalt  }
0x77: {  	_ =	shalt  }
0x78: {  	_ =	shalt  }
0x79: {  	_ =	shalt  }
0x7a: {  	_ =	shalt  }
0x7b: {  	_ =	shalt  }
0x7c: {  	_ =	shalt  }
0x7d: {  	_ =	shalt  }
0x7e: {  	_ =	shalt  }
0x7f: {  	_ =	shalt  }
0x80: {  	_ =	shalt  }
0x81: {  	_ =	shalt  }
0x82: {  	_ =	shalt  }
0x83: {  	_ =	shalt  }
0x84: {  	_ =	shalt  }
0x85: {  	_ =	shalt  }
0x86: {  	_ =	shalt  }
0x87: {  	_ =	shalt  }
.Lfunc_end0:
.L_simem_size_0:
called_computation.1_lowered:
.L_overlay_start_0:
0x88: {  	s2 =	sld [smem:$0x3FD9]  }
0x89: {  	s3 =	sld [smem:$0x3FFE];
	_ =	sdelay $0x1  }
0x8a: {  	s1 =	srdreg.scid  }
0x8b: {  	s0 =	sand.u32 $0x1, s1  }
0x8c: {  	s14 =	sshll.u32 s0, $0xA;
	s2 =	sadd.s32 s3, s2  }
0x8d: {  	s2 =	sadd.s32 s2, s14  }
0x8e: {  	[smem:$0x3FC0] =	sst s2  }
0x8f: {  	_ = 	snop  }
0x90: {  	s2 =	sld [smem:$0x3FD0];
	_ =	sdelay $0x2  }
0x91: {  	s15 =	simm.s32 $0xA;
	s4 =	simm.s32 $0x10  }
0x92: {  	[smem:s4], [sflag:s15] =	dma.local [hbm:s2], $0x1  }
0x93: {  	_ =	swait.eq [sflag:s15], $0x1  }
0x94: {  	s16 =	sld [smem:$0x10];
	[sflag:s15] =	ssyncset.done $0x0  }
0x95: {  	s17 =	sld [smem:$0x11];
	[sflag:s15] =	ssyncadd.s32 $0xFFFFFFFF  }
0x96: {  	s18 =	sld [smem:$0x12];
	(tm) =	ssettm $0x1  }
0x97: {  	s5 =	sld [smem:$0x3FFB];
	_ =	sdelay $0x3  }
0x98: {  	_ =	strace s5  }
0x99: {  	s5 =	sld [smem:$0x3FFC];
	_ =	sdelay $0x3  }
0x9a: {  	_ =	strace s5  }
0x9b: {  	s5 =	sld [smem:$0x3FFD];
	_ =	sdelay $0x3  }
0x9c: {  	_ =	strace s5  }
0x9d: {  	_ =	strace $0x8FFFFFFF  }
0x9e: {  	s19 =	sld [smem:$0x3FDB];
	_ =	sdelay $0x1  }
0x9f: {  	s6 =	simm.s32 $_scs_section_size  }
0xa0: {  	s7 =	simm.s32 $_size__tile_overlayer_lowered;
	s8 =	simm.s32 $_tile_overlayer_lowered  }
0xa1: {  	s22 =	simm.s32 $0x1BFF;
	s21 =	sshll.u32 s8, $0x1;
	s5 =	sadd.s32 s6, s19  }
0xa2: {  	s9 =	simm.s32 $0x0;
	s20 =	sshll.u32 s7, $0x1;
	s7 =	sadd.s32 s21, s5  }
0xa3: {  	[timem:s9], [sflag:s22] =	dma.local [hbm:s7], s20  }
0xa4: {  	_ =	swait.ge [sflag:s22], s20  }
0xa5: {  	s6 =	ssub.s32 $0x0, s20;
	[sflag:s22] =	ssyncset.done $0x0  }
0xa6: {  	[sflag:s22] =	ssyncadd.s32 s6;
	_ =	sdelay $0x1  }
0xa7: {  	s23 =	simm.s32 $0x1B8B  }
0xa8: {  	_ =	swait.ge [sflag:s23], $0x1  }
0xa9: {  	[sflag:s23] =	ssyncset.done $0x0  }
0xaa: {  	s25 =	simm.s32 $0x1B8E;
	s24 =	sld [smem:$0x3FFE];
	[sflag:s23] =	ssyncadd.s32 $0xFFFFFFFF  }
0xab: {  	s26 =	simm.s32 $execute0_lowered;
	[smem:$0x3FD2] =	sst s25  }
0xac: {  	s7 =	sshll.u32 s26, $0x1;
	_ =	strace $0x80000049;
	[dreg:$0x1] =	wrdreg $0xFFFFFFFF  }
0xad: {  	s28 =	simm.s32 $_size_execute0_lowered;
	s5 =	sadd.s32 s5, s7;
	[dreg:$0x0] =	wrdreg $0x0  }
0xae: {  	s7 =	sshll.u32 s28, $0x1;
	[dreg:$0x2] =	wrdreg s5  }
0xaf: {  	[dreg:$0x3] =	wrdreg s7  }
0xb0: {  	[dreg:$0x4] =	wrdreg $0xC0  }
0xb1: {  	_ =	task [dreg:s9], $0x5FFFF  }
0xb2: {  	[dreg:$0x1] =	wrdreg $0xFFFFFFFF  }
0xb3: {  	[dreg:$0x0] =	wrdreg $0x60  }
0xb4: {  	[dreg:$0x2] =	wrdreg s18  }
0xb5: {  	[dreg:$0x3] =	wrdreg s24  }
0xb6: {  	[dreg:$0x4] =	wrdreg s17  }
0xb7: {  	[dreg:$0x5] =	wrdreg s16  }
0xb8: {  	[dreg:$0x6] =	wrdreg $0x9  }
0xb9: {  	_ =	task.clear_ibuf [dreg:s9], $0x7FFFF;
	_ =	strace $0x90000049  }
0xba: {  	s29 =	simm.s32 $0x9;
	_ =	strace $0x8000004B  }
0xbb: {  	_ =	swait.ge [sflag:s29], $0x1  }
0xbc: {  	[sflag:s29] =	ssyncadd.s32 $0xFFFFFFFF  }
0xbd: {  	_ =	strace $0x9000004B  }
0xbe: {  	_ =	sfence  }
0xbf: {  	s30 =	sld [smem:$0x0];
	_ =	sdelay $0x2  }
0xc0: {  	s31 =	sshll.u32 s1, $0xD;
	s1 =	sshrl.u32 s1, $0x2  }
0xc1: {  	s3 =	sand.u32 $0x4000, s31;
	s1 =	sadd.s32 s1, s30  }
0xc2: {  	s0 =	sor.u32 s3, s0;
	s1 =	sshll.u32 s1, $0x11  }
0xc3: {  	s0 =	sor.u32 s1, s0  }
0xc4: {  	s0 =	sadd.s32 $0x8F2B, s0  }
0xc5: {  	[sflag:s0] =	ssyncadd.remote.s32 $0x1  }
0xc6: {  	_ =	sfence.sel $0xFFFF  }
0xc7: {  	[dreg:$0x0] =	wrdreg $0xFFFFFFFF;
	(pc) =	sbr.abs _section_cstart, $3  }
0xc8: {  	[dreg:$0x1] =	wrdreg $0xFFFFFFFF  }
0xc9: {  	_ =	task.clear_ibuf [dreg:s9], $0x2FFFF;
	_ =	strace $0x9FFFFFFF  }
0xca: {  	(tm) =	ssettm $0x7FFFFFFF  }
0xcb: {  	_ =	shalt  }
tec
execute0_lowered:
.L_overlay_start_1:
0x0: {  	(tag) =	ssettag $0x1  }
0x1: {  	s1 =	rddreg [dreg:$0x0]  }
0x2: {  	s0 =	rddreg [dreg:$0x1]  }
0x3: {  	s2 =	rddreg [dreg:$0x2]  }
0x4: {  	s3 =	srdreg.scid;
	s10 =	stileid.u32  }
0x5: {  	s4 =	rddreg [dreg:$0x3];
	s31 =	simm.s32 $0x1;
	s30 =	simm.s32 $0x600  }
0x6: {  	s28 =	simm.s32 $0xF600;
	s29 =	simm.s32 $0xC;
	s5 =	sand.u32 $0x1, s3  }
0x7: {  	s6 =	sshll.u32 s10, $0x1;
	s3 =	simm.s32 $0x0;
	s24 =	smul.u32 $0x9C400, s10  }
0x8: {  	s11 =	sadd.s32 $0x1200, s0;
	s9 =	sadd.s32 $0xB000, s0;
	s26 =	smul.u32 $0x4E20, s10  }
0x9: {  	s0 =	sadd.s32 $0xB600, s0;
	s6 =	sor.u32 s5, s6;
	s12 =	smul.u32 $0x2710, s5  }
0xa: {  	[smem:$0x7FF] =	sst s3;
	s7 =	ssub.s32 $0x2, s5;
	s5 =	smul.u32 $0x4E200, s5  }
0xb: {  	s6 =	smul.u32 $0x2710, s6;
	_ =	strace $0x8000004A;
	[dreg:$0x6] =	wrdreg s9  }
0xc: {  	s20 =	sshrl.u32 s7, $0x1;
	[dreg:$0x8] =	wrdreg s0;
	s13 =	sadd.s32 s24, s2  }
0xd: {  	[dreg:$0x5] =	wrdreg s11;
	s9 =	simm.s32 $0x7E00;
	s21 =	ssub.s32 s7, s20  }
0xe: {  	s14 =	sadd.s32 s12, s26;
	s7 =	simm.s32 $0xA600;
	s12 =	simm.s32 $0x6  }
0xf: {  	s8 =	sshrl.u32 s6, $0x3;
	s6 =	sadd.s32 $0x26C0, s6;
	s0 =	smax.u32 s21, $0x1  }
0x10: {  	s15 =	sadd.s32 $0xF0, s14;
	s16 =	sadd.s32 $0xA0, s14;
	s17 =	sadd.s32 $0x50, s14  }
0x11: {  	s20 =	sadd.s32 $0x230, s14;
	s21 =	sadd.s32 $0x1E0, s14;
	s26 =	sshrl.u32 s14, $0x3  }
0x12: {  	s8 =	sadd.s32 s11, s8;
	s25 =	sshll.u32 s6, $0x5;
	s6 =	sshrl.u32 s6, $0x3  }
0x13: {  	[dreg:$0xf] =	wrdreg s0;
	s0 =	sadd.s32 s5, s13;
	s5 =	sshrl.u32 s16, $0x3  }
0x14: {  	s19 =	sshrl.u32 s17, $0x3;
	s13 =	simm.s32 $0xCE00;
	[dreg:$0x7] =	wrdreg s8  }
0x15: {  	s16 =	simm.s32 $0x0;
	s22 =	sadd.s32 $0xA, s8;
	[dreg:$0x10] =	wrdreg s0  }
0x16: {  	s23 =	sadd.s32 $0x14, s8;
	s8 =	sadd.s32 $0x1E, s8;
	[dreg:$0x9] =	wrdreg s22  }
0x17: {  	s6 =	sadd.s32 s4, s6;
	s0 =	sshrl.u32 s15, $0x3;
	[dreg:$0xa] =	wrdreg s23  }
0x18: {  	s18 =	sadd.s32 s5, s4;
	s5 =	sshrl.u32 s21, $0x3;
	[dreg:$0xb] =	wrdreg s8  }
0x19: {  	s21 =	simm.s32 $0x800;
	s8 =	sadd.s32 s2, s25;
	[dreg:$0xe] =	wrdreg s6  }
0x1a: {  	s0 =	sadd.s32 s0, s4;
	[dreg:$0x12] =	wrdreg s18;
	s22 =	sadd.s32 $0x190, s14  }
0x1b: {  	s23 =	sadd.s32 s5, s11;
	s25 =	sadd.s32 $0x140, s14;
	s2 =	simm.s32 $0x50  }
0x1c: {  	s5 =	simm.s32 $0x400;
	s14 =	simm.s32 $0xB;
	[dreg:$0xc] =	wrdreg s8  }
0x1d: {  	s6 =	simm.s32 $0x5600;
	s10 =	sadd.s32 $0x80, s8;
	[dreg:$0x11] =	wrdreg s0  }
0x1e: {  	s0 =	sadd.s32 s19, s4;
	[dreg:$0x15] =	wrdreg s23;
	s24 =	sshrl.u32 s22, $0x3  }
0x1f: {  	[dreg:$0x17] =	wrdreg s25;
	s8 =	simm.s32 $0x2;
	s22 =	simm.s32 $0x11E00  }
0x20: {  	s25 =	simm.s32 $0x5;
	[dreg:$0x13] =	wrdreg s0;
	s0 =	sshrl.u32 s20, $0x3  }
.Ltmp0:
0x21: {  	[dreg:$0xd] =	wrdreg s10;
	s0 =	sadd.s32 s0, s11;
	(pc) =	sbr.rel .LBB2_1-.Ltmp0, $4  }
0x22: {  	s10 =	simm.s32 $0x2E00;
	s20 =	simm.s32 $0x4;
	[dreg:$0x14] =	wrdreg s0  }
0x23: {  	s0 =	sadd.s32 s24, s11;
	s24 =	simm.s32 $0x14800;
	s11 =	simm.s32 $0x3  }
0x24: {  	[dreg:$0x16] =	wrdreg s0;
	s0 =	sadd.s32 s26, s4;
	s26 =	simm.s32 $0x16F80  }
0x25: {  	s4 =	simm.s32 $0x8;
	[dreg:$0x18] =	wrdreg s0;
	s0 =	simm.s32 $0x7  }
.LBB2_11:
0x26: {  	s17 =	simm.s32 $0x9  }
0x27: {  	_ =	swait.ge [sflag:s17], $0x2800  }
0x28: {  	[sflag:s17] =	ssyncset.done $0x0  }
0x29: {  	[sflag:s17] =	ssyncadd.s32 $0xFFFFD800  }
0x2a: {  	_ =	swait.ge [sflag:s17], $0x2800  }
0x2b: {  	[sflag:s17] =	ssyncset.done $0x0  }
0x2c: {  	[sflag:s17] =	ssyncadd.s32 $0xFFFFD800  }
0x2d: {  	_ =	swait.ge [sflag:s17], $0x50  }
0x2e: {  	[sflag:s17] =	ssyncset.done $0x0  }
0x2f: {  	[sflag:s17] =	ssyncadd.s32 $0xFFFFFFB0  }
0x30: {  	_ =	swait.ge [sflag:s31], $0x50  }
0x31: {  	[sflag:s31] =	ssyncset.done $0x0  }
0x32: {  	[sflag:s31] =	ssyncadd.s32 $0xFFFFFFB0  }
0x33: {  	v0 =	vld [tilespmem:$0x0];
	_ =	sdelay $0x1  }
0x34: {  	v1 =	vld [tilespmem:$0x10];
	_ =	sdelay $0x1  }
0x35: {  	v2 =	vld [tilespmem:$0x20]  }
0x36: {  	v3 =	vand.u32 $0xFFFF, v0  }
0x37: {  	v40 =	vld [tilespmem:$0x30];
	v0 =	vshrl.u32 v0, $0x10;
	[tilespmem:$0x200] =	vst v3  }
0x38: {  	v41 =	vand.u32 $0xFFFF, v1;
	[tilespmem:$0x400] =	vst v0  }
0x39: {  	v43 =	vld [tilespmem:$0x40];
	v42 =	vshrl.u32 v1, $0x10;
	[tilespmem:$0x210] =	vst v41  }
0x3a: {  	v44 =	vand.u32 $0xFFFF, v2;
	[tilespmem:$0x410] =	vst v42  }
0x3b: {  	v45 =	vshrl.u32 v2, $0x10;
	[tilespmem:$0x220] =	vst v44  }
0x3c: {  	v46 =	vand.u32 $0xFFFF, v40;
	[tilespmem:$0x420] =	vst v45  }
0x3d: {  	v47 =	vshrl.u32 v40, $0x10;
	[tilespmem:$0x230] =	vst v46  }
0x3e: {  	v48 =	vand.u32 $0xFFFF, v43;
	[tilespmem:$0x430] =	vst v47  }
0x3f: {  	v49 =	vshrl.u32 v43, $0x10;
	[tilespmem:$0x240] =	vst v48  }
0x40: {  	s15 =	simm.s32 $0x200;
	[tilespmem:$0x440] =	vst v49  }
0x41: {  	[tilespmem:s30], [sflag:$0x5] =	stream.indirect.gather [hbm4b:s1+s2], $0x80, s15, s2, $0xb8;
	[tilespmem:$0x19700] =	vst v63  }
0x42: {  	_ = 	snop  }
0x43: {  	[tilespmem:s7], [sflag:$0x5] =	stream.indirect.gather [hbm4b:s1+s2], $0x80, s5, s2, $0xb8;
	[tilespmem:$0x19700] =	vst v63  }
0x44: {  	v50 =	vld [tilespmem:$0x200]  }
0x45: {  	v51 =	vld [tilespmem:$0x400];
	_ =	sdelay $0x5  }
0x46: {  	v52 =	vld [tilespmem:$0x210]  }
0x47: {  	v0 =	vld.idx.msk [tilespmem:v50+s24+$0x0], $0xffff  }
0x48: {  	v1 =	vld.idx.msk [tilespmem:v51+s26+$0x0], $0xffff  }
0x49: {  	v53 =	vld [tilespmem:$0x410];
	_ =	sdelay $0x3  }
0x4a: {  	v0 =	vadd.f32 v1, v0;
	_ =	sdelay $0x1  }
0x4b: {  	v55 =	vld [tilespmem:$0x220];
	[tilespmem:$0x14600] =	vst v0  }
0x4c: {  	v0 =	vld.idx.msk [tilespmem:v52+s24+$0x0], $0xffff  }
0x4d: {  	v54 =	vld.idx.msk [tilespmem:v53+s26+$0x0], $0xffff  }
0x4e: {  	v56 =	vld [tilespmem:$0x420];
	_ =	sdelay $0x3  }
0x4f: {  	v0 =	vadd.f32 v54, v0;
	_ =	sdelay $0x1  }
0x50: {  	v58 =	vld [tilespmem:$0x230];
	[tilespmem:$0x14610] =	vst v0  }
0x51: {  	v0 =	vld.idx.msk [tilespmem:v55+s24+$0x0], $0xffff  }
0x52: {  	v57 =	vld.idx.msk [tilespmem:v56+s26+$0x0], $0xffff  }
0x53: {  	v59 =	vld [tilespmem:$0x430];
	_ =	sdelay $0x3  }
0x54: {  	v0 =	vadd.f32 v57, v0;
	_ =	sdelay $0x1  }
0x55: {  	v61 =	vld [tilespmem:$0x240];
	[tilespmem:$0x14620] =	vst v0  }
0x56: {  	v0 =	vld.idx.msk [tilespmem:v58+s24+$0x0], $0xffff  }
0x57: {  	v60 =	vld.idx.msk [tilespmem:v59+s26+$0x0], $0xffff  }
0x58: {  	v62 =	vld [tilespmem:$0x440];
	_ =	sdelay $0x3  }
0x59: {  	v0 =	vadd.f32 v60, v0;
	_ =	sdelay $0x1  }
0x5a: {  	[tilespmem:$0x14630] =	vst v0  }
0x5b: {  	v0 =	vld.idx.msk [tilespmem:v61+s24+$0x0], $0xffff  }
0x5c: {  	v63 =	vld.idx.msk [tilespmem:v62+s26+$0x0], $0xffff;
	_ =	sdelay $0x4  }
0x5d: {  	v0 =	vadd.f32 v63, v0;
	_ =	sdelay $0x1  }
0x5e: {  	[tilespmem:$0x14640] =	vst v0  }
0x5f: {  	_ =	swait.ge [sflag:s25], $0x2800  }
0x60: {  	[sflag:s25] =	ssyncset.done $0x0  }
0x61: {  	[sflag:s25] =	ssyncadd.s32 $0xFFFFD800  }
0x62: {  	_ =	swait.ge [sflag:s25], $0x2800  }
0x63: {  	[sflag:s25] =	ssyncset.done $0x0  }
0x64: {  	s18 =	rddreg [dreg:$0xc];
	[sflag:s25] =	ssyncadd.s32 $0xFFFFD800  }
0x65: {  	[hbm4b:s18+s5] =	stream.strided.scatter [tilespmem:s30], [sflag:$0x9], $0x2800, s21, s5, $0x38;
	[tilespmem:$0x19700] =	vst v63  }
0x66: {  	s19 =	rddreg [dreg:$0xd]  }
0x67: {  	[hbm4b:s19+s5] =	stream.strided.scatter [tilespmem:s7], [sflag:$0x9], $0x2800, s21, s5, $0x38;
	[tilespmem:$0x19700] =	vst v63  }
0x68: {  	s16 =	simm.s32 $0x14600;
	s23 =	rddreg [dreg:$0xe];
	s18 =	simm.s32 $0xA  }
0x69: {  	[hbm4b:s23+s3] =	stream.linear.scatter [tilespmem:s16], [sflag:$0x9], $0x50, $0x38;
	[tilespmem:$0x19700] =	vst v63  }
0x6a: {  	_ =	swait.ge [sflag:s18], $0x2800  }
0x6b: {  	[sflag:s18] =	ssyncset.done $0x0  }
0x6c: {  	[sflag:s18] =	ssyncadd.s32 $0xFFFFD800  }
0x6d: {  	_ =	swait.ge [sflag:s18], $0x2800  }
0x6e: {  	[sflag:s18] =	ssyncset.done $0x0  }
0x6f: {  	[sflag:s18] =	ssyncadd.s32 $0xFFFFD800  }
0x70: {  	_ =	swait.ge [sflag:s18], $0x50  }
0x71: {  	[sflag:s18] =	ssyncset.done $0x0  }
0x72: {  	[sflag:s18] =	ssyncadd.s32 $0xFFFFFFB0  }
0x73: {  	_ =	swait.ge [sflag:s14], $0x2800  }
0x74: {  	[sflag:s14] =	ssyncset.done $0x0  }
0x75: {  	[sflag:s14] =	ssyncadd.s32 $0xFFFFD800  }
0x76: {  	_ =	swait.ge [sflag:s14], $0x2800  }
0x77: {  	[sflag:s14] =	ssyncset.done $0x0  }
0x78: {  	[sflag:s14] =	ssyncadd.s32 $0xFFFFD800  }
0x79: {  	_ =	swait.ge [sflag:s14], $0x50  }
0x7a: {  	[sflag:s14] =	ssyncset.done $0x0  }
0x7b: {  	[sflag:s14] =	ssyncadd.s32 $0xFFFFFFB0  }
0x7c: {  	_ =	swait.ge [sflag:s29], $0x2800  }
0x7d: {  	[sflag:s29] =	ssyncset.done $0x0  }
0x7e: {  	[sflag:s29] =	ssyncadd.s32 $0xFFFFD800  }
0x7f: {  	_ =	swait.ge [sflag:s29], $0x2800  }
0x80: {  	[sflag:s29] =	ssyncset.done $0x0  }
0x81: {  	[sflag:s29] =	ssyncadd.s32 $0xFFFFD800  }
0x82: {  	_ =	swait.ge [sflag:s29], $0x50  }
0x83: {  	[sflag:s29] =	ssyncset.done $0x0  }
0x84: {  	[sflag:s29] =	ssyncadd.s32 $0xFFFFFFB0  }
0x85: {  	_ =	swait.ge [sflag:s17], $0x2800  }
0x86: {  	[sflag:s17] =	ssyncset.done $0x0  }
0x87: {  	[sflag:s17] =	ssyncadd.s32 $0xFFFFD800  }
0x88: {  	_ =	swait.ge [sflag:s17], $0x2800  }
0x89: {  	[sflag:s17] =	ssyncset.done $0x0  }
0x8a: {  	[sflag:s17] =	ssyncadd.s32 $0xFFFFD800  }
0x8b: {  	_ =	swait.ge [sflag:s17], $0x50  }
0x8c: {  	s19 =	rddreg [dreg:$0x19]  }
0x8d: {  	s23 =	rddreg [dreg:$0xf];
	s16 =	sadd.s32 $0x1, s19  }
0x8e: {  	p0 =	sne.s32 s16, s23  }
.Ltmp1:
0x8f: {  	_ = 	snop;
	(pc) =	sbr.rel @!p0 .LBB2_12-.Ltmp1, $3  }
0x90: {  	_ =	sdelay $0x1  }
0x91: {  	[sflag:s17] =	ssyncset.done $0x0  }
0x92: {  	[sflag:s17] =	ssyncadd.s32 $0xFFFFFFB0  }
.LBB2_1:
0x93: {  	[dreg:$0x19] =	wrdreg s16  }
0x94: {  	s15 =	rddreg [dreg:$0x6];
	s23 =	simm.s32 $0xD  }
0x95: {  	[tilespmem:s24], [sflag:$0xD] =	stream.linear.gather [hbm4b:s15+s3], $0x2780, $0x38;
	[tilespmem:$0x19700] =	vst v63  }
0x96: {  	_ =	swait.ge [sflag:s23], $0x2780  }
0x97: {  	[sflag:s23] =	ssyncset.done $0x0  }
0x98: {  	s17 =	rddreg [dreg:$0x8];
	[sflag:s23] =	ssyncadd.s32 $0xFFFFD880  }
0x99: {  	[tilespmem:s26], [sflag:$0xD] =	stream.linear.gather [hbm4b:s17+s3], $0x2780, $0x38;
	[tilespmem:$0x19700] =	vst v63  }
0x9a: {  	_ =	swait.ge [sflag:s23], $0x2780  }
0x9b: {  	[sflag:s23] =	ssyncset.done $0x0  }
0x9c: {  	s18 =	rddreg [dreg:$0x7];
	[sflag:s23] =	ssyncadd.s32 $0xFFFFD880  }
0x9d: {  	[tilespmem:s3], [sflag:$0x1] =	stream.linear.gather [hbm4b:s18+s3], $0x50, $0x38;
	[tilespmem:$0x19700] =	vst v63  }
0x9e: {  	s19 =	rddreg [dreg:$0x9];
	s23 =	simm.s32 $0x80  }
0x9f: {  	[tilespmem:s23], [sflag:$0x2] =	stream.linear.gather [hbm4b:s19+s3], $0x50, $0x38;
	[tilespmem:$0x19700] =	vst v63  }
.Ltmp2:
0xa0: {  	s17 =	rddreg [dreg:$0xa];
	(pc) =	sbr.rel .LBB2_2-.Ltmp2, $4  }
0xa1: {  	s16 =	simm.s32 $0x0;
	s15 =	rddreg [dreg:$0x17];
	s18 =	simm.s32 $0x100  }
0xa2: {  	[tilespmem:s18], [sflag:$0x3] =	stream.linear.gather [hbm4b:s17+s3], $0x50, $0x38;
	[tilespmem:$0x19700] =	vst v63  }
0xa3: {  	s19 =	rddreg [dreg:$0xb];
	s23 =	simm.s32 $0x180;
	s17 =	simm.s32 $0x0  }
0xa4: {  	[tilespmem:s23], [sflag:$0x4] =	stream.linear.gather [hbm4b:s19+s3], $0x50, $0x38;
	[tilespmem:$0x19700] =	vst v63  }
.LBB2_7:
0xa5: {  	s18 =	simm.s32 $0x300  }
0xa6: {  	[tilespmem:s6], [sflag:$0x7] =	stream.indirect.gather [hbm4b:s1+s2], $0x80, s18, s2, $0xb8;
	[tilespmem:$0x19700] =	vst v63  }
0xa7: {  	s23 =	simm.s32 $0x500  }
0xa8: {  	[tilespmem:s28], [sflag:$0x7] =	stream.indirect.gather [hbm4b:s1+s2], $0x80, s23, s2, $0xb8;
	[tilespmem:$0x19700] =	vst v63  }
.LBB2_9:
0xa9: {  	_ =	swait.ge [sflag:s29], $0x2800  }
0xaa: {  	[sflag:s29] =	ssyncset.done $0x0  }
0xab: {  	[sflag:s29] =	ssyncadd.s32 $0xFFFFD800  }
0xac: {  	_ =	swait.ge [sflag:s29], $0x2800  }
0xad: {  	[sflag:s29] =	ssyncset.done $0x0  }
0xae: {  	[sflag:s29] =	ssyncadd.s32 $0xFFFFD800  }
0xaf: {  	_ =	swait.ge [sflag:s29], $0x50  }
0xb0: {  	[sflag:s29] =	ssyncset.done $0x0  }
0xb1: {  	[sflag:s29] =	ssyncadd.s32 $0xFFFFFFB0  }
.LBB2_10:
0xb2: {  	_ =	swait.ge [sflag:s20], $0x50  }
0xb3: {  	[sflag:s20] =	ssyncset.done $0x0  }
0xb4: {  	[sflag:s20] =	ssyncadd.s32 $0xFFFFFFB0  }
0xb5: {  	v0 =	vld [tilespmem:$0x180];
	_ =	sdelay $0x1  }
0xb6: {  	v1 =	vld [tilespmem:$0x190];
	_ =	sdelay $0x1  }
0xb7: {  	v2 =	vld [tilespmem:$0x1A0]  }
0xb8: {  	v3 =	vand.u32 $0xFFFF, v0  }
0xb9: {  	v58 =	vld [tilespmem:$0x1B0];
	v0 =	vshrl.u32 v0, $0x10;
	[tilespmem:$0x380] =	vst v3  }
0xba: {  	v59 =	vand.u32 $0xFFFF, v1;
	[tilespmem:$0x580] =	vst v0  }
0xbb: {  	v61 =	vld [tilespmem:$0x1C0];
	v60 =	vshrl.u32 v1, $0x10;
	[tilespmem:$0x390] =	vst v59  }
0xbc: {  	v62 =	vand.u32 $0xFFFF, v2;
	[tilespmem:$0x590] =	vst v60  }
0xbd: {  	v63 =	vshrl.u32 v2, $0x10;
	[tilespmem:$0x3A0] =	vst v62  }
0xbe: {  	v4 =	vand.u32 $0xFFFF, v58;
	[tilespmem:$0x5A0] =	vst v63  }
0xbf: {  	v5 =	vshrl.u32 v58, $0x10;
	[tilespmem:$0x3B0] =	vst v4  }
0xc0: {  	v6 =	vand.u32 $0xFFFF, v61;
	[tilespmem:$0x5B0] =	vst v5  }
0xc1: {  	p0 =	seq.s32 s17, $0x4B000;
	s18 =	rddreg [dreg:$0x14];
	v7 =	vshrl.u32 v61, $0x10;
	[tilespmem:$0x3C0] =	vst v6  }
0xc2: {  	s19 =	simm.s32 @!p0 $0x0;
	s23 =	simm.s32 @!p0 $0x180;
	s18 =	sadd.s32 @!p0 s16, s18;
	[tilespmem:$0x5C0] =	vst v7  }
0xc3: {  	[tilespmem:s23], [sflag:$0x4] =	stream.linear.gather @!p0 [hbm4b:s18+s19], $0x50, $0x38;
	[tilespmem:$0x19700] =	vst v63  }
0xc4: {  	s19 =	simm.s32 $0x380  }
0xc5: {  	[tilespmem:s9], [sflag:$0x8] =	stream.indirect.gather [hbm4b:s1+s2], $0x80, s19, s2, $0xb8;
	[tilespmem:$0x19700] =	vst v63  }
0xc6: {  	s23 =	simm.s32 $0x580  }
0xc7: {  	[tilespmem:s22], [sflag:$0x8] =	stream.indirect.gather [hbm4b:s1+s2], $0x80, s23, s2, $0xb8;
	[tilespmem:$0x19700] =	vst v63  }
0xc8: {  	v8 =	vld [tilespmem:$0x200]  }
0xc9: {  	v9 =	vld [tilespmem:$0x400];
	_ =	sdelay $0x5  }
0xca: {  	v10 =	vld [tilespmem:$0x210]  }
0xcb: {  	v0 =	vld.idx.msk [tilespmem:v8+s24+$0x0], $0xffff  }
0xcc: {  	v1 =	vld.idx.msk [tilespmem:v9+s26+$0x0], $0xffff  }
0xcd: {  	v11 =	vld [tilespmem:$0x410];
	_ =	sdelay $0x3  }
0xce: {  	v0 =	vadd.f32 v1, v0;
	_ =	sdelay $0x1  }
0xcf: {  	v13 =	vld [tilespmem:$0x220];
	[tilespmem:$0x14600] =	vst v0  }
0xd0: {  	v0 =	vld.idx.msk [tilespmem:v10+s24+$0x0], $0xffff  }
0xd1: {  	v12 =	vld.idx.msk [tilespmem:v11+s26+$0x0], $0xffff  }
0xd2: {  	v14 =	vld [tilespmem:$0x420];
	_ =	sdelay $0x3  }
0xd3: {  	v0 =	vadd.f32 v12, v0;
	_ =	sdelay $0x1  }
0xd4: {  	v16 =	vld [tilespmem:$0x230];
	[tilespmem:$0x14610] =	vst v0  }
0xd5: {  	v0 =	vld.idx.msk [tilespmem:v13+s24+$0x0], $0xffff  }
0xd6: {  	v15 =	vld.idx.msk [tilespmem:v14+s26+$0x0], $0xffff  }
0xd7: {  	v17 =	vld [tilespmem:$0x430];
	_ =	sdelay $0x3  }
0xd8: {  	v0 =	vadd.f32 v15, v0;
	_ =	sdelay $0x1  }
0xd9: {  	v19 =	vld [tilespmem:$0x240];
	[tilespmem:$0x14620] =	vst v0  }
0xda: {  	v0 =	vld.idx.msk [tilespmem:v16+s24+$0x0], $0xffff  }
0xdb: {  	v18 =	vld.idx.msk [tilespmem:v17+s26+$0x0], $0xffff  }
0xdc: {  	v20 =	vld [tilespmem:$0x440];
	_ =	sdelay $0x3  }
0xdd: {  	v0 =	vadd.f32 v18, v0;
	_ =	sdelay $0x1  }
0xde: {  	[tilespmem:$0x14630] =	vst v0  }
0xdf: {  	v0 =	vld.idx.msk [tilespmem:v19+s24+$0x0], $0xffff  }
0xe0: {  	v21 =	vld.idx.msk [tilespmem:v20+s26+$0x0], $0xffff;
	_ =	sdelay $0x4  }
0xe1: {  	v0 =	vadd.f32 v21, v0;
	_ =	sdelay $0x1  }
0xe2: {  	[tilespmem:$0x14640] =	vst v0  }
0xe3: {  	_ =	swait.ge [sflag:s25], $0x2800  }
0xe4: {  	[sflag:s25] =	ssyncset.done $0x0  }
0xe5: {  	[sflag:s25] =	ssyncadd.s32 $0xFFFFD800  }
0xe6: {  	_ =	swait.ge [sflag:s25], $0x2800  }
0xe7: {  	[sflag:s25] =	ssyncset.done $0x0;
	s19 =	rddreg [dreg:$0x10]  }
0xe8: {  	[sflag:s25] =	ssyncadd.s32 $0xFFFFD800;
	s18 =	sadd.s32 s17, s19  }
0xe9: {  	[hbm4b:s18+s5] =	stream.strided.scatter [tilespmem:s30], [sflag:$0x9], $0x2800, s21, s5, $0x38;
	[tilespmem:$0x19700] =	vst v63  }
0xea: {  	s23 =	sadd.s32 $0x80, s18  }
0xeb: {  	[hbm4b:s23+s5] =	stream.strided.scatter [tilespmem:s7], [sflag:$0x9], $0x2800, s21, s5, $0x38;
	[tilespmem:$0x19700] =	vst v63  }
0xec: {  	s23 =	rddreg [dreg:$0x18]  }
0xed: {  	s19 =	sadd.s32 s16, s23;
	s23 =	simm.s32 $0x14600  }
0xee: {  	[hbm4b:s19+s3] =	stream.linear.scatter [tilespmem:s23], [sflag:$0x9], $0x50, $0x38;
	[tilespmem:$0x19700] =	vst v63  }
0xef: {  	v22 =	vld [tilespmem:$0x280]  }
0xf0: {  	v23 =	vld [tilespmem:$0x480];
	_ =	sdelay $0x5  }
0xf1: {  	v24 =	vld [tilespmem:$0x290]  }
0xf2: {  	v0 =	vld.idx.msk [tilespmem:v22+s24+$0x0], $0xffff  }
0xf3: {  	v1 =	vld.idx.msk [tilespmem:v23+s26+$0x0], $0xffff  }
0xf4: {  	v25 =	vld [tilespmem:$0x490];
	_ =	sdelay $0x3  }
0xf5: {  	v0 =	vadd.f32 v1, v0;
	_ =	sdelay $0x1  }
0xf6: {  	v27 =	vld [tilespmem:$0x2A0];
	[tilespmem:$0x14680] =	vst v0  }
0xf7: {  	v0 =	vld.idx.msk [tilespmem:v24+s24+$0x0], $0xffff  }
0xf8: {  	v26 =	vld.idx.msk [tilespmem:v25+s26+$0x0], $0xffff  }
0xf9: {  	v28 =	vld [tilespmem:$0x4A0];
	_ =	sdelay $0x3  }
0xfa: {  	v0 =	vadd.f32 v26, v0;
	_ =	sdelay $0x1  }
0xfb: {  	v30 =	vld [tilespmem:$0x2B0];
	[tilespmem:$0x14690] =	vst v0  }
0xfc: {  	v0 =	vld.idx.msk [tilespmem:v27+s24+$0x0], $0xffff  }
0xfd: {  	v29 =	vld.idx.msk [tilespmem:v28+s26+$0x0], $0xffff  }
0xfe: {  	v31 =	vld [tilespmem:$0x4B0];
	_ =	sdelay $0x3  }
0xff: {  	v0 =	vadd.f32 v29, v0;
	_ =	sdelay $0x1  }
0x100: {  	v33 =	vld [tilespmem:$0x2C0];
	[tilespmem:$0x146A0] =	vst v0  }
0x101: {  	v0 =	vld.idx.msk [tilespmem:v30+s24+$0x0], $0xffff  }
0x102: {  	v32 =	vld.idx.msk [tilespmem:v31+s26+$0x0], $0xffff  }
0x103: {  	v34 =	vld [tilespmem:$0x4C0];
	_ =	sdelay $0x3  }
0x104: {  	v0 =	vadd.f32 v32, v0;
	_ =	sdelay $0x1  }
0x105: {  	[tilespmem:$0x146B0] =	vst v0  }
0x106: {  	v0 =	vld.idx.msk [tilespmem:v33+s24+$0x0], $0xffff  }
0x107: {  	v35 =	vld.idx.msk [tilespmem:v34+s26+$0x0], $0xffff;
	_ =	sdelay $0x4  }
0x108: {  	v0 =	vadd.f32 v35, v0;
	_ =	sdelay $0x1  }
0x109: {  	[tilespmem:$0x146C0] =	vst v0  }
0x10a: {  	_ =	swait.ge [sflag:s12], $0x2800  }
0x10b: {  	[sflag:s12] =	ssyncset.done $0x0  }
0x10c: {  	[sflag:s12] =	ssyncadd.s32 $0xFFFFD800  }
0x10d: {  	_ =	swait.ge [sflag:s12], $0x2800  }
0x10e: {  	[sflag:s12] =	ssyncset.done $0x0  }
0x10f: {  	s23 =	sadd.s32 $0xA00, s18;
	[sflag:s12] =	ssyncadd.s32 $0xFFFFD800  }
0x110: {  	[hbm4b:s23+s5] =	stream.strided.scatter [tilespmem:s10], [sflag:$0xA], $0x2800, s21, s5, $0x38;
	[tilespmem:$0x19700] =	vst v63  }
0x111: {  	s23 =	sadd.s32 $0xA80, s18  }
0x112: {  	[hbm4b:s23+s5] =	stream.strided.scatter [tilespmem:s13], [sflag:$0xA], $0x2800, s21, s5, $0x38;
	[tilespmem:$0x19700] =	vst v63  }
0x113: {  	s23 =	rddreg [dreg:$0x13]  }
0x114: {  	s19 =	sadd.s32 s16, s23;
	s23 =	simm.s32 $0x14680  }
0x115: {  	[hbm4b:s19+s3] =	stream.linear.scatter [tilespmem:s23], [sflag:$0xA], $0x50, $0x38;
	[tilespmem:$0x19700] =	vst v63  }
0x116: {  	v36 =	vld [tilespmem:$0x300]  }
0x117: {  	v37 =	vld [tilespmem:$0x500];
	_ =	sdelay $0x5  }
0x118: {  	v38 =	vld [tilespmem:$0x310]  }
0x119: {  	v0 =	vld.idx.msk [tilespmem:v36+s24+$0x0], $0xffff  }
0x11a: {  	v1 =	vld.idx.msk [tilespmem:v37+s26+$0x0], $0xffff  }
0x11b: {  	v39 =	vld [tilespmem:$0x510];
	_ =	sdelay $0x3  }
0x11c: {  	v0 =	vadd.f32 v1, v0;
	_ =	sdelay $0x1  }
0x11d: {  	v41 =	vld [tilespmem:$0x320];
	[tilespmem:$0x14700] =	vst v0  }
0x11e: {  	v0 =	vld.idx.msk [tilespmem:v38+s24+$0x0], $0xffff  }
0x11f: {  	v40 =	vld.idx.msk [tilespmem:v39+s26+$0x0], $0xffff  }
0x120: {  	v42 =	vld [tilespmem:$0x520];
	_ =	sdelay $0x3  }
0x121: {  	v0 =	vadd.f32 v40, v0;
	_ =	sdelay $0x1  }
0x122: {  	v44 =	vld [tilespmem:$0x330];
	[tilespmem:$0x14710] =	vst v0  }
0x123: {  	v0 =	vld.idx.msk [tilespmem:v41+s24+$0x0], $0xffff  }
0x124: {  	v43 =	vld.idx.msk [tilespmem:v42+s26+$0x0], $0xffff  }
0x125: {  	v45 =	vld [tilespmem:$0x530];
	_ =	sdelay $0x3  }
0x126: {  	v0 =	vadd.f32 v43, v0;
	_ =	sdelay $0x1  }
0x127: {  	v47 =	vld [tilespmem:$0x340];
	[tilespmem:$0x14720] =	vst v0  }
0x128: {  	v0 =	vld.idx.msk [tilespmem:v44+s24+$0x0], $0xffff  }
0x129: {  	v46 =	vld.idx.msk [tilespmem:v45+s26+$0x0], $0xffff  }
0x12a: {  	v48 =	vld [tilespmem:$0x540];
	_ =	sdelay $0x3  }
0x12b: {  	v0 =	vadd.f32 v46, v0;
	_ =	sdelay $0x1  }
0x12c: {  	[tilespmem:$0x14730] =	vst v0  }
0x12d: {  	v0 =	vld.idx.msk [tilespmem:v47+s24+$0x0], $0xffff  }
0x12e: {  	v49 =	vld.idx.msk [tilespmem:v48+s26+$0x0], $0xffff;
	_ =	sdelay $0x4  }
0x12f: {  	v0 =	vadd.f32 v49, v0;
	_ =	sdelay $0x1  }
0x130: {  	[tilespmem:$0x14740] =	vst v0  }
0x131: {  	_ =	swait.ge [sflag:s0], $0x2800  }
0x132: {  	[sflag:s0] =	ssyncset.done $0x0  }
0x133: {  	[sflag:s0] =	ssyncadd.s32 $0xFFFFD800  }
0x134: {  	_ =	swait.ge [sflag:s0], $0x2800  }
0x135: {  	[sflag:s0] =	ssyncset.done $0x0  }
0x136: {  	s23 =	sadd.s32 $0x1400, s18;
	[sflag:s0] =	ssyncadd.s32 $0xFFFFD800  }
0x137: {  	[hbm4b:s23+s5] =	stream.strided.scatter [tilespmem:s6], [sflag:$0xB], $0x2800, s21, s5, $0x38;
	[tilespmem:$0x19700] =	vst v63  }
0x138: {  	s23 =	sadd.s32 $0x1480, s18  }
0x139: {  	[hbm4b:s23+s5] =	stream.strided.scatter [tilespmem:s28], [sflag:$0xB], $0x2800, s21, s5, $0x38;
	[tilespmem:$0x19700] =	vst v63  }
0x13a: {  	s23 =	rddreg [dreg:$0x12]  }
0x13b: {  	s19 =	sadd.s32 s16, s23;
	s23 =	simm.s32 $0x14700  }
0x13c: {  	[hbm4b:s19+s3] =	stream.linear.scatter [tilespmem:s23], [sflag:$0xB], $0x50, $0x38;
	[tilespmem:$0x19700] =	vst v63  }
0x13d: {  	v50 =	vld [tilespmem:$0x380]  }
0x13e: {  	v51 =	vld [tilespmem:$0x580];
	_ =	sdelay $0x5  }
0x13f: {  	v52 =	vld [tilespmem:$0x390]  }
0x140: {  	v0 =	vld.idx.msk [tilespmem:v50+s24+$0x0], $0xffff  }
0x141: {  	v1 =	vld.idx.msk [tilespmem:v51+s26+$0x0], $0xffff  }
0x142: {  	v53 =	vld [tilespmem:$0x590];
	_ =	sdelay $0x3  }
0x143: {  	v0 =	vadd.f32 v1, v0;
	_ =	sdelay $0x1  }
0x144: {  	v55 =	vld [tilespmem:$0x3A0];
	[tilespmem:$0x14780] =	vst v0  }
0x145: {  	v0 =	vld.idx.msk [tilespmem:v52+s24+$0x0], $0xffff  }
0x146: {  	v54 =	vld.idx.msk [tilespmem:v53+s26+$0x0], $0xffff  }
0x147: {  	v56 =	vld [tilespmem:$0x5A0];
	_ =	sdelay $0x3  }
0x148: {  	v0 =	vadd.f32 v54, v0;
	_ =	sdelay $0x1  }
0x149: {  	v58 =	vld [tilespmem:$0x3B0];
	[tilespmem:$0x14790] =	vst v0  }
0x14a: {  	v0 =	vld.idx.msk [tilespmem:v55+s24+$0x0], $0xffff  }
0x14b: {  	v57 =	vld.idx.msk [tilespmem:v56+s26+$0x0], $0xffff  }
0x14c: {  	v59 =	vld [tilespmem:$0x5B0];
	_ =	sdelay $0x3  }
0x14d: {  	v0 =	vadd.f32 v57, v0;
	_ =	sdelay $0x1  }
0x14e: {  	v61 =	vld [tilespmem:$0x3C0];
	[tilespmem:$0x147A0] =	vst v0  }
0x14f: {  	v0 =	vld.idx.msk [tilespmem:v58+s24+$0x0], $0xffff  }
0x150: {  	v60 =	vld.idx.msk [tilespmem:v59+s26+$0x0], $0xffff  }
0x151: {  	v62 =	vld [tilespmem:$0x5C0];
	_ =	sdelay $0x3  }
0x152: {  	v0 =	vadd.f32 v60, v0;
	_ =	sdelay $0x1  }
0x153: {  	[tilespmem:$0x147B0] =	vst v0  }
0x154: {  	v0 =	vld.idx.msk [tilespmem:v61+s24+$0x0], $0xffff  }
0x155: {  	v63 =	vld.idx.msk [tilespmem:v62+s26+$0x0], $0xffff;
	_ =	sdelay $0x4  }
0x156: {  	v0 =	vadd.f32 v63, v0;
	_ =	sdelay $0x1  }
0x157: {  	[tilespmem:$0x147C0] =	vst v0  }
0x158: {  	_ =	swait.ge [sflag:s4], $0x2800  }
0x159: {  	[sflag:s4] =	ssyncset.done $0x0  }
0x15a: {  	[sflag:s4] =	ssyncadd.s32 $0xFFFFD800  }
0x15b: {  	_ =	swait.ge [sflag:s4], $0x2800  }
0x15c: {  	s17 =	sadd.s32 $0x2800, s17;
	[sflag:s4] =	ssyncset.done $0x0  }
0x15d: {  	p0 =	sne.s32 s17, $0x4D800;
	s23 =	sadd.s32 $0x1E00, s18;
	[sflag:s4] =	ssyncadd.s32 $0xFFFFD800  }
0x15e: {  	[hbm4b:s23+s5] =	stream.strided.scatter [tilespmem:s9], [sflag:$0xC], $0x2800, s21, s5, $0x38;
	[tilespmem:$0x19700] =	vst v63  }
.Ltmp3:
0x15f: {  	_ = 	snop;
	(pc) =	sbr.rel @!p0 .LBB2_11-.Ltmp3, $4  }
0x160: {  	s15 =	sadd.s32 $0x140, s15;
	s18 =	sadd.s32 $0x1E80, s18;
	s19 =	rddreg [dreg:$0x11]  }
0x161: {  	[hbm4b:s18+s5] =	stream.strided.scatter [tilespmem:s22], [sflag:$0xC], $0x2800, s21, s5, $0x38;
	[tilespmem:$0x19700] =	vst v63  }
0x162: {  	s23 =	simm.s32 $0x14780;
	s18 =	sadd.s32 s16, s19;
	s16 =	sadd.s32 $0x28, s16  }
0x163: {  	[hbm4b:s18+s3] =	stream.linear.scatter [tilespmem:s23], [sflag:$0xC], $0x50, $0x38;
	[tilespmem:$0x19700] =	vst v63  }
.LBB2_2:
0x164: {  	p0 =	seq.s32 s17, $0x0  }
0x165: {  	s18 =	simm.s32 @!p0 $0x9  }
0x166: {  	_ =	swait.ge @!p0 [sflag:s18], $0x2800  }
0x167: {  	[sflag:s18] =	ssyncset.done @!p0 $0x0  }
0x168: {  	[sflag:s18] =	ssyncadd.s32 @!p0 $0xFFFFD800  }
0x169: {  	_ =	swait.ge @!p0 [sflag:s18], $0x2800  }
0x16a: {  	[sflag:s18] =	ssyncset.done @!p0 $0x0  }
0x16b: {  	[sflag:s18] =	ssyncadd.s32 @!p0 $0xFFFFD800  }
0x16c: {  	_ =	swait.ge @!p0 [sflag:s18], $0x50  }
0x16d: {  	[sflag:s18] =	ssyncset.done @!p0 $0x0  }
0x16e: {  	[sflag:s18] =	ssyncadd.s32 @!p0 $0xFFFFFFB0  }
0x16f: {  	_ =	swait.ge [sflag:s31], $0x50  }
0x170: {  	[sflag:s31] =	ssyncset.done $0x0  }
0x171: {  	[sflag:s31] =	ssyncadd.s32 $0xFFFFFFB0  }
0x172: {  	v0 =	vld [tilespmem:$0x0];
	_ =	sdelay $0x1  }
0x173: {  	v1 =	vld [tilespmem:$0x10];
	_ =	sdelay $0x1  }
0x174: {  	v2 =	vld [tilespmem:$0x20]  }
0x175: {  	v3 =	vand.u32 $0xFFFF, v0  }
0x176: {  	v40 =	vld [tilespmem:$0x30];
	v0 =	vshrl.u32 v0, $0x10;
	[tilespmem:$0x200] =	vst v3  }
0x177: {  	v41 =	vand.u32 $0xFFFF, v1;
	[tilespmem:$0x400] =	vst v0  }
0x178: {  	v43 =	vld [tilespmem:$0x40];
	v42 =	vshrl.u32 v1, $0x10;
	[tilespmem:$0x210] =	vst v41  }
0x179: {  	v44 =	vand.u32 $0xFFFF, v2;
	[tilespmem:$0x410] =	vst v42  }
0x17a: {  	v45 =	vshrl.u32 v2, $0x10;
	[tilespmem:$0x220] =	vst v44  }
0x17b: {  	v46 =	vand.u32 $0xFFFF, v40;
	[tilespmem:$0x420] =	vst v45  }
0x17c: {  	v47 =	vshrl.u32 v40, $0x10;
	[tilespmem:$0x230] =	vst v46  }
0x17d: {  	v48 =	vand.u32 $0xFFFF, v43;
	[tilespmem:$0x430] =	vst v47  }
0x17e: {  	s23 =	sshrl.u32 s15, $0x3;
	s19 =	rddreg [dreg:$0x5];
	v49 =	vshrl.u32 v43, $0x10;
	[tilespmem:$0x240] =	vst v48  }
0x17f: {  	s18 =	sadd.s32 s19, s23;
	[tilespmem:$0x440] =	vst v49  }
0x180: {  	[tilespmem:s3], [sflag:$0x1] =	stream.linear.gather [hbm4b:s18+s3], $0x50, $0x38;
	[tilespmem:$0x19700] =	vst v63  }
0x181: {  	s23 =	simm.s32 $0x200  }
0x182: {  	[tilespmem:s30], [sflag:$0x5] =	stream.indirect.gather [hbm4b:s1+s2], $0x80, s23, s2, $0xb8;
	[tilespmem:$0x19700] =	vst v63  }
0x183: {  	s18 =	simm.s32 @!p0 $0xA  }
0x184: {  	[tilespmem:s7], [sflag:$0x5] =	stream.indirect.gather [hbm4b:s1+s2], $0x80, s5, s2, $0xb8;
	[tilespmem:$0x19700] =	vst v63  }
0x185: {  	_ =	swait.ge @!p0 [sflag:s18], $0x2800  }
0x186: {  	[sflag:s18] =	ssyncset.done @!p0 $0x0  }
0x187: {  	[sflag:s18] =	ssyncadd.s32 @!p0 $0xFFFFD800  }
0x188: {  	_ =	swait.ge @!p0 [sflag:s18], $0x2800  }
0x189: {  	[sflag:s18] =	ssyncset.done @!p0 $0x0  }
0x18a: {  	[sflag:s18] =	ssyncadd.s32 @!p0 $0xFFFFD800  }
0x18b: {  	_ =	swait.ge @!p0 [sflag:s18], $0x50  }
0x18c: {  	[sflag:s18] =	ssyncset.done @!p0 $0x0  }
0x18d: {  	[sflag:s18] =	ssyncadd.s32 @!p0 $0xFFFFFFB0  }
0x18e: {  	_ =	swait.ge [sflag:s8], $0x50  }
0x18f: {  	[sflag:s8] =	ssyncset.done $0x0  }
0x190: {  	[sflag:s8] =	ssyncadd.s32 $0xFFFFFFB0  }
0x191: {  	v50 =	vld [tilespmem:$0x80];
	_ =	sdelay $0x1  }
0x192: {  	v51 =	vld [tilespmem:$0x90];
	_ =	sdelay $0x1  }
0x193: {  	v52 =	vld [tilespmem:$0xA0]  }
0x194: {  	v53 =	vand.u32 $0xFFFF, v50  }
0x195: {  	v54 =	vld [tilespmem:$0xB0];
	v0 =	vshrl.u32 v50, $0x10;
	[tilespmem:$0x280] =	vst v53  }
0x196: {  	v55 =	vand.u32 $0xFFFF, v51;
	[tilespmem:$0x480] =	vst v0  }
0x197: {  	v57 =	vld [tilespmem:$0xC0];
	v56 =	vshrl.u32 v51, $0x10;
	[tilespmem:$0x290] =	vst v55  }
0x198: {  	v58 =	vand.u32 $0xFFFF, v52;
	[tilespmem:$0x490] =	vst v56  }
0x199: {  	p1 =	sne.s32 s17, $0x4B000;
	v59 =	vshrl.u32 v52, $0x10;
	[tilespmem:$0x2A0] =	vst v58  }
.Ltmp4:
0x19a: {  	v60 =	vand.u32 $0xFFFF, v54;
	[tilespmem:$0x4A0] =	vst v59;
	(pc) =	sbr.rel @p1 .LBB2_4-.Ltmp4, $4  }
0x19b: {  	v61 =	vshrl.u32 v54, $0x10;
	[tilespmem:$0x2B0] =	vst v60  }
0x19c: {  	v62 =	vand.u32 $0xFFFF, v57;
	[tilespmem:$0x4B0] =	vst v61  }
0x19d: {  	v63 =	vshrl.u32 v57, $0x10;
	[tilespmem:$0x2C0] =	vst v62  }
0x19e: {  	[tilespmem:$0x4C0] =	vst v63  }
.Ltmp5:
0x19f: {  	(pc) =	sbr.rel .LBB2_5-.Ltmp5, $4  }
0x1a0: {  	s18 =	simm.s32 $0x280  }
0x1a1: {  	[tilespmem:s10], [sflag:$0x6] =	stream.indirect.gather [hbm4b:s1+s2], $0x80, s18, s2, $0xb8;
	[tilespmem:$0x19700] =	vst v63  }
0x1a2: {  	s23 =	simm.s32 $0x480  }
0x1a3: {  	[tilespmem:s13], [sflag:$0x6] =	stream.indirect.gather [hbm4b:s1+s2], $0x80, s23, s2, $0xb8;
	[tilespmem:$0x19700] =	vst v63  }
.LBB2_4:
0x1a4: {  	s18 =	rddreg [dreg:$0x16]  }
0x1a5: {  	s19 =	simm.s32 $0x80;
	s18 =	sadd.s32 s16, s18  }
0x1a6: {  	[tilespmem:s19], [sflag:$0x2] =	stream.linear.gather [hbm4b:s18+s3], $0x50, $0x38;
	[tilespmem:$0x19700] =	vst v63  }
.Ltmp6:
0x1a7: {  	_ = 	snop;
	(pc) =	sbr.rel @p0 .LBB2_6-.Ltmp6, $4  }
0x1a8: {  	s19 =	simm.s32 $0x280  }
0x1a9: {  	[tilespmem:s10], [sflag:$0x6] =	stream.indirect.gather [hbm4b:s1+s2], $0x80, s19, s2, $0xb8;
	[tilespmem:$0x19700] =	vst v63  }
0x1aa: {  	s23 =	simm.s32 $0x480  }
0x1ab: {  	[tilespmem:s13], [sflag:$0x6] =	stream.indirect.gather [hbm4b:s1+s2], $0x80, s23, s2, $0xb8;
	[tilespmem:$0x19700] =	vst v63  }
.LBB2_5:
0x1ac: {  	_ =	swait.ge [sflag:s14], $0x2800  }
0x1ad: {  	[sflag:s14] =	ssyncset.done $0x0  }
0x1ae: {  	[sflag:s14] =	ssyncadd.s32 $0xFFFFD800  }
0x1af: {  	_ =	swait.ge [sflag:s14], $0x2800  }
0x1b0: {  	[sflag:s14] =	ssyncset.done $0x0  }
0x1b1: {  	[sflag:s14] =	ssyncadd.s32 $0xFFFFD800  }
0x1b2: {  	_ =	swait.ge [sflag:s14], $0x50  }
0x1b3: {  	[sflag:s14] =	ssyncset.done $0x0  }
0x1b4: {  	[sflag:s14] =	ssyncadd.s32 $0xFFFFFFB0  }
.LBB2_6:
0x1b5: {  	_ =	swait.ge [sflag:s11], $0x50  }
0x1b6: {  	[sflag:s11] =	ssyncset.done $0x0  }
0x1b7: {  	[sflag:s11] =	ssyncadd.s32 $0xFFFFFFB0  }
0x1b8: {  	v0 =	vld [tilespmem:$0x100];
	_ =	sdelay $0x1  }
0x1b9: {  	v1 =	vld [tilespmem:$0x110];
	_ =	sdelay $0x1  }
0x1ba: {  	v2 =	vld [tilespmem:$0x120]  }
0x1bb: {  	v3 =	vand.u32 $0xFFFF, v0  }
0x1bc: {  	v54 =	vld [tilespmem:$0x130];
	v0 =	vshrl.u32 v0, $0x10;
	[tilespmem:$0x300] =	vst v3  }
0x1bd: {  	v55 =	vand.u32 $0xFFFF, v1;
	[tilespmem:$0x500] =	vst v0  }
0x1be: {  	v57 =	vld [tilespmem:$0x140];
	v56 =	vshrl.u32 v1, $0x10;
	[tilespmem:$0x310] =	vst v55  }
0x1bf: {  	v58 =	vand.u32 $0xFFFF, v2;
	[tilespmem:$0x510] =	vst v56  }
0x1c0: {  	v59 =	vshrl.u32 v2, $0x10;
	[tilespmem:$0x320] =	vst v58  }
.Ltmp7:
0x1c1: {  	v60 =	vand.u32 $0xFFFF, v54;
	[tilespmem:$0x520] =	vst v59;
	(pc) =	sbr.rel @!p1 .LBB2_7-.Ltmp7, $4  }
0x1c2: {  	v61 =	vshrl.u32 v54, $0x10;
	[tilespmem:$0x330] =	vst v60  }
0x1c3: {  	v62 =	vand.u32 $0xFFFF, v57;
	[tilespmem:$0x530] =	vst v61  }
0x1c4: {  	v63 =	vshrl.u32 v57, $0x10;
	[tilespmem:$0x340] =	vst v62  }
0x1c5: {  	[tilespmem:$0x540] =	vst v63  }
0x1c6: {  	s18 =	rddreg [dreg:$0x15]  }
0x1c7: {  	s19 =	simm.s32 $0x100;
	s18 =	sadd.s32 s16, s18  }
0x1c8: {  	[tilespmem:s19], [sflag:$0x3] =	stream.linear.gather [hbm4b:s18+s3], $0x50, $0x38;
	[tilespmem:$0x19700] =	vst v63  }
.Ltmp8:
0x1c9: {  	_ = 	snop;
	(pc) =	sbr.rel @!p0 .LBB2_9-.Ltmp8, $4  }
.Ltmp9:
0x1ca: {  	s19 =	simm.s32 $0x300;
	(pc) =	sbr.rel @p0 .LBB2_10-.Ltmp9, $4  }
0x1cb: {  	[tilespmem:s6], [sflag:$0x7] =	stream.indirect.gather [hbm4b:s1+s2], $0x80, s19, s2, $0xb8;
	[tilespmem:$0x19700] =	vst v63  }
0x1cc: {  	s23 =	simm.s32 $0x500  }
0x1cd: {  	[tilespmem:s28], [sflag:$0x7] =	stream.indirect.gather [hbm4b:s1+s2], $0x80, s23, s2, $0xb8;
	[tilespmem:$0x19700] =	vst v63  }
0x1ce: {  	_ = 	snop  }
.LBB2_12:
0x1cf: {  	_ =	sfence.sel $0x180000  }
0x1d0: {  	[bflag:$0x0] =	sbarrier.arrive $0xFFFF  }
0x1d1: {  	_ =	strace $0x9000004A  }
0x1d2: {  	s0 =	stileid.u32;
	[bflag:$0x2] =	sbarrier.arrive $0xFFFF  }
0x1d3: {  	p0 =	sne.s32 s0, $0x0;
	s0 =	rddreg [dreg:$0x4]  }
0x1d4: {  	s0 =	sadd.s32 @!p0 $0x100000, s0  }
0x1d5: {  	[sflag:s0] =	ssyncadd.tile.s32 @!p0 $0x1;
	_ =	shalt  }
.Lfunc_end2:
_tile_overlayer_lowered:
.L_overlay_start_2:
0x1d6: {  	(tag) =	ssettag $0x2  }
0x1d7: {  	s0 =	rddreg [dreg:$0x0];
	s2 =	stileid.u32  }
0x1d8: {  	s1 =	rddreg [dreg:$0x1];
	p0 =	sne.s32 s2, $0x0  }
0x1d9: {  	s3 =	rddreg [dreg:$0x2];
	[bflag:$0x3] =	sbarrier.arrive $0xFFFF;
	s2 =	simm.s32 @!p0 $0x1C0D  }
0x1da: {  	[timem:s3], [sflag:s2] =	dma.local @!p0 [hbm:s0], s1  }
0x1db: {  	s0 =	simm.s32 @!p0 $0xD  }
0x1dc: {  	_ =	swait.ge @!p0 [sflag:s0], s1  }
0x1dd: {  	s1 =	ssub.s32 @!p0 $0x0, s1;
	[sflag:s0] =	ssyncset.done @!p0 $0x0  }
0x1de: {  	[sflag:s0] =	ssyncadd.s32 @!p0 s1  }
0x1df: {  	[bflag:$0x3] =	sbarrier.arrive $0xFFFF  }
0x1e0: {  	_ =	shalt  }

</sc_bundles>
